<compile_context>
chip_gen: v7x
topology: tpu7x:2x2x1
jax: 0.10.2.dev20260603
libtpu: 0.0.44.dev20260713+nightly
codegen_flags: <defaults>
</compile_context>

<pallas_src>
import functools

import jax
import jax.numpy as jnp
from jax import lax
from jax.experimental import pallas as pl
from jax.experimental.pallas import tpu as pltpu
from jax.experimental.pallas import tpu_sc as plsc

UP = 2
VOL = 8
BK = 16384

_NW = 32
_CM = 256
_NBUF = 3
_N = 200000
_NFULL = _N // _CM
_REM = _N - _NFULL * _CM
_REMP = 128
_NSTEP = (_NFULL + 1 + _NW - 1) // _NW


def _idx_body(i_ref, o_ref):
    x = i_ref[...]
    nk = BK // 128

    r4 = lax.broadcasted_iota(jnp.int32, (4, BK), 0)
    xs = jnp.where(r4 == 0, x, x * UP).reshape(4 * nk, 128).astype(jnp.float32)

    s_i = lax.broadcasted_iota(jnp.int32, (128, 8 * 128), 0)
    j_i = lax.broadcasted_iota(jnp.int32, (128, 8 * 128), 1)
    rep = (s_i == j_i // 8).astype(jnp.float32)

    y = lax.dot_general(
        xs, rep, (((1,), (0,)), ((), ())), preferred_element_type=jnp.float32
    )

    c1 = lax.broadcasted_iota(jnp.int32, (4, 1, 8 * 128), 0)
    v1 = lax.broadcasted_iota(jnp.int32, (4, 1, 8 * 128), 2) & 7
    bias = jnp.where(
        c1 == 0,
        0,
        jnp.where(c1 == 1, v1 >> 2, jnp.where(c1 == 2, v1 & 1, (v1 >> 1) & 1)),
    )
    z = y.astype(jnp.int32).reshape(4, nk, 8 * 128) + bias
    o_ref[...] = z.reshape(4, 8 * BK)


def _sc_feats(ft_hbm, tail_hbm, fp_hbm, in_v, out_v, insem, outsem):
    wid = lax.axis_index("s") * 2 + lax.axis_index("c")
    lane = lax.iota(jnp.int32, 16)
    i1b = lane >> 3

    def in_full(s):
        ch = wid + _NW * s
        m0 = pl.multiple_of(ch * _CM, _CM)
        return pltpu.make_async_copy(
            ft_hbm.at[:, pl.ds(m0, _CM)], in_v.at[s % _NBUF], insem.at[s % _NBUF]
        )

    def in_tail(s):
        return pltpu.make_async_copy(
            tail_hbm, in_v.at[s % _NBUF, :, pl.ds(0, _REMP)], insem.at[s % _NBUF]
        )

    def out_full(s):
        ch = wid + _NW * s
        o0 = pl.multiple_of(ch * (VOL * _CM), VOL * _CM)
        return pltpu.make_async_copy(
            out_v.at[s % _NBUF], fp_hbm.at[:, pl.ds(o0, VOL * _CM)], outsem.at[s % _NBUF]
        )

    def out_tail(s):
        return pltpu.make_async_copy(
            out_v.at[s % _NBUF, :, pl.ds(0, VOL * _REM)],
            fp_hbm.at[:, pl.ds(VOL * _NFULL * _CM, VOL * _REM)],
            outsem.at[s % _NBUF],
        )

    def on_chunk(s, fn_full, fn_tail):
        ch = wid + _NW * s

        @pl.when(ch < _NFULL)
        def _():
            fn_full(s)

        @pl.when(ch == _NFULL)
        def _():
            fn_tail(s)

    def interleave(s, cols):
        for c in range(VOL):
            i0 = 8 * (lane & 7) + c

            @plsc.parallel_loop(0, VOL * cols // 16, unroll=8)
            def _(g):
                gat = plsc.load_gather(in_v.at[s % _NBUF], [i0, i1b + 2 * g])
                out_v[s % _NBUF, c, pl.ds(16 * g, 16)] = gat

    for p in range(_NBUF - 1):
        on_chunk(p, lambda s: in_full(s).start(), lambda s: in_tail(s).start())

    def step(s, carry):
        @pl.when(s + _NBUF - 1 < _NSTEP)
        def _():
            on_chunk(
                s + _NBUF - 1,
                lambda t: in_full(t).start(),
                lambda t: in_tail(t).start(),
            )

        on_chunk(s, lambda t: in_full(t).wait(), lambda t: in_tail(t).wait())

        @pl.when(s >= _NBUF)
        def _():
            on_chunk(
                s - _NBUF, lambda t: out_full(t).wait(), lambda t: out_tail(t).wait()
            )

        on_chunk(s, lambda t: interleave(t, _CM), lambda t: interleave(t, _REM))
        on_chunk(s, lambda t: out_full(t).start(), lambda t: out_tail(t).start())
        return carry

    lax.fori_loop(0, _NSTEP, step, 0)
    for s in range(_NSTEP - _NBUF, _NSTEP):
        on_chunk(s, lambda t: out_full(t).wait(), lambda t: out_tail(t).wait())


@jax.jit
def kernel(features, indices):
    n, nch = features.shape

    it = indices.T
    g = (n + BK - 1) // BK
    nip = pl.pallas_call(
        _idx_body,
        grid=(g,),
        in_specs=[pl.BlockSpec((4, BK), lambda i: (0, i))],
        out_specs=pl.BlockSpec((4, VOL * BK), lambda i: (0, i)),
        out_shape=jax.ShapeDtypeStruct((4, VOL * n), jnp.int32),
        compiler_params=pltpu.CompilerParams(
            dimension_semantics=("arbitrary",),
        ),
    )(it)

    ft = features.T
    tail = jnp.pad(features[_NFULL * _CM :, :].T, ((0, 0), (0, _REMP - _REM)))
    mesh = plsc.VectorSubcoreMesh(core_axis_name="c", subcore_axis_name="s")
    fpp = functools.partial(
        pl.kernel,
        mesh=mesh,
        out_type=jax.ShapeDtypeStruct((VOL, n * VOL), features.dtype),
        scratch_types=[
            pltpu.VMEM((_NBUF, nch, _CM), features.dtype),
            pltpu.VMEM((_NBUF, VOL, VOL * _CM), features.dtype),
            pltpu.SemaphoreType.DMA((_NBUF,)),
            pltpu.SemaphoreType.DMA((_NBUF,)),
        ],
        compiler_params=pltpu.CompilerParams(needs_layout_passes=False),
    )(_sc_feats)(ft, tail)

    return fpp.T, nip.T

# --- scband reference (transcript-rebuilt; emitter-appended) ---
"""Pipeline reference for scband-voxel-shuffle-40948218200800 (READ-ONLY COPY).

The authoritative reference and input builder live on the scoring server;
editing this copy changes nothing except your own understanding.
"""

import jax, jax.numpy as jnp
import numpy as np

UPSCALE = 2
SPATIAL_SHAPE = (128, 128, 128)
BATCH_SIZE = 4


def setup_inputs(seed: int = 0) -> dict:
    key = jax.random.key(seed)
    k1, k2 = jax.random.split(key)
    features = jax.random.normal(k1, (200000, 64), dtype=jnp.float32)
    indices = jax.random.randint(k2, (200000, 4), 0, 128, dtype=jnp.int32)
    return {"features": features, "indices": indices}


def reference(features, indices):
    upscale_factor = UPSCALE
    volume = upscale_factor * upscale_factor * upscale_factor
    num_points = indices.shape[0]
    num_channels = features.shape[1]
    assert num_channels % volume == 0
    output_channels = num_channels // volume
    # pairing_style == 'sequential'
    feats = features.reshape(-1, volume, output_channels).reshape(num_points * volume, output_channels)
    # build sub-voxel offsets (same order as torch.meshgrid indexing='ij' + argsort key)
    i, j, k = jnp.meshgrid(jnp.arange(upscale_factor), jnp.arange(upscale_factor), jnp.arange(upscale_factor), indexing='ij')
    offsets = jnp.stack((i, j, k), axis=-1).reshape(-1, 3)
    order = jnp.argsort(offsets[:, 0] * upscale_factor ** 2 + offsets[:, 2] * upscale_factor + offsets[:, 1])
    offsets = offsets[order]
    indices_repeated = jnp.repeat(indices, volume, axis=0)
    offsets_expanded = jnp.tile(offsets, (num_points, 1)).astype(indices_repeated.dtype)
    new_spatial = indices_repeated[:, 1:] * upscale_factor + offsets_expanded
    new_indices = jnp.concatenate([indices_repeated[:, :1], new_spatial], axis=1)
    # new spatial shape of the upscaled sparse tensor (metadata, not an array op)
    new_shape = (SPATIAL_SHAPE[0] * upscale_factor, SPATIAL_SHAPE[1] * upscale_factor, SPATIAL_SHAPE[2] * upscale_factor)
    del new_shape
    return (feats, new_indices)

if __name__ == "__main__":
    import jax
    _d = setup_inputs()
    print(jax.jit(kernel)(*tuple(_d.values())))

</pallas_src>

<mosaic_0001>
#map = affine_map<(d0, d1) -> (0, 0)>
module attributes {stable_mosaic.version = 14 : i64} {
  func.func @_sc_feats(%arg0: i32, %arg1: i32, %arg2: memref<64x200000xf32, #tpu.memory_space<hbm>>, %arg3: memref<64x128xf32, #tpu.memory_space<hbm>>, %arg4: memref<8x1600000xf32, #tpu.memory_space<hbm>>, %arg5: memref<3x64x256xf32, #tpu.memory_space<vmem>>, %arg6: memref<3x8x2048xf32, #tpu.memory_space<vmem>>, %arg7: memref<3x!tpu.dma_semaphore, #tpu.memory_space<semaphore_mem>>, %arg8: memref<3x!tpu.dma_semaphore, #tpu.memory_space<semaphore_mem>>) attributes {dimension_semantics = [#tpu.dimension_semantics<core_parallel>, #tpu.dimension_semantics<subcore_parallel>], iteration_bounds = array<i64: 2, 16>, scalar_prefetch = 0 : i64, scratch_operands = 4 : i64, tpu.core_type = #tpu.core_type<sc_vector_subcore>, window_params = [{transform_indices = #map}, {transform_indices = #map}, {transform_indices = #map}]} {
    %mul3A = arith.constant 2 : i32
    %mul3A_0 = arith.muli %arg1, %mul3A : i32
    %add3A = arith.addi %mul3A_0, %arg0 : i32
    %iota3A = tpu.iota {dimensions = array<i32: 0>} : vector<16xi32>
    %shift_right_arithmetic3A = arith.constant 3 : i32
    %shift_right_arithmetic3A_1 = vector.broadcast %shift_right_arithmetic3A : i32 to vector<16xi32>
    %shift_right_arithmetic3A_2 = arith.shrsi %iota3A, %shift_right_arithmetic3A_1 : vector<16xi32>
    %add3A_3 = arith.constant 0 : i32
    %add3A_4 = arith.addi %add3A, %add3A_3 : i32
    %lt3A = arith.constant 781 : i32
    %lt3A_5 = arith.cmpi slt, %add3A_4, %lt3A : i32
    %convert_element_type3A = arith.extui %lt3A_5 : i1 to i32
    %cond3A = arith.constant 0 : i32
    %cond3A_6 = arith.cmpi ne, %convert_element_type3A, %cond3A : i32
    scf.if %cond3A_6 {
      %add3A_64 = arith.constant 0 : i32
      %add3A_65 = arith.addi %add3A, %add3A_64 : i32
      %mul3A_66 = arith.constant 256 : i32
      %mul3A_67 = arith.muli %add3A_65, %mul3A_66 : i32
      %multiple_of3A = tpu.assume_multiple %mul3A_67, 256 : i32
      %dma_start3A = arith.constant 0 : i32
      %dma_start3A_68 = arith.constant 0 : i32
      %dma_start3A_69 = arith.constant 0 : i32
      %dma_start3A_70 = arith.constant 0 : i32
      %dma_start3A_71 = tpu.memref_slice %arg5[%dma_start3A, %dma_start3A_69, %dma_start3A_70] : memref<3x64x256xf32, #tpu.memory_space<vmem>> -> memref<1x64x256xf32, #tpu.memory_space<vmem>>
      %dma_start3A_72 = tpu.memref_squeeze %dma_start3A_71 : memref<1x64x256xf32, #tpu.memory_space<vmem>> -> memref<64x256xf32, #tpu.memory_space<vmem>>
      %dma_start3A_73 = arith.constant 0 : i32
      %dma_start3A_74 = tpu.memref_slice %arg2[%dma_start3A_73, %multiple_of3A] : memref<64x200000xf32, #tpu.memory_space<hbm>> -> memref<64x256xf32, #tpu.memory_space<hbm>>
      %dma_start3A_75 = tpu.memref_slice %arg7[%dma_start3A_68] : memref<3x!tpu.dma_semaphore, #tpu.memory_space<semaphore_mem>> -> memref<1x!tpu.dma_semaphore, #tpu.memory_space<semaphore_mem>>
      %dma_start3A_76 = tpu.memref_squeeze %dma_start3A_75 : memref<1x!tpu.dma_semaphore, #tpu.memory_space<semaphore_mem>> -> memref<!tpu.dma_semaphore, #tpu.memory_space<semaphore_mem>>
      %dma_start3A_77 = arith.constant 0 : i32
      %dma_start3A_78 = arith.constant 0 : i32
      %dma_start3A_79 = tpu.memref_slice %arg5[%dma_start3A, %dma_start3A_77, %dma_start3A_78] : memref<3x64x256xf32, #tpu.memory_space<vmem>> -> memref<1x64x256xf32, #tpu.memory_space<vmem>>
      %dma_start3A_80 = tpu.memref_squeeze %dma_start3A_79 : memref<1x64x256xf32, #tpu.memory_space<vmem>> -> memref<64x256xf32, #tpu.memory_space<vmem>>
      %dma_start3A_81 = arith.constant 0 : i32
      %dma_start3A_82 = tpu.memref_slice %arg2[%dma_start3A_81, %multiple_of3A] : memref<64x200000xf32, #tpu.memory_space<hbm>> -> memref<64x256xf32, #tpu.memory_space<hbm>>
      tpu.enqueue_dma source(%dma_start3A_82 : memref<64x256xf32, #tpu.memory_space<hbm>>) target(%dma_start3A_80 : memref<64x256xf32, #tpu.memory_space<vmem>>) target_semaphore(%dma_start3A_76 : memref<!tpu.dma_semaphore, #tpu.memory_space<semaphore_mem>>)
    } else {
    }
    %eq3A = arith.constant 781 : i32
    %eq3A_7 = arith.cmpi eq, %add3A_4, %eq3A : i32
    %convert_element_type3A_8 = arith.extui %eq3A_7 : i1 to i32
    %cond3A_9 = arith.constant 0 : i32
    %cond3A_10 = arith.cmpi ne, %convert_element_type3A_8, %cond3A_9 : i32
    scf.if %cond3A_10 {
      %dma_start3A = arith.constant 0 : i32
      %dma_start3A_64 = arith.constant 0 : i32
      %dma_start3A_65 = arith.constant 0 : i32
      %dma_start3A_66 = arith.constant 0 : i32
      %dma_start3A_67 = tpu.memref_slice %arg5[%dma_start3A, %dma_start3A_65, %dma_start3A_66] : memref<3x64x256xf32, #tpu.memory_space<vmem>> -> memref<1x64x128xf32, #tpu.memory_space<vmem>>
      %dma_start3A_68 = tpu.memref_squeeze %dma_start3A_67 : memref<1x64x128xf32, #tpu.memory_space<vmem>> -> memref<64x128xf32, #tpu.memory_space<vmem>>
      %dma_start3A_69 = tpu.memref_slice %arg7[%dma_start3A_64] : memref<3x!tpu.dma_semaphore, #tpu.memory_space<semaphore_mem>> -> memref<1x!tpu.dma_semaphore, #tpu.memory_space<semaphore_mem>>
      %dma_start3A_70 = tpu.memref_squeeze %dma_start3A_69 : memref<1x!tpu.dma_semaphore, #tpu.memory_space<semaphore_mem>> -> memref<!tpu.dma_semaphore, #tpu.memory_space<semaphore_mem>>
      %dma_start3A_71 = arith.constant 0 : i32
      %dma_start3A_72 = arith.constant 0 : i32
      %dma_start3A_73 = tpu.memref_slice %arg5[%dma_start3A, %dma_start3A_71, %dma_start3A_72] : memref<3x64x256xf32, #tpu.memory_space<vmem>> -> memref<1x64x128xf32, #tpu.memory_space<vmem>>
      %dma_start3A_74 = tpu.memref_squeeze %dma_start3A_73 : memref<1x64x128xf32, #tpu.memory_space<vmem>> -> memref<64x128xf32, #tpu.memory_space<vmem>>
      tpu.enqueue_dma source(%arg3 : memref<64x128xf32, #tpu.memory_space<hbm>>) target(%dma_start3A_74 : memref<64x128xf32, #tpu.memory_space<vmem>>) target_semaphore(%dma_start3A_70 : memref<!tpu.dma_semaphore, #tpu.memory_space<semaphore_mem>>)
    } else {
    }
    %add3A_11 = arith.constant 32 : i32
    %add3A_12 = arith.addi %add3A, %add3A_11 : i32
    %lt3A_13 = arith.constant 781 : i32
    %lt3A_14 = arith.cmpi slt, %add3A_12, %lt3A_13 : i32
    %convert_element_type3A_15 = arith.extui %lt3A_14 : i1 to i32
    %cond3A_16 = arith.constant 0 : i32
    %cond3A_17 = arith.cmpi ne, %convert_element_type3A_15, %cond3A_16 : i32
    scf.if %cond3A_17 {
      %add3A_64 = arith.constant 32 : i32
      %add3A_65 = arith.addi %add3A, %add3A_64 : i32
      %mul3A_66 = arith.constant 256 : i32
      %mul3A_67 = arith.muli %add3A_65, %mul3A_66 : i32
      %multiple_of3A = tpu.assume_multiple %mul3A_67, 256 : i32
      %dma_start3A = arith.constant 1 : i32
      %dma_start3A_68 = arith.constant 1 : i32
      %dma_start3A_69 = arith.constant 0 : i32
      %dma_start3A_70 = arith.constant 0 : i32
      %dma_start3A_71 = tpu.memref_slice %arg5[%dma_start3A, %dma_start3A_69, %dma_start3A_70] : memref<3x64x256xf32, #tpu.memory_space<vmem>> -> memref<1x64x256xf32, #tpu.memory_space<vmem>>
      %dma_start3A_72 = tpu.memref_squeeze %dma_start3A_71 : memref<1x64x256xf32, #tpu.memory_space<vmem>> -> memref<64x256xf32, #tpu.memory_space<vmem>>
      %dma_start3A_73 = arith.constant 0 : i32
      %dma_start3A_74 = tpu.memref_slice %arg2[%dma_start3A_73, %multiple_of3A] : memref<64x200000xf32, #tpu.memory_space<hbm>> -> memref<64x256xf32, #tpu.memory_space<hbm>>
      %dma_start3A_75 = tpu.memref_slice %arg7[%dma_start3A_68] : memref<3x!tpu.dma_semaphore, #tpu.memory_space<semaphore_mem>> -> memref<1x!tpu.dma_semaphore, #tpu.memory_space<semaphore_mem>>
      %dma_start3A_76 = tpu.memref_squeeze %dma_start3A_75 : memref<1x!tpu.dma_semaphore, #tpu.memory_space<semaphore_mem>> -> memref<!tpu.dma_semaphore, #tpu.memory_space<semaphore_mem>>
      %dma_start3A_77 = arith.constant 0 : i32
      %dma_start3A_78 = arith.constant 0 : i32
      %dma_start3A_79 = tpu.memref_slice %arg5[%dma_start3A, %dma_start3A_77, %dma_start3A_78] : memref<3x64x256xf32, #tpu.memory_space<vmem>> -> memref<1x64x256xf32, #tpu.memory_space<vmem>>
      %dma_start3A_80 = tpu.memref_squeeze %dma_start3A_79 : memref<1x64x256xf32, #tpu.memory_space<vmem>> -> memref<64x256xf32, #tpu.memory_space<vmem>>
      %dma_start3A_81 = arith.constant 0 : i32
      %dma_start3A_82 = tpu.memref_slice %arg2[%dma_start3A_81, %multiple_of3A] : memref<64x200000xf32, #tpu.memory_space<hbm>> -> memref<64x256xf32, #tpu.memory_space<hbm>>
      tpu.enqueue_dma source(%dma_start3A_82 : memref<64x256xf32, #tpu.memory_space<hbm>>) target(%dma_start3A_80 : memref<64x256xf32, #tpu.memory_space<vmem>>) target_semaphore(%dma_start3A_76 : memref<!tpu.dma_semaphore, #tpu.memory_space<semaphore_mem>>)
    } else {
    }
    %eq3A_18 = arith.constant 781 : i32
    %eq3A_19 = arith.cmpi eq, %add3A_12, %eq3A_18 : i32
    %convert_element_type3A_20 = arith.extui %eq3A_19 : i1 to i32
    %cond3A_21 = arith.constant 0 : i32
    %cond3A_22 = arith.cmpi ne, %convert_element_type3A_20, %cond3A_21 : i32
    scf.if %cond3A_22 {
      %dma_start3A = arith.constant 1 : i32
      %dma_start3A_64 = arith.constant 1 : i32
      %dma_start3A_65 = arith.constant 0 : i32
      %dma_start3A_66 = arith.constant 0 : i32
      %dma_start3A_67 = tpu.memref_slice %arg5[%dma_start3A, %dma_start3A_65, %dma_start3A_66] : memref<3x64x256xf32, #tpu.memory_space<vmem>> -> memref<1x64x128xf32, #tpu.memory_space<vmem>>
      %dma_start3A_68 = tpu.memref_squeeze %dma_start3A_67 : memref<1x64x128xf32, #tpu.memory_space<vmem>> -> memref<64x128xf32, #tpu.memory_space<vmem>>
      %dma_start3A_69 = tpu.memref_slice %arg7[%dma_start3A_64] : memref<3x!tpu.dma_semaphore, #tpu.memory_space<semaphore_mem>> -> memref<1x!tpu.dma_semaphore, #tpu.memory_space<semaphore_mem>>
      %dma_start3A_70 = tpu.memref_squeeze %dma_start3A_69 : memref<1x!tpu.dma_semaphore, #tpu.memory_space<semaphore_mem>> -> memref<!tpu.dma_semaphore, #tpu.memory_space<semaphore_mem>>
      %dma_start3A_71 = arith.constant 0 : i32
      %dma_start3A_72 = arith.constant 0 : i32
      %dma_start3A_73 = tpu.memref_slice %arg5[%dma_start3A, %dma_start3A_71, %dma_start3A_72] : memref<3x64x256xf32, #tpu.memory_space<vmem>> -> memref<1x64x128xf32, #tpu.memory_space<vmem>>
      %dma_start3A_74 = tpu.memref_squeeze %dma_start3A_73 : memref<1x64x128xf32, #tpu.memory_space<vmem>> -> memref<64x128xf32, #tpu.memory_space<vmem>>
      tpu.enqueue_dma source(%arg3 : memref<64x128xf32, #tpu.memory_space<hbm>>) target(%dma_start3A_74 : memref<64x128xf32, #tpu.memory_space<vmem>>) target_semaphore(%dma_start3A_70 : memref<!tpu.dma_semaphore, #tpu.memory_space<semaphore_mem>>)
    } else {
    }
    %scan3A = arith.constant 0 : i32
    %scan3A_23 = arith.constant 0 : i32
    %scan3A_24 = arith.constant 25 : i32
    %scan3A_25 = arith.addi %scan3A_23, %scan3A_24 : i32
    %scan3A_26 = arith.constant 1 : i32
    scf.for %scan3A_64 = %scan3A_23 to %scan3A_25 step %scan3A_26  : i32 {
      %add3A_65 = arith.constant 3 : i32
      %add3A_66 = arith.addi %scan3A_64, %add3A_65 : i32
      %sub3A = arith.constant 1 : i32
      %sub3A_67 = arith.subi %add3A_66, %sub3A : i32
      %lt3A_68 = arith.constant 25 : i32
      %lt3A_69 = arith.cmpi slt, %sub3A_67, %lt3A_68 : i32
      %convert_element_type3A_70 = arith.extui %lt3A_69 : i1 to i32
      %cond3A_71 = arith.constant 0 : i32
      %cond3A_72 = arith.cmpi ne, %convert_element_type3A_70, %cond3A_71 : i32
      scf.if %cond3A_72 {
        %add3A_116 = arith.constant 3 : i32
        %add3A_117 = arith.addi %scan3A_64, %add3A_116 : i32
        %sub3A_118 = arith.constant 1 : i32
        %sub3A_119 = arith.subi %add3A_117, %sub3A_118 : i32
        %mul3A_120 = arith.constant 32 : i32
        %mul3A_121 = arith.muli %mul3A_120, %sub3A_119 : i32
        %add3A_122 = arith.addi %add3A, %mul3A_121 : i32
        %lt3A_123 = arith.constant 781 : i32
        %lt3A_124 = arith.cmpi slt, %add3A_122, %lt3A_123 : i32
        %convert_element_type3A_125 = arith.extui %lt3A_124 : i1 to i32
        %cond3A_126 = arith.constant 0 : i32
        %cond3A_127 = arith.cmpi ne, %convert_element_type3A_125, %cond3A_126 : i32
        scf.if %cond3A_127 {
          %mul3A_133 = arith.constant 32 : i32
          %mul3A_134 = arith.muli %mul3A_133, %sub3A_119 : i32
          %add3A_135 = arith.addi %add3A, %mul3A_134 : i32
          %mul3A_136 = arith.constant 256 : i32
          %mul3A_137 = arith.muli %add3A_135, %mul3A_136 : i32
          %multiple_of3A = tpu.assume_multiple %mul3A_137, 256 : i32
          %jit3A = arith.constant 3 : i32
          %eq3A_138 = arith.constant 0 : i32
          %eq3A_139 = arith.cmpi eq, %jit3A, %eq3A_138 : i32
          %jit3A_140 = arith.constant 1 : i32
          %select_n3A = arith.select %eq3A_139, %jit3A_140, %jit3A : i32
          %rem3A = arith.remsi %sub3A_119, %select_n3A : i32
          %ne3A = arith.constant 0 : i32
          %ne3A_141 = arith.cmpi ne, %rem3A, %ne3A : i32
          %lt3A_142 = arith.constant 0 : i32
          %lt3A_143 = arith.cmpi slt, %rem3A, %lt3A_142 : i32
          %lt3A_144 = arith.constant 0 : i32
          %lt3A_145 = arith.cmpi slt, %select_n3A, %lt3A_144 : i32
          %ne3A_146 = arith.xori %lt3A_143, %lt3A_145 : i1
          %and3A = arith.andi %ne3A_146, %ne3A_141 : i1
          %add3A_147 = arith.addi %rem3A, %select_n3A : i32
          %select_n3A_148 = arith.select %and3A, %add3A_147, %rem3A : i32
          %jit3A_149 = arith.constant 3 : i32
          %eq3A_150 = arith.constant 0 : i32
          %eq3A_151 = arith.cmpi eq, %jit3A_149, %eq3A_150 : i32
          %jit3A_152 = arith.constant 1 : i32
          %select_n3A_153 = arith.select %eq3A_151, %jit3A_152, %jit3A_149 : i32
          %rem3A_154 = arith.remsi %sub3A_119, %select_n3A_153 : i32
          %ne3A_155 = arith.constant 0 : i32
          %ne3A_156 = arith.cmpi ne, %rem3A_154, %ne3A_155 : i32
          %lt3A_157 = arith.constant 0 : i32
          %lt3A_158 = arith.cmpi slt, %rem3A_154, %lt3A_157 : i32
          %lt3A_159 = arith.constant 0 : i32
          %lt3A_160 = arith.cmpi slt, %select_n3A_153, %lt3A_159 : i32
          %ne3A_161 = arith.xori %lt3A_158, %lt3A_160 : i1
          %and3A_162 = arith.andi %ne3A_161, %ne3A_156 : i1
          %add3A_163 = arith.addi %rem3A_154, %select_n3A_153 : i32
          %select_n3A_164 = arith.select %and3A_162, %add3A_163, %rem3A_154 : i32
          %dma_start3A = arith.constant 0 : i32
          %dma_start3A_165 = arith.constant 0 : i32
          %dma_start3A_166 = tpu.memref_slice %arg5[%select_n3A_148, %dma_start3A, %dma_start3A_165] : memref<3x64x256xf32, #tpu.memory_space<vmem>> -> memref<1x64x256xf32, #tpu.memory_space<vmem>>
          %dma_start3A_167 = tpu.memref_squeeze %dma_start3A_166 : memref<1x64x256xf32, #tpu.memory_space<vmem>> -> memref<64x256xf32, #tpu.memory_space<vmem>>
          %dma_start3A_168 = arith.constant 0 : i32
          %dma_start3A_169 = tpu.memref_slice %arg2[%dma_start3A_168, %multiple_of3A] : memref<64x200000xf32, #tpu.memory_space<hbm>> -> memref<64x256xf32, #tpu.memory_space<hbm>>
          %dma_start3A_170 = tpu.memref_slice %arg7[%select_n3A_164] : memref<3x!tpu.dma_semaphore, #tpu.memory_space<semaphore_mem>> -> memref<1x!tpu.dma_semaphore, #tpu.memory_space<semaphore_mem>>
          %dma_start3A_171 = tpu.memref_squeeze %dma_start3A_170 : memref<1x!tpu.dma_semaphore, #tpu.memory_space<semaphore_mem>> -> memref<!tpu.dma_semaphore, #tpu.memory_space<semaphore_mem>>
          %dma_start3A_172 = arith.constant 0 : i32
          %dma_start3A_173 = arith.constant 0 : i32
          %dma_start3A_174 = tpu.memref_slice %arg5[%select_n3A_148, %dma_start3A_172, %dma_start3A_173] : memref<3x64x256xf32, #tpu.memory_space<vmem>> -> memref<1x64x256xf32, #tpu.memory_space<vmem>>
          %dma_start3A_175 = tpu.memref_squeeze %dma_start3A_174 : memref<1x64x256xf32, #tpu.memory_space<vmem>> -> memref<64x256xf32, #tpu.memory_space<vmem>>
          %dma_start3A_176 = arith.constant 0 : i32
          %dma_start3A_177 = tpu.memref_slice %arg2[%dma_start3A_176, %multiple_of3A] : memref<64x200000xf32, #tpu.memory_space<hbm>> -> memref<64x256xf32, #tpu.memory_space<hbm>>
          tpu.enqueue_dma source(%dma_start3A_177 : memref<64x256xf32, #tpu.memory_space<hbm>>) target(%dma_start3A_175 : memref<64x256xf32, #tpu.memory_space<vmem>>) target_semaphore(%dma_start3A_171 : memref<!tpu.dma_semaphore, #tpu.memory_space<semaphore_mem>>)
        } else {
        }
        %eq3A_128 = arith.constant 781 : i32
        %eq3A_129 = arith.cmpi eq, %add3A_122, %eq3A_128 : i32
        %convert_element_type3A_130 = arith.extui %eq3A_129 : i1 to i32
        %cond3A_131 = arith.constant 0 : i32
        %cond3A_132 = arith.cmpi ne, %convert_element_type3A_130, %cond3A_131 : i32
        scf.if %cond3A_132 {
          %jit3A = arith.constant 3 : i32
          %eq3A_133 = arith.constant 0 : i32
          %eq3A_134 = arith.cmpi eq, %jit3A, %eq3A_133 : i32
          %jit3A_135 = arith.constant 1 : i32
          %select_n3A = arith.select %eq3A_134, %jit3A_135, %jit3A : i32
          %rem3A = arith.remsi %sub3A_119, %select_n3A : i32
          %ne3A = arith.constant 0 : i32
          %ne3A_136 = arith.cmpi ne, %rem3A, %ne3A : i32
          %lt3A_137 = arith.constant 0 : i32
          %lt3A_138 = arith.cmpi slt, %rem3A, %lt3A_137 : i32
          %lt3A_139 = arith.constant 0 : i32
          %lt3A_140 = arith.cmpi slt, %select_n3A, %lt3A_139 : i32
          %ne3A_141 = arith.xori %lt3A_138, %lt3A_140 : i1
          %and3A = arith.andi %ne3A_141, %ne3A_136 : i1
          %add3A_142 = arith.addi %rem3A, %select_n3A : i32
          %select_n3A_143 = arith.select %and3A, %add3A_142, %rem3A : i32
          %jit3A_144 = arith.constant 3 : i32
          %eq3A_145 = arith.constant 0 : i32
          %eq3A_146 = arith.cmpi eq, %jit3A_144, %eq3A_145 : i32
          %jit3A_147 = arith.constant 1 : i32
          %select_n3A_148 = arith.select %eq3A_146, %jit3A_147, %jit3A_144 : i32
          %rem3A_149 = arith.remsi %sub3A_119, %select_n3A_148 : i32
          %ne3A_150 = arith.constant 0 : i32
          %ne3A_151 = arith.cmpi ne, %rem3A_149, %ne3A_150 : i32
          %lt3A_152 = arith.constant 0 : i32
          %lt3A_153 = arith.cmpi slt, %rem3A_149, %lt3A_152 : i32
          %lt3A_154 = arith.constant 0 : i32
          %lt3A_155 = arith.cmpi slt, %select_n3A_148, %lt3A_154 : i32
          %ne3A_156 = arith.xori %lt3A_153, %lt3A_155 : i1
          %and3A_157 = arith.andi %ne3A_156, %ne3A_151 : i1
          %add3A_158 = arith.addi %rem3A_149, %select_n3A_148 : i32
          %select_n3A_159 = arith.select %and3A_157, %add3A_158, %rem3A_149 : i32
          %dma_start3A = arith.constant 0 : i32
          %dma_start3A_160 = arith.constant 0 : i32
          %dma_start3A_161 = tpu.memref_slice %arg5[%select_n3A_143, %dma_start3A, %dma_start3A_160] : memref<3x64x256xf32, #tpu.memory_space<vmem>> -> memref<1x64x128xf32, #tpu.memory_space<vmem>>
          %dma_start3A_162 = tpu.memref_squeeze %dma_start3A_161 : memref<1x64x128xf32, #tpu.memory_space<vmem>> -> memref<64x128xf32, #tpu.memory_space<vmem>>
          %dma_start3A_163 = tpu.memref_slice %arg7[%select_n3A_159] : memref<3x!tpu.dma_semaphore, #tpu.memory_space<semaphore_mem>> -> memref<1x!tpu.dma_semaphore, #tpu.memory_space<semaphore_mem>>
          %dma_start3A_164 = tpu.memref_squeeze %dma_start3A_163 : memref<1x!tpu.dma_semaphore, #tpu.memory_space<semaphore_mem>> -> memref<!tpu.dma_semaphore, #tpu.memory_space<semaphore_mem>>
          %dma_start3A_165 = arith.constant 0 : i32
          %dma_start3A_166 = arith.constant 0 : i32
          %dma_start3A_167 = tpu.memref_slice %arg5[%select_n3A_143, %dma_start3A_165, %dma_start3A_166] : memref<3x64x256xf32, #tpu.memory_space<vmem>> -> memref<1x64x128xf32, #tpu.memory_space<vmem>>
          %dma_start3A_168 = tpu.memref_squeeze %dma_start3A_167 : memref<1x64x128xf32, #tpu.memory_space<vmem>> -> memref<64x128xf32, #tpu.memory_space<vmem>>
          tpu.enqueue_dma source(%arg3 : memref<64x128xf32, #tpu.memory_space<hbm>>) target(%dma_start3A_168 : memref<64x128xf32, #tpu.memory_space<vmem>>) target_semaphore(%dma_start3A_164 : memref<!tpu.dma_semaphore, #tpu.memory_space<semaphore_mem>>)
        } else {
        }
      } else {
      }
      %mul3A_73 = arith.constant 32 : i32
      %mul3A_74 = arith.muli %mul3A_73, %scan3A_64 : i32
      %add3A_75 = arith.addi %add3A, %mul3A_74 : i32
      %lt3A_76 = arith.constant 781 : i32
      %lt3A_77 = arith.cmpi slt, %add3A_75, %lt3A_76 : i32
      %convert_element_type3A_78 = arith.extui %lt3A_77 : i1 to i32
      %cond3A_79 = arith.constant 0 : i32
      %cond3A_80 = arith.cmpi ne, %convert_element_type3A_78, %cond3A_79 : i32
      scf.if %cond3A_80 {
        %mul3A_116 = arith.constant 32 : i32
        %mul3A_117 = arith.muli %mul3A_116, %scan3A_64 : i32
        %add3A_118 = arith.addi %add3A, %mul3A_117 : i32
        %mul3A_119 = arith.constant 256 : i32
        %mul3A_120 = arith.muli %add3A_118, %mul3A_119 : i32
        %multiple_of3A = tpu.assume_multiple %mul3A_120, 256 : i32
        %jit3A = arith.constant 3 : i32
        %eq3A_121 = arith.constant 0 : i32
        %eq3A_122 = arith.cmpi eq, %jit3A, %eq3A_121 : i32
        %jit3A_123 = arith.constant 1 : i32
        %select_n3A = arith.select %eq3A_122, %jit3A_123, %jit3A : i32
        %rem3A = arith.remsi %scan3A_64, %select_n3A : i32
        %ne3A = arith.constant 0 : i32
        %ne3A_124 = arith.cmpi ne, %rem3A, %ne3A : i32
        %lt3A_125 = arith.constant 0 : i32
        %lt3A_126 = arith.cmpi slt, %rem3A, %lt3A_125 : i32
        %lt3A_127 = arith.constant 0 : i32
        %lt3A_128 = arith.cmpi slt, %select_n3A, %lt3A_127 : i32
        %ne3A_129 = arith.xori %lt3A_126, %lt3A_128 : i1
        %and3A = arith.andi %ne3A_129, %ne3A_124 : i1
        %add3A_130 = arith.addi %rem3A, %select_n3A : i32
        %select_n3A_131 = arith.select %and3A, %add3A_130, %rem3A : i32
        %jit3A_132 = arith.constant 3 : i32
        %eq3A_133 = arith.constant 0 : i32
        %eq3A_134 = arith.cmpi eq, %jit3A_132, %eq3A_133 : i32
        %jit3A_135 = arith.constant 1 : i32
        %select_n3A_136 = arith.select %eq3A_134, %jit3A_135, %jit3A_132 : i32
        %rem3A_137 = arith.remsi %scan3A_64, %select_n3A_136 : i32
        %ne3A_138 = arith.constant 0 : i32
        %ne3A_139 = arith.cmpi ne, %rem3A_137, %ne3A_138 : i32
        %lt3A_140 = arith.constant 0 : i32
        %lt3A_141 = arith.cmpi slt, %rem3A_137, %lt3A_140 : i32
        %lt3A_142 = arith.constant 0 : i32
        %lt3A_143 = arith.cmpi slt, %select_n3A_136, %lt3A_142 : i32
        %ne3A_144 = arith.xori %lt3A_141, %lt3A_143 : i1
        %and3A_145 = arith.andi %ne3A_144, %ne3A_139 : i1
        %add3A_146 = arith.addi %rem3A_137, %select_n3A_136 : i32
        %select_n3A_147 = arith.select %and3A_145, %add3A_146, %rem3A_137 : i32
        %dma_wait3A = arith.constant 0 : i32
        %dma_wait3A_148 = arith.constant 0 : i32
        %dma_wait3A_149 = tpu.memref_slice %arg5[%select_n3A_131, %dma_wait3A, %dma_wait3A_148] : memref<3x64x256xf32, #tpu.memory_space<vmem>> -> memref<1x64x256xf32, #tpu.memory_space<vmem>>
        %dma_wait3A_150 = tpu.memref_squeeze %dma_wait3A_149 : memref<1x64x256xf32, #tpu.memory_space<vmem>> -> memref<64x256xf32, #tpu.memory_space<vmem>>
        %dma_wait3A_151 = arith.constant 0 : i32
        %dma_wait3A_152 = tpu.memref_slice %arg2[%dma_wait3A_151, %multiple_of3A] : memref<64x200000xf32, #tpu.memory_space<hbm>> -> memref<64x256xf32, #tpu.memory_space<hbm>>
        %dma_wait3A_153 = tpu.memref_slice %arg7[%select_n3A_147] : memref<3x!tpu.dma_semaphore, #tpu.memory_space<semaphore_mem>> -> memref<1x!tpu.dma_semaphore, #tpu.memory_space<semaphore_mem>>
        %dma_wait3A_154 = tpu.memref_squeeze %dma_wait3A_153 : memref<1x!tpu.dma_semaphore, #tpu.memory_space<semaphore_mem>> -> memref<!tpu.dma_semaphore, #tpu.memory_space<semaphore_mem>>
        %dma_wait3A_155 = arith.constant 0 : i32
        %dma_wait3A_156 = arith.constant 0 : i32
        %dma_wait3A_157 = tpu.memref_slice %arg5[%select_n3A_131, %dma_wait3A_155, %dma_wait3A_156] : memref<3x64x256xf32, #tpu.memory_space<vmem>> -> memref<1x64x256xf32, #tpu.memory_space<vmem>>
        %dma_wait3A_158 = tpu.memref_squeeze %dma_wait3A_157 : memref<1x64x256xf32, #tpu.memory_space<vmem>> -> memref<64x256xf32, #tpu.memory_space<vmem>>
        %dma_wait3A_159 = arith.constant 0 : i32
        %dma_wait3A_160 = tpu.memref_slice %arg2[%dma_wait3A_159, %multiple_of3A] : memref<64x200000xf32, #tpu.memory_space<hbm>> -> memref<64x256xf32, #tpu.memory_space<hbm>>
        tpu.wait_dma2 semaphore(%dma_wait3A_154 : memref<!tpu.dma_semaphore, #tpu.memory_space<semaphore_mem>>) src(%dma_wait3A_160 : memref<64x256xf32, #tpu.memory_space<hbm>>) dst(%dma_wait3A_158 : memref<64x256xf32, #tpu.memory_space<vmem>>)
      } else {
      }
      %eq3A_81 = arith.constant 781 : i32
      %eq3A_82 = arith.cmpi eq, %add3A_75, %eq3A_81 : i32
      %convert_element_type3A_83 = arith.extui %eq3A_82 : i1 to i32
      %cond3A_84 = arith.constant 0 : i32
      %cond3A_85 = arith.cmpi ne, %convert_element_type3A_83, %cond3A_84 : i32
      scf.if %cond3A_85 {
        %jit3A = arith.constant 3 : i32
        %eq3A_116 = arith.constant 0 : i32
        %eq3A_117 = arith.cmpi eq, %jit3A, %eq3A_116 : i32
        %jit3A_118 = arith.constant 1 : i32
        %select_n3A = arith.select %eq3A_117, %jit3A_118, %jit3A : i32
        %rem3A = arith.remsi %scan3A_64, %select_n3A : i32
        %ne3A = arith.constant 0 : i32
        %ne3A_119 = arith.cmpi ne, %rem3A, %ne3A : i32
        %lt3A_120 = arith.constant 0 : i32
        %lt3A_121 = arith.cmpi slt, %rem3A, %lt3A_120 : i32
        %lt3A_122 = arith.constant 0 : i32
        %lt3A_123 = arith.cmpi slt, %select_n3A, %lt3A_122 : i32
        %ne3A_124 = arith.xori %lt3A_121, %lt3A_123 : i1
        %and3A = arith.andi %ne3A_124, %ne3A_119 : i1
        %add3A_125 = arith.addi %rem3A, %select_n3A : i32
        %select_n3A_126 = arith.select %and3A, %add3A_125, %rem3A : i32
        %jit3A_127 = arith.constant 3 : i32
        %eq3A_128 = arith.constant 0 : i32
        %eq3A_129 = arith.cmpi eq, %jit3A_127, %eq3A_128 : i32
        %jit3A_130 = arith.constant 1 : i32
        %select_n3A_131 = arith.select %eq3A_129, %jit3A_130, %jit3A_127 : i32
        %rem3A_132 = arith.remsi %scan3A_64, %select_n3A_131 : i32
        %ne3A_133 = arith.constant 0 : i32
        %ne3A_134 = arith.cmpi ne, %rem3A_132, %ne3A_133 : i32
        %lt3A_135 = arith.constant 0 : i32
        %lt3A_136 = arith.cmpi slt, %rem3A_132, %lt3A_135 : i32
        %lt3A_137 = arith.constant 0 : i32
        %lt3A_138 = arith.cmpi slt, %select_n3A_131, %lt3A_137 : i32
        %ne3A_139 = arith.xori %lt3A_136, %lt3A_138 : i1
        %and3A_140 = arith.andi %ne3A_139, %ne3A_134 : i1
        %add3A_141 = arith.addi %rem3A_132, %select_n3A_131 : i32
        %select_n3A_142 = arith.select %and3A_140, %add3A_141, %rem3A_132 : i32
        %dma_wait3A = arith.constant 0 : i32
        %dma_wait3A_143 = arith.constant 0 : i32
        %dma_wait3A_144 = tpu.memref_slice %arg5[%select_n3A_126, %dma_wait3A, %dma_wait3A_143] : memref<3x64x256xf32, #tpu.memory_space<vmem>> -> memref<1x64x128xf32, #tpu.memory_space<vmem>>
        %dma_wait3A_145 = tpu.memref_squeeze %dma_wait3A_144 : memref<1x64x128xf32, #tpu.memory_space<vmem>> -> memref<64x128xf32, #tpu.memory_space<vmem>>
        %dma_wait3A_146 = tpu.memref_slice %arg7[%select_n3A_142] : memref<3x!tpu.dma_semaphore, #tpu.memory_space<semaphore_mem>> -> memref<1x!tpu.dma_semaphore, #tpu.memory_space<semaphore_mem>>
        %dma_wait3A_147 = tpu.memref_squeeze %dma_wait3A_146 : memref<1x!tpu.dma_semaphore, #tpu.memory_space<semaphore_mem>> -> memref<!tpu.dma_semaphore, #tpu.memory_space<semaphore_mem>>
        %dma_wait3A_148 = arith.constant 0 : i32
        %dma_wait3A_149 = arith.constant 0 : i32
        %dma_wait3A_150 = tpu.memref_slice %arg5[%select_n3A_126, %dma_wait3A_148, %dma_wait3A_149] : memref<3x64x256xf32, #tpu.memory_space<vmem>> -> memref<1x64x128xf32, #tpu.memory_space<vmem>>
        %dma_wait3A_151 = tpu.memref_squeeze %dma_wait3A_150 : memref<1x64x128xf32, #tpu.memory_space<vmem>> -> memref<64x128xf32, #tpu.memory_space<vmem>>
        tpu.wait_dma2 semaphore(%dma_wait3A_147 : memref<!tpu.dma_semaphore, #tpu.memory_space<semaphore_mem>>) src(%arg3 : memref<64x128xf32, #tpu.memory_space<hbm>>) dst(%dma_wait3A_151 : memref<64x128xf32, #tpu.memory_space<vmem>>)
      } else {
      }
      %ge3A = arith.constant 3 : i32
      %ge3A_86 = arith.cmpi sge, %scan3A_64, %ge3A : i32
      %convert_element_type3A_87 = arith.extui %ge3A_86 : i1 to i32
      %cond3A_88 = arith.constant 0 : i32
      %cond3A_89 = arith.cmpi ne, %convert_element_type3A_87, %cond3A_88 : i32
      scf.if %cond3A_89 {
        %sub3A_116 = arith.constant 3 : i32
        %sub3A_117 = arith.subi %scan3A_64, %sub3A_116 : i32
        %mul3A_118 = arith.constant 32 : i32
        %mul3A_119 = arith.muli %mul3A_118, %sub3A_117 : i32
        %add3A_120 = arith.addi %add3A, %mul3A_119 : i32
        %lt3A_121 = arith.constant 781 : i32
        %lt3A_122 = arith.cmpi slt, %add3A_120, %lt3A_121 : i32
        %convert_element_type3A_123 = arith.extui %lt3A_122 : i1 to i32
        %cond3A_124 = arith.constant 0 : i32
        %cond3A_125 = arith.cmpi ne, %convert_element_type3A_123, %cond3A_124 : i32
        scf.if %cond3A_125 {
          %mul3A_131 = arith.constant 32 : i32
          %mul3A_132 = arith.muli %mul3A_131, %sub3A_117 : i32
          %add3A_133 = arith.addi %add3A, %mul3A_132 : i32
          %mul3A_134 = arith.constant 2048 : i32
          %mul3A_135 = arith.muli %add3A_133, %mul3A_134 : i32
          %multiple_of3A = tpu.assume_multiple %mul3A_135, 2048 : i32
          %jit3A = arith.constant 3 : i32
          %eq3A_136 = arith.constant 0 : i32
          %eq3A_137 = arith.cmpi eq, %jit3A, %eq3A_136 : i32
          %jit3A_138 = arith.constant 1 : i32
          %select_n3A = arith.select %eq3A_137, %jit3A_138, %jit3A : i32
          %rem3A = arith.remsi %sub3A_117, %select_n3A : i32
          %ne3A = arith.constant 0 : i32
          %ne3A_139 = arith.cmpi ne, %rem3A, %ne3A : i32
          %lt3A_140 = arith.constant 0 : i32
          %lt3A_141 = arith.cmpi slt, %rem3A, %lt3A_140 : i32
          %lt3A_142 = arith.constant 0 : i32
          %lt3A_143 = arith.cmpi slt, %select_n3A, %lt3A_142 : i32
          %ne3A_144 = arith.xori %lt3A_141, %lt3A_143 : i1
          %and3A = arith.andi %ne3A_144, %ne3A_139 : i1
          %add3A_145 = arith.addi %rem3A, %select_n3A : i32
          %select_n3A_146 = arith.select %and3A, %add3A_145, %rem3A : i32
          %jit3A_147 = arith.constant 3 : i32
          %eq3A_148 = arith.constant 0 : i32
          %eq3A_149 = arith.cmpi eq, %jit3A_147, %eq3A_148 : i32
          %jit3A_150 = arith.constant 1 : i32
          %select_n3A_151 = arith.select %eq3A_149, %jit3A_150, %jit3A_147 : i32
          %rem3A_152 = arith.remsi %sub3A_117, %select_n3A_151 : i32
          %ne3A_153 = arith.constant 0 : i32
          %ne3A_154 = arith.cmpi ne, %rem3A_152, %ne3A_153 : i32
          %lt3A_155 = arith.constant 0 : i32
          %lt3A_156 = arith.cmpi slt, %rem3A_152, %lt3A_155 : i32
          %lt3A_157 = arith.constant 0 : i32
          %lt3A_158 = arith.cmpi slt, %select_n3A_151, %lt3A_157 : i32
          %ne3A_159 = arith.xori %lt3A_156, %lt3A_158 : i1
          %and3A_160 = arith.andi %ne3A_159, %ne3A_154 : i1
          %add3A_161 = arith.addi %rem3A_152, %select_n3A_151 : i32
          %select_n3A_162 = arith.select %and3A_160, %add3A_161, %rem3A_152 : i32
          %dma_wait3A = arith.constant 0 : i32
          %dma_wait3A_163 = arith.constant 0 : i32
          %dma_wait3A_164 = tpu.memref_slice %arg6[%select_n3A_146, %dma_wait3A, %dma_wait3A_163] : memref<3x8x2048xf32, #tpu.memory_space<vmem>> -> memref<1x8x2048xf32, #tpu.memory_space<vmem>>
          %dma_wait3A_165 = tpu.memref_squeeze %dma_wait3A_164 : memref<1x8x2048xf32, #tpu.memory_space<vmem>> -> memref<8x2048xf32, #tpu.memory_space<vmem>>
          %dma_wait3A_166 = arith.constant 0 : i32
          %dma_wait3A_167 = tpu.memref_slice %arg4[%dma_wait3A_166, %multiple_of3A] : memref<8x1600000xf32, #tpu.memory_space<hbm>> -> memref<8x2048xf32, #tpu.memory_space<hbm>>
          %dma_wait3A_168 = tpu.memref_slice %arg8[%select_n3A_162] : memref<3x!tpu.dma_semaphore, #tpu.memory_space<semaphore_mem>> -> memref<1x!tpu.dma_semaphore, #tpu.memory_space<semaphore_mem>>
          %dma_wait3A_169 = tpu.memref_squeeze %dma_wait3A_168 : memref<1x!tpu.dma_semaphore, #tpu.memory_space<semaphore_mem>> -> memref<!tpu.dma_semaphore, #tpu.memory_space<semaphore_mem>>
          %dma_wait3A_170 = arith.constant 0 : i32
          %dma_wait3A_171 = tpu.memref_slice %arg4[%dma_wait3A_170, %multiple_of3A] : memref<8x1600000xf32, #tpu.memory_space<hbm>> -> memref<8x2048xf32, #tpu.memory_space<hbm>>
          %dma_wait3A_172 = arith.constant 0 : i32
          %dma_wait3A_173 = arith.constant 0 : i32
          %dma_wait3A_174 = tpu.memref_slice %arg6[%select_n3A_146, %dma_wait3A_172, %dma_wait3A_173] : memref<3x8x2048xf32, #tpu.memory_space<vmem>> -> memref<1x8x2048xf32, #tpu.memory_space<vmem>>
          %dma_wait3A_175 = tpu.memref_squeeze %dma_wait3A_174 : memref<1x8x2048xf32, #tpu.memory_space<vmem>> -> memref<8x2048xf32, #tpu.memory_space<vmem>>
          tpu.wait_dma2 semaphore(%dma_wait3A_169 : memref<!tpu.dma_semaphore, #tpu.memory_space<semaphore_mem>>) src(%dma_wait3A_175 : memref<8x2048xf32, #tpu.memory_space<vmem>>) dst(%dma_wait3A_171 : memref<8x2048xf32, #tpu.memory_space<hbm>>)
        } else {
        }
        %eq3A_126 = arith.constant 781 : i32
        %eq3A_127 = arith.cmpi eq, %add3A_120, %eq3A_126 : i32
        %convert_element_type3A_128 = arith.extui %eq3A_127 : i1 to i32
        %cond3A_129 = arith.constant 0 : i32
        %cond3A_130 = arith.cmpi ne, %convert_element_type3A_128, %cond3A_129 : i32
        scf.if %cond3A_130 {
          %jit3A = arith.constant 3 : i32
          %eq3A_131 = arith.constant 0 : i32
          %eq3A_132 = arith.cmpi eq, %jit3A, %eq3A_131 : i32
          %jit3A_133 = arith.constant 1 : i32
          %select_n3A = arith.select %eq3A_132, %jit3A_133, %jit3A : i32
          %rem3A = arith.remsi %sub3A_117, %select_n3A : i32
          %ne3A = arith.constant 0 : i32
          %ne3A_134 = arith.cmpi ne, %rem3A, %ne3A : i32
          %lt3A_135 = arith.constant 0 : i32
          %lt3A_136 = arith.cmpi slt, %rem3A, %lt3A_135 : i32
          %lt3A_137 = arith.constant 0 : i32
          %lt3A_138 = arith.cmpi slt, %select_n3A, %lt3A_137 : i32
          %ne3A_139 = arith.xori %lt3A_136, %lt3A_138 : i1
          %and3A = arith.andi %ne3A_139, %ne3A_134 : i1
          %add3A_140 = arith.addi %rem3A, %select_n3A : i32
          %select_n3A_141 = arith.select %and3A, %add3A_140, %rem3A : i32
          %jit3A_142 = arith.constant 3 : i32
          %eq3A_143 = arith.constant 0 : i32
          %eq3A_144 = arith.cmpi eq, %jit3A_142, %eq3A_143 : i32
          %jit3A_145 = arith.constant 1 : i32
          %select_n3A_146 = arith.select %eq3A_144, %jit3A_145, %jit3A_142 : i32
          %rem3A_147 = arith.remsi %sub3A_117, %select_n3A_146 : i32
          %ne3A_148 = arith.constant 0 : i32
          %ne3A_149 = arith.cmpi ne, %rem3A_147, %ne3A_148 : i32
          %lt3A_150 = arith.constant 0 : i32
          %lt3A_151 = arith.cmpi slt, %rem3A_147, %lt3A_150 : i32
          %lt3A_152 = arith.constant 0 : i32
          %lt3A_153 = arith.cmpi slt, %select_n3A_146, %lt3A_152 : i32
          %ne3A_154 = arith.xori %lt3A_151, %lt3A_153 : i1
          %and3A_155 = arith.andi %ne3A_154, %ne3A_149 : i1
          %add3A_156 = arith.addi %rem3A_147, %select_n3A_146 : i32
          %select_n3A_157 = arith.select %and3A_155, %add3A_156, %rem3A_147 : i32
          %dma_wait3A = arith.constant 0 : i32
          %dma_wait3A_158 = arith.constant 0 : i32
          %dma_wait3A_159 = tpu.memref_slice %arg6[%select_n3A_141, %dma_wait3A, %dma_wait3A_158] : memref<3x8x2048xf32, #tpu.memory_space<vmem>> -> memref<1x8x512xf32, #tpu.memory_space<vmem>>
          %dma_wait3A_160 = tpu.memref_squeeze %dma_wait3A_159 : memref<1x8x512xf32, #tpu.memory_space<vmem>> -> memref<8x512xf32, #tpu.memory_space<vmem>>
          %dma_wait3A_161 = arith.constant 0 : i32
          %dma_wait3A_162 = arith.constant 1599488 : i32
          %dma_wait3A_163 = tpu.memref_slice %arg4[%dma_wait3A_161, %dma_wait3A_162] : memref<8x1600000xf32, #tpu.memory_space<hbm>> -> memref<8x512xf32, #tpu.memory_space<hbm>>
          %dma_wait3A_164 = tpu.memref_slice %arg8[%select_n3A_157] : memref<3x!tpu.dma_semaphore, #tpu.memory_space<semaphore_mem>> -> memref<1x!tpu.dma_semaphore, #tpu.memory_space<semaphore_mem>>
          %dma_wait3A_165 = tpu.memref_squeeze %dma_wait3A_164 : memref<1x!tpu.dma_semaphore, #tpu.memory_space<semaphore_mem>> -> memref<!tpu.dma_semaphore, #tpu.memory_space<semaphore_mem>>
          %dma_wait3A_166 = arith.constant 0 : i32
          %dma_wait3A_167 = arith.constant 1599488 : i32
          %dma_wait3A_168 = tpu.memref_slice %arg4[%dma_wait3A_166, %dma_wait3A_167] : memref<8x1600000xf32, #tpu.memory_space<hbm>> -> memref<8x512xf32, #tpu.memory_space<hbm>>
          %dma_wait3A_169 = arith.constant 0 : i32
          %dma_wait3A_170 = arith.constant 0 : i32
          %dma_wait3A_171 = tpu.memref_slice %arg6[%select_n3A_141, %dma_wait3A_169, %dma_wait3A_170] : memref<3x8x2048xf32, #tpu.memory_space<vmem>> -> memref<1x8x512xf32, #tpu.memory_space<vmem>>
          %dma_wait3A_172 = tpu.memref_squeeze %dma_wait3A_171 : memref<1x8x512xf32, #tpu.memory_space<vmem>> -> memref<8x512xf32, #tpu.memory_space<vmem>>
          tpu.wait_dma2 semaphore(%dma_wait3A_165 : memref<!tpu.dma_semaphore, #tpu.memory_space<semaphore_mem>>) src(%dma_wait3A_172 : memref<8x512xf32, #tpu.memory_space<vmem>>) dst(%dma_wait3A_168 : memref<8x512xf32, #tpu.memory_space<hbm>>)
        } else {
        }
      } else {
      }
      %mul3A_90 = arith.constant 32 : i32
      %mul3A_91 = arith.muli %mul3A_90, %scan3A_64 : i32
      %add3A_92 = arith.addi %add3A, %mul3A_91 : i32
      %lt3A_93 = arith.constant 781 : i32
      %lt3A_94 = arith.cmpi slt, %add3A_92, %lt3A_93 : i32
      %convert_element_type3A_95 = arith.extui %lt3A_94 : i1 to i32
      %cond3A_96 = arith.constant 0 : i32
      %cond3A_97 = arith.cmpi ne, %convert_element_type3A_95, %cond3A_96 : i32
      scf.if %cond3A_97 {
        %and3A = arith.constant 7 : i32
        %and3A_116 = vector.broadcast %and3A : i32 to vector<16xi32>
        %and3A_117 = arith.andi %iota3A, %and3A_116 : vector<16xi32>
        %mul3A_118 = arith.constant 8 : i32
        %mul3A_119 = vector.broadcast %mul3A_118 : i32 to vector<16xi32>
        %mul3A_120 = arith.muli %mul3A_119, %and3A_117 : vector<16xi32>
        %add3A_121 = arith.constant 0 : i32
        %add3A_122 = vector.broadcast %add3A_121 : i32 to vector<16xi32>
        %add3A_123 = arith.addi %mul3A_120, %add3A_122 : vector<16xi32>
        %parallel_loop3A = arith.constant 0 : i32
        %parallel_loop3A_124 = arith.constant 128 : i32
        %parallel_loop3A_125 = arith.constant 1 : i32
        scf.for %parallel_loop3A_210 = %parallel_loop3A to %parallel_loop3A_124 step %parallel_loop3A_125  : i32 {
          %parallel_loop3A_211 = arith.constant 3 : i32
          %parallel_loop3A_212 = arith.constant 0 : i32
          %parallel_loop3A_213 = arith.cmpi eq, %parallel_loop3A_211, %parallel_loop3A_212 : i32
          %parallel_loop3A_214 = arith.constant 1 : i32
          %parallel_loop3A_215 = arith.select %parallel_loop3A_213, %parallel_loop3A_214, %parallel_loop3A_211 : i32
          %parallel_loop3A_216 = arith.remsi %scan3A_64, %parallel_loop3A_215 : i32
          %parallel_loop3A_217 = arith.constant 0 : i32
          %parallel_loop3A_218 = arith.cmpi ne, %parallel_loop3A_216, %parallel_loop3A_217 : i32
          %parallel_loop3A_219 = arith.constant 0 : i32
          %parallel_loop3A_220 = arith.cmpi slt, %parallel_loop3A_216, %parallel_loop3A_219 : i32
          %parallel_loop3A_221 = arith.constant 0 : i32
          %parallel_loop3A_222 = arith.cmpi slt, %parallel_loop3A_215, %parallel_loop3A_221 : i32
          %parallel_loop3A_223 = arith.xori %parallel_loop3A_220, %parallel_loop3A_222 : i1
          %parallel_loop3A_224 = arith.andi %parallel_loop3A_223, %parallel_loop3A_218 : i1
          %parallel_loop3A_225 = arith.addi %parallel_loop3A_216, %parallel_loop3A_215 : i32
          %parallel_loop3A_226 = arith.select %parallel_loop3A_224, %parallel_loop3A_225, %parallel_loop3A_216 : i32
          %parallel_loop3A_227 = arith.constant 2 : i32
          %parallel_loop3A_228 = arith.muli %parallel_loop3A_227, %parallel_loop3A_210 : i32
          %parallel_loop3A_229 = vector.broadcast %parallel_loop3A_228 : i32 to vector<16xi32>
          %parallel_loop3A_230 = arith.addi %shift_right_arithmetic3A_2, %parallel_loop3A_229 : vector<16xi32>
          %parallel_loop3A_231 = arith.constant 0 : i32
          %parallel_loop3A_232 = arith.constant 0 : i32
          %parallel_loop3A_233 = tpu.memref_slice %arg5[%parallel_loop3A_226, %parallel_loop3A_231, %parallel_loop3A_232] : memref<3x64x256xf32, #tpu.memory_space<vmem>> -> memref<1x64x256xf32, #tpu.memory_space<vmem>>
          %parallel_loop3A_234 = tpu.memref_squeeze %parallel_loop3A_233 : memref<1x64x256xf32, #tpu.memory_space<vmem>> -> memref<64x256xf32, #tpu.memory_space<vmem>>
          %parallel_loop3A_235 = tpu.vector_load_idx %parallel_loop3A_234[%add3A_123, %parallel_loop3A_230] : memref<64x256xf32, #tpu.memory_space<vmem>>[vector<16xi32>, vector<16xi32>], vector<16xf32>,
          %parallel_loop3A_236 = arith.constant 3 : i32
          %parallel_loop3A_237 = arith.constant 0 : i32
          %parallel_loop3A_238 = arith.cmpi eq, %parallel_loop3A_236, %parallel_loop3A_237 : i32
          %parallel_loop3A_239 = arith.constant 1 : i32
          %parallel_loop3A_240 = arith.select %parallel_loop3A_238, %parallel_loop3A_239, %parallel_loop3A_236 : i32
          %parallel_loop3A_241 = arith.remsi %scan3A_64, %parallel_loop3A_240 : i32
          %parallel_loop3A_242 = arith.constant 0 : i32
          %parallel_loop3A_243 = arith.cmpi ne, %parallel_loop3A_241, %parallel_loop3A_242 : i32
          %parallel_loop3A_244 = arith.constant 0 : i32
          %parallel_loop3A_245 = arith.cmpi slt, %parallel_loop3A_241, %parallel_loop3A_244 : i32
          %parallel_loop3A_246 = arith.constant 0 : i32
          %parallel_loop3A_247 = arith.cmpi slt, %parallel_loop3A_240, %parallel_loop3A_246 : i32
          %parallel_loop3A_248 = arith.xori %parallel_loop3A_245, %parallel_loop3A_247 : i1
          %parallel_loop3A_249 = arith.andi %parallel_loop3A_248, %parallel_loop3A_243 : i1
          %parallel_loop3A_250 = arith.addi %parallel_loop3A_241, %parallel_loop3A_240 : i32
          %parallel_loop3A_251 = arith.select %parallel_loop3A_249, %parallel_loop3A_250, %parallel_loop3A_241 : i32
          %parallel_loop3A_252 = arith.constant 16 : i32
          %parallel_loop3A_253 = arith.muli %parallel_loop3A_252, %parallel_loop3A_210 : i32
          %parallel_loop3A_254 = arith.constant 0 : i32
          %parallel_loop3A_255 = arith.index_cast %parallel_loop3A_251 : i32 to index
          %parallel_loop3A_256 = arith.index_cast %parallel_loop3A_254 : i32 to index
          %parallel_loop3A_257 = arith.index_cast %parallel_loop3A_253 : i32 to index
          %parallel_loop3A_258 = tpu.vector_load %arg6[%parallel_loop3A_255, %parallel_loop3A_256, %parallel_loop3A_257] {strides = array<i32>} : memref<3x8x2048xf32, #tpu.memory_space<vmem>>, vector<16xf32>,
          tpu.vector_store %arg6[%parallel_loop3A_255, %parallel_loop3A_256, %parallel_loop3A_257], %parallel_loop3A_235 {strides = array<i32>} : memref<3x8x2048xf32, #tpu.memory_space<vmem>>, vector<16xf32>,
        } {sc.loop_unroll_factor = 8 : i64, sc.parallel_access}
        %and3A_126 = arith.constant 7 : i32
        %and3A_127 = vector.broadcast %and3A_126 : i32 to vector<16xi32>
        %and3A_128 = arith.andi %iota3A, %and3A_127 : vector<16xi32>
        %mul3A_129 = arith.constant 8 : i32
        %mul3A_130 = vector.broadcast %mul3A_129 : i32 to vector<16xi32>
        %mul3A_131 = arith.muli %mul3A_130, %and3A_128 : vector<16xi32>
        %add3A_132 = arith.constant 1 : i32
        %add3A_133 = vector.broadcast %add3A_132 : i32 to vector<16xi32>
        %add3A_134 = arith.addi %mul3A_131, %add3A_133 : vector<16xi32>
        %parallel_loop3A_135 = arith.constant 0 : i32
        %parallel_loop3A_136 = arith.constant 128 : i32
        %parallel_loop3A_137 = arith.constant 1 : i32
        scf.for %parallel_loop3A_210 = %parallel_loop3A_135 to %parallel_loop3A_136 step %parallel_loop3A_137  : i32 {
          %parallel_loop3A_211 = arith.constant 3 : i32
          %parallel_loop3A_212 = arith.constant 0 : i32
          %parallel_loop3A_213 = arith.cmpi eq, %parallel_loop3A_211, %parallel_loop3A_212 : i32
          %parallel_loop3A_214 = arith.constant 1 : i32
          %parallel_loop3A_215 = arith.select %parallel_loop3A_213, %parallel_loop3A_214, %parallel_loop3A_211 : i32
          %parallel_loop3A_216 = arith.remsi %scan3A_64, %parallel_loop3A_215 : i32
          %parallel_loop3A_217 = arith.constant 0 : i32
          %parallel_loop3A_218 = arith.cmpi ne, %parallel_loop3A_216, %parallel_loop3A_217 : i32
          %parallel_loop3A_219 = arith.constant 0 : i32
          %parallel_loop3A_220 = arith.cmpi slt, %parallel_loop3A_216, %parallel_loop3A_219 : i32
          %parallel_loop3A_221 = arith.constant 0 : i32
          %parallel_loop3A_222 = arith.cmpi slt, %parallel_loop3A_215, %parallel_loop3A_221 : i32
          %parallel_loop3A_223 = arith.xori %parallel_loop3A_220, %parallel_loop3A_222 : i1
          %parallel_loop3A_224 = arith.andi %parallel_loop3A_223, %parallel_loop3A_218 : i1
          %parallel_loop3A_225 = arith.addi %parallel_loop3A_216, %parallel_loop3A_215 : i32
          %parallel_loop3A_226 = arith.select %parallel_loop3A_224, %parallel_loop3A_225, %parallel_loop3A_216 : i32
          %parallel_loop3A_227 = arith.constant 2 : i32
          %parallel_loop3A_228 = arith.muli %parallel_loop3A_227, %parallel_loop3A_210 : i32
          %parallel_loop3A_229 = vector.broadcast %parallel_loop3A_228 : i32 to vector<16xi32>
          %parallel_loop3A_230 = arith.addi %shift_right_arithmetic3A_2, %parallel_loop3A_229 : vector<16xi32>
          %parallel_loop3A_231 = arith.constant 0 : i32
          %parallel_loop3A_232 = arith.constant 0 : i32
          %parallel_loop3A_233 = tpu.memref_slice %arg5[%parallel_loop3A_226, %parallel_loop3A_231, %parallel_loop3A_232] : memref<3x64x256xf32, #tpu.memory_space<vmem>> -> memref<1x64x256xf32, #tpu.memory_space<vmem>>
          %parallel_loop3A_234 = tpu.memref_squeeze %parallel_loop3A_233 : memref<1x64x256xf32, #tpu.memory_space<vmem>> -> memref<64x256xf32, #tpu.memory_space<vmem>>
          %parallel_loop3A_235 = tpu.vector_load_idx %parallel_loop3A_234[%add3A_134, %parallel_loop3A_230] : memref<64x256xf32, #tpu.memory_space<vmem>>[vector<16xi32>, vector<16xi32>], vector<16xf32>,
          %parallel_loop3A_236 = arith.constant 3 : i32
          %parallel_loop3A_237 = arith.constant 0 : i32
          %parallel_loop3A_238 = arith.cmpi eq, %parallel_loop3A_236, %parallel_loop3A_237 : i32
          %parallel_loop3A_239 = arith.constant 1 : i32
          %parallel_loop3A_240 = arith.select %parallel_loop3A_238, %parallel_loop3A_239, %parallel_loop3A_236 : i32
          %parallel_loop3A_241 = arith.remsi %scan3A_64, %parallel_loop3A_240 : i32
          %parallel_loop3A_242 = arith.constant 0 : i32
          %parallel_loop3A_243 = arith.cmpi ne, %parallel_loop3A_241, %parallel_loop3A_242 : i32
          %parallel_loop3A_244 = arith.constant 0 : i32
          %parallel_loop3A_245 = arith.cmpi slt, %parallel_loop3A_241, %parallel_loop3A_244 : i32
          %parallel_loop3A_246 = arith.constant 0 : i32
          %parallel_loop3A_247 = arith.cmpi slt, %parallel_loop3A_240, %parallel_loop3A_246 : i32
          %parallel_loop3A_248 = arith.xori %parallel_loop3A_245, %parallel_loop3A_247 : i1
          %parallel_loop3A_249 = arith.andi %parallel_loop3A_248, %parallel_loop3A_243 : i1
          %parallel_loop3A_250 = arith.addi %parallel_loop3A_241, %parallel_loop3A_240 : i32
          %parallel_loop3A_251 = arith.select %parallel_loop3A_249, %parallel_loop3A_250, %parallel_loop3A_241 : i32
          %parallel_loop3A_252 = arith.constant 16 : i32
          %parallel_loop3A_253 = arith.muli %parallel_loop3A_252, %parallel_loop3A_210 : i32
          %parallel_loop3A_254 = arith.constant 1 : i32
          %parallel_loop3A_255 = arith.index_cast %parallel_loop3A_251 : i32 to index
          %parallel_loop3A_256 = arith.index_cast %parallel_loop3A_254 : i32 to index
          %parallel_loop3A_257 = arith.index_cast %parallel_loop3A_253 : i32 to index
          %parallel_loop3A_258 = tpu.vector_load %arg6[%parallel_loop3A_255, %parallel_loop3A_256, %parallel_loop3A_257] {strides = array<i32>} : memref<3x8x2048xf32, #tpu.memory_space<vmem>>, vector<16xf32>,
          tpu.vector_store %arg6[%parallel_loop3A_255, %parallel_loop3A_256, %parallel_loop3A_257], %parallel_loop3A_235 {strides = array<i32>} : memref<3x8x2048xf32, #tpu.memory_space<vmem>>, vector<16xf32>,
        } {sc.loop_unroll_factor = 8 : i64, sc.parallel_access}
        %and3A_138 = arith.constant 7 : i32
        %and3A_139 = vector.broadcast %and3A_138 : i32 to vector<16xi32>
        %and3A_140 = arith.andi %iota3A, %and3A_139 : vector<16xi32>
        %mul3A_141 = arith.constant 8 : i32
        %mul3A_142 = vector.broadcast %mul3A_141 : i32 to vector<16xi32>
        %mul3A_143 = arith.muli %mul3A_142, %and3A_140 : vector<16xi32>
        %add3A_144 = arith.constant 2 : i32
        %add3A_145 = vector.broadcast %add3A_144 : i32 to vector<16xi32>
        %add3A_146 = arith.addi %mul3A_143, %add3A_145 : vector<16xi32>
        %parallel_loop3A_147 = arith.constant 0 : i32
        %parallel_loop3A_148 = arith.constant 128 : i32
        %parallel_loop3A_149 = arith.constant 1 : i32
        scf.for %parallel_loop3A_210 = %parallel_loop3A_147 to %parallel_loop3A_148 step %parallel_loop3A_149  : i32 {
          %parallel_loop3A_211 = arith.constant 3 : i32
          %parallel_loop3A_212 = arith.constant 0 : i32
          %parallel_loop3A_213 = arith.cmpi eq, %parallel_loop3A_211, %parallel_loop3A_212 : i32
          %parallel_loop3A_214 = arith.constant 1 : i32
          %parallel_loop3A_215 = arith.select %parallel_loop3A_213, %parallel_loop3A_214, %parallel_loop3A_211 : i32
          %parallel_loop3A_216 = arith.remsi %scan3A_64, %parallel_loop3A_215 : i32
          %parallel_loop3A_217 = arith.constant 0 : i32
          %parallel_loop3A_218 = arith.cmpi ne, %parallel_loop3A_216, %parallel_loop3A_217 : i32
          %parallel_loop3A_219 = arith.constant 0 : i32
          %parallel_loop3A_220 = arith.cmpi slt, %parallel_loop3A_216, %parallel_loop3A_219 : i32
          %parallel_loop3A_221 = arith.constant 0 : i32
          %parallel_loop3A_222 = arith.cmpi slt, %parallel_loop3A_215, %parallel_loop3A_221 : i32
          %parallel_loop3A_223 = arith.xori %parallel_loop3A_220, %parallel_loop3A_222 : i1
          %parallel_loop3A_224 = arith.andi %parallel_loop3A_223, %parallel_loop3A_218 : i1
          %parallel_loop3A_225 = arith.addi %parallel_loop3A_216, %parallel_loop3A_215 : i32
          %parallel_loop3A_226 = arith.select %parallel_loop3A_224, %parallel_loop3A_225, %parallel_loop3A_216 : i32
          %parallel_loop3A_227 = arith.constant 2 : i32
          %parallel_loop3A_228 = arith.muli %parallel_loop3A_227, %parallel_loop3A_210 : i32
          %parallel_loop3A_229 = vector.broadcast %parallel_loop3A_228 : i32 to vector<16xi32>
          %parallel_loop3A_230 = arith.addi %shift_right_arithmetic3A_2, %parallel_loop3A_229 : vector<16xi32>
          %parallel_loop3A_231 = arith.constant 0 : i32
          %parallel_loop3A_232 = arith.constant 0 : i32
          %parallel_loop3A_233 = tpu.memref_slice %arg5[%parallel_loop3A_226, %parallel_loop3A_231, %parallel_loop3A_232] : memref<3x64x256xf32, #tpu.memory_space<vmem>> -> memref<1x64x256xf32, #tpu.memory_space<vmem>>
          %parallel_loop3A_234 = tpu.memref_squeeze %parallel_loop3A_233 : memref<1x64x256xf32, #tpu.memory_space<vmem>> -> memref<64x256xf32, #tpu.memory_space<vmem>>
          %parallel_loop3A_235 = tpu.vector_load_idx %parallel_loop3A_234[%add3A_146, %parallel_loop3A_230] : memref<64x256xf32, #tpu.memory_space<vmem>>[vector<16xi32>, vector<16xi32>], vector<16xf32>,
          %parallel_loop3A_236 = arith.constant 3 : i32
          %parallel_loop3A_237 = arith.constant 0 : i32
          %parallel_loop3A_238 = arith.cmpi eq, %parallel_loop3A_236, %parallel_loop3A_237 : i32
          %parallel_loop3A_239 = arith.constant 1 : i32
          %parallel_loop3A_240 = arith.select %parallel_loop3A_238, %parallel_loop3A_239, %parallel_loop3A_236 : i32
          %parallel_loop3A_241 = arith.remsi %scan3A_64, %parallel_loop3A_240 : i32
          %parallel_loop3A_242 = arith.constant 0 : i32
          %parallel_loop3A_243 = arith.cmpi ne, %parallel_loop3A_241, %parallel_loop3A_242 : i32
          %parallel_loop3A_244 = arith.constant 0 : i32
          %parallel_loop3A_245 = arith.cmpi slt, %parallel_loop3A_241, %parallel_loop3A_244 : i32
          %parallel_loop3A_246 = arith.constant 0 : i32
          %parallel_loop3A_247 = arith.cmpi slt, %parallel_loop3A_240, %parallel_loop3A_246 : i32
          %parallel_loop3A_248 = arith.xori %parallel_loop3A_245, %parallel_loop3A_247 : i1
          %parallel_loop3A_249 = arith.andi %parallel_loop3A_248, %parallel_loop3A_243 : i1
          %parallel_loop3A_250 = arith.addi %parallel_loop3A_241, %parallel_loop3A_240 : i32
          %parallel_loop3A_251 = arith.select %parallel_loop3A_249, %parallel_loop3A_250, %parallel_loop3A_241 : i32
          %parallel_loop3A_252 = arith.constant 16 : i32
          %parallel_loop3A_253 = arith.muli %parallel_loop3A_252, %parallel_loop3A_210 : i32
          %parallel_loop3A_254 = arith.constant 2 : i32
          %parallel_loop3A_255 = arith.index_cast %parallel_loop3A_251 : i32 to index
          %parallel_loop3A_256 = arith.index_cast %parallel_loop3A_254 : i32 to index
          %parallel_loop3A_257 = arith.index_cast %parallel_loop3A_253 : i32 to index
          %parallel_loop3A_258 = tpu.vector_load %arg6[%parallel_loop3A_255, %parallel_loop3A_256, %parallel_loop3A_257] {strides = array<i32>} : memref<3x8x2048xf32, #tpu.memory_space<vmem>>, vector<16xf32>,
          tpu.vector_store %arg6[%parallel_loop3A_255, %parallel_loop3A_256, %parallel_loop3A_257], %parallel_loop3A_235 {strides = array<i32>} : memref<3x8x2048xf32, #tpu.memory_space<vmem>>, vector<16xf32>,
        } {sc.loop_unroll_factor = 8 : i64, sc.parallel_access}
        %and3A_150 = arith.constant 7 : i32
        %and3A_151 = vector.broadcast %and3A_150 : i32 to vector<16xi32>
        %and3A_152 = arith.andi %iota3A, %and3A_151 : vector<16xi32>
        %mul3A_153 = arith.constant 8 : i32
        %mul3A_154 = vector.broadcast %mul3A_153 : i32 to vector<16xi32>
        %mul3A_155 = arith.muli %mul3A_154, %and3A_152 : vector<16xi32>
        %add3A_156 = arith.constant 3 : i32
        %add3A_157 = vector.broadcast %add3A_156 : i32 to vector<16xi32>
        %add3A_158 = arith.addi %mul3A_155, %add3A_157 : vector<16xi32>
        %parallel_loop3A_159 = arith.constant 0 : i32
        %parallel_loop3A_160 = arith.constant 128 : i32
        %parallel_loop3A_161 = arith.constant 1 : i32
        scf.for %parallel_loop3A_210 = %parallel_loop3A_159 to %parallel_loop3A_160 step %parallel_loop3A_161  : i32 {
          %parallel_loop3A_211 = arith.constant 3 : i32
          %parallel_loop3A_212 = arith.constant 0 : i32
          %parallel_loop3A_213 = arith.cmpi eq, %parallel_loop3A_211, %parallel_loop3A_212 : i32
          %parallel_loop3A_214 = arith.constant 1 : i32
          %parallel_loop3A_215 = arith.select %parallel_loop3A_213, %parallel_loop3A_214, %parallel_loop3A_211 : i32
          %parallel_loop3A_216 = arith.remsi %scan3A_64, %parallel_loop3A_215 : i32
          %parallel_loop3A_217 = arith.constant 0 : i32
          %parallel_loop3A_218 = arith.cmpi ne, %parallel_loop3A_216, %parallel_loop3A_217 : i32
          %parallel_loop3A_219 = arith.constant 0 : i32
          %parallel_loop3A_220 = arith.cmpi slt, %parallel_loop3A_216, %parallel_loop3A_219 : i32
          %parallel_loop3A_221 = arith.constant 0 : i32
          %parallel_loop3A_222 = arith.cmpi slt, %parallel_loop3A_215, %parallel_loop3A_221 : i32
          %parallel_loop3A_223 = arith.xori %parallel_loop3A_220, %parallel_loop3A_222 : i1
          %parallel_loop3A_224 = arith.andi %parallel_loop3A_223, %parallel_loop3A_218 : i1
          %parallel_loop3A_225 = arith.addi %parallel_loop3A_216, %parallel_loop3A_215 : i32
          %parallel_loop3A_226 = arith.select %parallel_loop3A_224, %parallel_loop3A_225, %parallel_loop3A_216 : i32
          %parallel_loop3A_227 = arith.constant 2 : i32
          %parallel_loop3A_228 = arith.muli %parallel_loop3A_227, %parallel_loop3A_210 : i32
          %parallel_loop3A_229 = vector.broadcast %parallel_loop3A_228 : i32 to vector<16xi32>
          %parallel_loop3A_230 = arith.addi %shift_right_arithmetic3A_2, %parallel_loop3A_229 : vector<16xi32>
          %parallel_loop3A_231 = arith.constant 0 : i32
          %parallel_loop3A_232 = arith.constant 0 : i32
          %parallel_loop3A_233 = tpu.memref_slice %arg5[%parallel_loop3A_226, %parallel_loop3A_231, %parallel_loop3A_232] : memref<3x64x256xf32, #tpu.memory_space<vmem>> -> memref<1x64x256xf32, #tpu.memory_space<vmem>>
          %parallel_loop3A_234 = tpu.memref_squeeze %parallel_loop3A_233 : memref<1x64x256xf32, #tpu.memory_space<vmem>> -> memref<64x256xf32, #tpu.memory_space<vmem>>
          %parallel_loop3A_235 = tpu.vector_load_idx %parallel_loop3A_234[%add3A_158, %parallel_loop3A_230] : memref<64x256xf32, #tpu.memory_space<vmem>>[vector<16xi32>, vector<16xi32>], vector<16xf32>,
          %parallel_loop3A_236 = arith.constant 3 : i32
          %parallel_loop3A_237 = arith.constant 0 : i32
          %parallel_loop3A_238 = arith.cmpi eq, %parallel_loop3A_236, %parallel_loop3A_237 : i32
          %parallel_loop3A_239 = arith.constant 1 : i32
          %parallel_loop3A_240 = arith.select %parallel_loop3A_238, %parallel_loop3A_239, %parallel_loop3A_236 : i32
          %parallel_loop3A_241 = arith.remsi %scan3A_64, %parallel_loop3A_240 : i32
          %parallel_loop3A_242 = arith.constant 0 : i32
          %parallel_loop3A_243 = arith.cmpi ne, %parallel_loop3A_241, %parallel_loop3A_242 : i32
          %parallel_loop3A_244 = arith.constant 0 : i32
          %parallel_loop3A_245 = arith.cmpi slt, %parallel_loop3A_241, %parallel_loop3A_244 : i32
          %parallel_loop3A_246 = arith.constant 0 : i32
          %parallel_loop3A_247 = arith.cmpi slt, %parallel_loop3A_240, %parallel_loop3A_246 : i32
          %parallel_loop3A_248 = arith.xori %parallel_loop3A_245, %parallel_loop3A_247 : i1
          %parallel_loop3A_249 = arith.andi %parallel_loop3A_248, %parallel_loop3A_243 : i1
          %parallel_loop3A_250 = arith.addi %parallel_loop3A_241, %parallel_loop3A_240 : i32
          %parallel_loop3A_251 = arith.select %parallel_loop3A_249, %parallel_loop3A_250, %parallel_loop3A_241 : i32
          %parallel_loop3A_252 = arith.constant 16 : i32
          %parallel_loop3A_253 = arith.muli %parallel_loop3A_252, %parallel_loop3A_210 : i32
          %parallel_loop3A_254 = arith.constant 3 : i32
          %parallel_loop3A_255 = arith.index_cast %parallel_loop3A_251 : i32 to index
          %parallel_loop3A_256 = arith.index_cast %parallel_loop3A_254 : i32 to index
          %parallel_loop3A_257 = arith.index_cast %parallel_loop3A_253 : i32 to index
          %parallel_loop3A_258 = tpu.vector_load %arg6[%parallel_loop3A_255, %parallel_loop3A_256, %parallel_loop3A_257] {strides = array<i32>} : memref<3x8x2048xf32, #tpu.memory_space<vmem>>, vector<16xf32>,
          tpu.vector_store %arg6[%parallel_loop3A_255, %parallel_loop3A_256, %parallel_loop3A_257], %parallel_loop3A_235 {strides = array<i32>} : memref<3x8x2048xf32, #tpu.memory_space<vmem>>, vector<16xf32>,
        } {sc.loop_unroll_factor = 8 : i64, sc.parallel_access}
        %and3A_162 = arith.constant 7 : i32
        %and3A_163 = vector.broadcast %and3A_162 : i32 to vector<16xi32>
        %and3A_164 = arith.andi %iota3A, %and3A_163 : vector<16xi32>
        %mul3A_165 = arith.constant 8 : i32
        %mul3A_166 = vector.broadcast %mul3A_165 : i32 to vector<16xi32>
        %mul3A_167 = arith.muli %mul3A_166, %and3A_164 : vector<16xi32>
        %add3A_168 = arith.constant 4 : i32
        %add3A_169 = vector.broadcast %add3A_168 : i32 to vector<16xi32>
        %add3A_170 = arith.addi %mul3A_167, %add3A_169 : vector<16xi32>
        %parallel_loop3A_171 = arith.constant 0 : i32
        %parallel_loop3A_172 = arith.constant 128 : i32
        %parallel_loop3A_173 = arith.constant 1 : i32
        scf.for %parallel_loop3A_210 = %parallel_loop3A_171 to %parallel_loop3A_172 step %parallel_loop3A_173  : i32 {
          %parallel_loop3A_211 = arith.constant 3 : i32
          %parallel_loop3A_212 = arith.constant 0 : i32
          %parallel_loop3A_213 = arith.cmpi eq, %parallel_loop3A_211, %parallel_loop3A_212 : i32
          %parallel_loop3A_214 = arith.constant 1 : i32
          %parallel_loop3A_215 = arith.select %parallel_loop3A_213, %parallel_loop3A_214, %parallel_loop3A_211 : i32
          %parallel_loop3A_216 = arith.remsi %scan3A_64, %parallel_loop3A_215 : i32
          %parallel_loop3A_217 = arith.constant 0 : i32
          %parallel_loop3A_218 = arith.cmpi ne, %parallel_loop3A_216, %parallel_loop3A_217 : i32
          %parallel_loop3A_219 = arith.constant 0 : i32
          %parallel_loop3A_220 = arith.cmpi slt, %parallel_loop3A_216, %parallel_loop3A_219 : i32
          %parallel_loop3A_221 = arith.constant 0 : i32
          %parallel_loop3A_222 = arith.cmpi slt, %parallel_loop3A_215, %parallel_loop3A_221 : i32
          %parallel_loop3A_223 = arith.xori %parallel_loop3A_220, %parallel_loop3A_222 : i1
          %parallel_loop3A_224 = arith.andi %parallel_loop3A_223, %parallel_loop3A_218 : i1
          %parallel_loop3A_225 = arith.addi %parallel_loop3A_216, %parallel_loop3A_215 : i32
          %parallel_loop3A_226 = arith.select %parallel_loop3A_224, %parallel_loop3A_225, %parallel_loop3A_216 : i32
          %parallel_loop3A_227 = arith.constant 2 : i32
          %parallel_loop3A_228 = arith.muli %parallel_loop3A_227, %parallel_loop3A_210 : i32
          %parallel_loop3A_229 = vector.broadcast %parallel_loop3A_228 : i32 to vector<16xi32>
          %parallel_loop3A_230 = arith.addi %shift_right_arithmetic3A_2, %parallel_loop3A_229 : vector<16xi32>
          %parallel_loop3A_231 = arith.constant 0 : i32
          %parallel_loop3A_232 = arith.constant 0 : i32
          %parallel_loop3A_233 = tpu.memref_slice %arg5[%parallel_loop3A_226, %parallel_loop3A_231, %parallel_loop3A_232] : memref<3x64x256xf32, #tpu.memory_space<vmem>> -> memref<1x64x256xf32, #tpu.memory_space<vmem>>
          %parallel_loop3A_234 = tpu.memref_squeeze %parallel_loop3A_233 : memref<1x64x256xf32, #tpu.memory_space<vmem>> -> memref<64x256xf32, #tpu.memory_space<vmem>>
          %parallel_loop3A_235 = tpu.vector_load_idx %parallel_loop3A_234[%add3A_170, %parallel_loop3A_230] : memref<64x256xf32, #tpu.memory_space<vmem>>[vector<16xi32>, vector<16xi32>], vector<16xf32>,
          %parallel_loop3A_236 = arith.constant 3 : i32
          %parallel_loop3A_237 = arith.constant 0 : i32
          %parallel_loop3A_238 = arith.cmpi eq, %parallel_loop3A_236, %parallel_loop3A_237 : i32
          %parallel_loop3A_239 = arith.constant 1 : i32
          %parallel_loop3A_240 = arith.select %parallel_loop3A_238, %parallel_loop3A_239, %parallel_loop3A_236 : i32
          %parallel_loop3A_241 = arith.remsi %scan3A_64, %parallel_loop3A_240 : i32
          %parallel_loop3A_242 = arith.constant 0 : i32
          %parallel_loop3A_243 = arith.cmpi ne, %parallel_loop3A_241, %parallel_loop3A_242 : i32
          %parallel_loop3A_244 = arith.constant 0 : i32
          %parallel_loop3A_245 = arith.cmpi slt, %parallel_loop3A_241, %parallel_loop3A_244 : i32
          %parallel_loop3A_246 = arith.constant 0 : i32
          %parallel_loop3A_247 = arith.cmpi slt, %parallel_loop3A_240, %parallel_loop3A_246 : i32
          %parallel_loop3A_248 = arith.xori %parallel_loop3A_245, %parallel_loop3A_247 : i1
          %parallel_loop3A_249 = arith.andi %parallel_loop3A_248, %parallel_loop3A_243 : i1
          %parallel_loop3A_250 = arith.addi %parallel_loop3A_241, %parallel_loop3A_240 : i32
          %parallel_loop3A_251 = arith.select %parallel_loop3A_249, %parallel_loop3A_250, %parallel_loop3A_241 : i32
          %parallel_loop3A_252 = arith.constant 16 : i32
          %parallel_loop3A_253 = arith.muli %parallel_loop3A_252, %parallel_loop3A_210 : i32
          %parallel_loop3A_254 = arith.constant 4 : i32
          %parallel_loop3A_255 = arith.index_cast %parallel_loop3A_251 : i32 to index
          %parallel_loop3A_256 = arith.index_cast %parallel_loop3A_254 : i32 to index
          %parallel_loop3A_257 = arith.index_cast %parallel_loop3A_253 : i32 to index
          %parallel_loop3A_258 = tpu.vector_load %arg6[%parallel_loop3A_255, %parallel_loop3A_256, %parallel_loop3A_257] {strides = array<i32>} : memref<3x8x2048xf32, #tpu.memory_space<vmem>>, vector<16xf32>,
          tpu.vector_store %arg6[%parallel_loop3A_255, %parallel_loop3A_256, %parallel_loop3A_257], %parallel_loop3A_235 {strides = array<i32>} : memref<3x8x2048xf32, #tpu.memory_space<vmem>>, vector<16xf32>,
        } {sc.loop_unroll_factor = 8 : i64, sc.parallel_access}
        %and3A_174 = arith.constant 7 : i32
        %and3A_175 = vector.broadcast %and3A_174 : i32 to vector<16xi32>
        %and3A_176 = arith.andi %iota3A, %and3A_175 : vector<16xi32>
        %mul3A_177 = arith.constant 8 : i32
        %mul3A_178 = vector.broadcast %mul3A_177 : i32 to vector<16xi32>
        %mul3A_179 = arith.muli %mul3A_178, %and3A_176 : vector<16xi32>
        %add3A_180 = arith.constant 5 : i32
        %add3A_181 = vector.broadcast %add3A_180 : i32 to vector<16xi32>
        %add3A_182 = arith.addi %mul3A_179, %add3A_181 : vector<16xi32>
        %parallel_loop3A_183 = arith.constant 0 : i32
        %parallel_loop3A_184 = arith.constant 128 : i32
        %parallel_loop3A_185 = arith.constant 1 : i32
        scf.for %parallel_loop3A_210 = %parallel_loop3A_183 to %parallel_loop3A_184 step %parallel_loop3A_185  : i32 {
          %parallel_loop3A_211 = arith.constant 3 : i32
          %parallel_loop3A_212 = arith.constant 0 : i32
          %parallel_loop3A_213 = arith.cmpi eq, %parallel_loop3A_211, %parallel_loop3A_212 : i32
          %parallel_loop3A_214 = arith.constant 1 : i32
          %parallel_loop3A_215 = arith.select %parallel_loop3A_213, %parallel_loop3A_214, %parallel_loop3A_211 : i32
          %parallel_loop3A_216 = arith.remsi %scan3A_64, %parallel_loop3A_215 : i32
          %parallel_loop3A_217 = arith.constant 0 : i32
          %parallel_loop3A_218 = arith.cmpi ne, %parallel_loop3A_216, %parallel_loop3A_217 : i32
          %parallel_loop3A_219 = arith.constant 0 : i32
          %parallel_loop3A_220 = arith.cmpi slt, %parallel_loop3A_216, %parallel_loop3A_219 : i32
          %parallel_loop3A_221 = arith.constant 0 : i32
          %parallel_loop3A_222 = arith.cmpi slt, %parallel_loop3A_215, %parallel_loop3A_221 : i32
          %parallel_loop3A_223 = arith.xori %parallel_loop3A_220, %parallel_loop3A_222 : i1
          %parallel_loop3A_224 = arith.andi %parallel_loop3A_223, %parallel_loop3A_218 : i1
          %parallel_loop3A_225 = arith.addi %parallel_loop3A_216, %parallel_loop3A_215 : i32
          %parallel_loop3A_226 = arith.select %parallel_loop3A_224, %parallel_loop3A_225, %parallel_loop3A_216 : i32
          %parallel_loop3A_227 = arith.constant 2 : i32
          %parallel_loop3A_228 = arith.muli %parallel_loop3A_227, %parallel_loop3A_210 : i32
          %parallel_loop3A_229 = vector.broadcast %parallel_loop3A_228 : i32 to vector<16xi32>
          %parallel_loop3A_230 = arith.addi %shift_right_arithmetic3A_2, %parallel_loop3A_229 : vector<16xi32>
          %parallel_loop3A_231 = arith.constant 0 : i32
          %parallel_loop3A_232 = arith.constant 0 : i32
          %parallel_loop3A_233 = tpu.memref_slice %arg5[%parallel_loop3A_226, %parallel_loop3A_231, %parallel_loop3A_232] : memref<3x64x256xf32, #tpu.memory_space<vmem>> -> memref<1x64x256xf32, #tpu.memory_space<vmem>>
          %parallel_loop3A_234 = tpu.memref_squeeze %parallel_loop3A_233 : memref<1x64x256xf32, #tpu.memory_space<vmem>> -> memref<64x256xf32, #tpu.memory_space<vmem>>
          %parallel_loop3A_235 = tpu.vector_load_idx %parallel_loop3A_234[%add3A_182, %parallel_loop3A_230] : memref<64x256xf32, #tpu.memory_space<vmem>>[vector<16xi32>, vector<16xi32>], vector<16xf32>,
          %parallel_loop3A_236 = arith.constant 3 : i32
          %parallel_loop3A_237 = arith.constant 0 : i32
          %parallel_loop3A_238 = arith.cmpi eq, %parallel_loop3A_236, %parallel_loop3A_237 : i32
          %parallel_loop3A_239 = arith.constant 1 : i32
          %parallel_loop3A_240 = arith.select %parallel_loop3A_238, %parallel_loop3A_239, %parallel_loop3A_236 : i32
          %parallel_loop3A_241 = arith.remsi %scan3A_64, %parallel_loop3A_240 : i32
          %parallel_loop3A_242 = arith.constant 0 : i32
          %parallel_loop3A_243 = arith.cmpi ne, %parallel_loop3A_241, %parallel_loop3A_242 : i32
          %parallel_loop3A_244 = arith.constant 0 : i32
          %parallel_loop3A_245 = arith.cmpi slt, %parallel_loop3A_241, %parallel_loop3A_244 : i32
          %parallel_loop3A_246 = arith.constant 0 : i32
          %parallel_loop3A_247 = arith.cmpi slt, %parallel_loop3A_240, %parallel_loop3A_246 : i32
          %parallel_loop3A_248 = arith.xori %parallel_loop3A_245, %parallel_loop3A_247 : i1
          %parallel_loop3A_249 = arith.andi %parallel_loop3A_248, %parallel_loop3A_243 : i1
          %parallel_loop3A_250 = arith.addi %parallel_loop3A_241, %parallel_loop3A_240 : i32
          %parallel_loop3A_251 = arith.select %parallel_loop3A_249, %parallel_loop3A_250, %parallel_loop3A_241 : i32
          %parallel_loop3A_252 = arith.constant 16 : i32
          %parallel_loop3A_253 = arith.muli %parallel_loop3A_252, %parallel_loop3A_210 : i32
          %parallel_loop3A_254 = arith.constant 5 : i32
          %parallel_loop3A_255 = arith.index_cast %parallel_loop3A_251 : i32 to index
          %parallel_loop3A_256 = arith.index_cast %parallel_loop3A_254 : i32 to index
          %parallel_loop3A_257 = arith.index_cast %parallel_loop3A_253 : i32 to index
          %parallel_loop3A_258 = tpu.vector_load %arg6[%parallel_loop3A_255, %parallel_loop3A_256, %parallel_loop3A_257] {strides = array<i32>} : memref<3x8x2048xf32, #tpu.memory_space<vmem>>, vector<16xf32>,
          tpu.vector_store %arg6[%parallel_loop3A_255, %parallel_loop3A_256, %parallel_loop3A_257], %parallel_loop3A_235 {strides = array<i32>} : memref<3x8x2048xf32, #tpu.memory_space<vmem>>, vector<16xf32>,
        } {sc.loop_unroll_factor = 8 : i64, sc.parallel_access}
        %and3A_186 = arith.constant 7 : i32
        %and3A_187 = vector.broadcast %and3A_186 : i32 to vector<16xi32>
        %and3A_188 = arith.andi %iota3A, %and3A_187 : vector<16xi32>
        %mul3A_189 = arith.constant 8 : i32
        %mul3A_190 = vector.broadcast %mul3A_189 : i32 to vector<16xi32>
        %mul3A_191 = arith.muli %mul3A_190, %and3A_188 : vector<16xi32>
        %add3A_192 = arith.constant 6 : i32
        %add3A_193 = vector.broadcast %add3A_192 : i32 to vector<16xi32>
        %add3A_194 = arith.addi %mul3A_191, %add3A_193 : vector<16xi32>
        %parallel_loop3A_195 = arith.constant 0 : i32
        %parallel_loop3A_196 = arith.constant 128 : i32
        %parallel_loop3A_197 = arith.constant 1 : i32
        scf.for %parallel_loop3A_210 = %parallel_loop3A_195 to %parallel_loop3A_196 step %parallel_loop3A_197  : i32 {
          %parallel_loop3A_211 = arith.constant 3 : i32
          %parallel_loop3A_212 = arith.constant 0 : i32
          %parallel_loop3A_213 = arith.cmpi eq, %parallel_loop3A_211, %parallel_loop3A_212 : i32
          %parallel_loop3A_214 = arith.constant 1 : i32
          %parallel_loop3A_215 = arith.select %parallel_loop3A_213, %parallel_loop3A_214, %parallel_loop3A_211 : i32
          %parallel_loop3A_216 = arith.remsi %scan3A_64, %parallel_loop3A_215 : i32
          %parallel_loop3A_217 = arith.constant 0 : i32
          %parallel_loop3A_218 = arith.cmpi ne, %parallel_loop3A_216, %parallel_loop3A_217 : i32
          %parallel_loop3A_219 = arith.constant 0 : i32
          %parallel_loop3A_220 = arith.cmpi slt, %parallel_loop3A_216, %parallel_loop3A_219 : i32
          %parallel_loop3A_221 = arith.constant 0 : i32
          %parallel_loop3A_222 = arith.cmpi slt, %parallel_loop3A_215, %parallel_loop3A_221 : i32
          %parallel_loop3A_223 = arith.xori %parallel_loop3A_220, %parallel_loop3A_222 : i1
          %parallel_loop3A_224 = arith.andi %parallel_loop3A_223, %parallel_loop3A_218 : i1
          %parallel_loop3A_225 = arith.addi %parallel_loop3A_216, %parallel_loop3A_215 : i32
          %parallel_loop3A_226 = arith.select %parallel_loop3A_224, %parallel_loop3A_225, %parallel_loop3A_216 : i32
          %parallel_loop3A_227 = arith.constant 2 : i32
          %parallel_loop3A_228 = arith.muli %parallel_loop3A_227, %parallel_loop3A_210 : i32
          %parallel_loop3A_229 = vector.broadcast %parallel_loop3A_228 : i32 to vector<16xi32>
          %parallel_loop3A_230 = arith.addi %shift_right_arithmetic3A_2, %parallel_loop3A_229 : vector<16xi32>
          %parallel_loop3A_231 = arith.constant 0 : i32
          %parallel_loop3A_232 = arith.constant 0 : i32
          %parallel_loop3A_233 = tpu.memref_slice %arg5[%parallel_loop3A_226, %parallel_loop3A_231, %parallel_loop3A_232] : memref<3x64x256xf32, #tpu.memory_space<vmem>> -> memref<1x64x256xf32, #tpu.memory_space<vmem>>
          %parallel_loop3A_234 = tpu.memref_squeeze %parallel_loop3A_233 : memref<1x64x256xf32, #tpu.memory_space<vmem>> -> memref<64x256xf32, #tpu.memory_space<vmem>>
          %parallel_loop3A_235 = tpu.vector_load_idx %parallel_loop3A_234[%add3A_194, %parallel_loop3A_230] : memref<64x256xf32, #tpu.memory_space<vmem>>[vector<16xi32>, vector<16xi32>], vector<16xf32>,
          %parallel_loop3A_236 = arith.constant 3 : i32
          %parallel_loop3A_237 = arith.constant 0 : i32
          %parallel_loop3A_238 = arith.cmpi eq, %parallel_loop3A_236, %parallel_loop3A_237 : i32
          %parallel_loop3A_239 = arith.constant 1 : i32
          %parallel_loop3A_240 = arith.select %parallel_loop3A_238, %parallel_loop3A_239, %parallel_loop3A_236 : i32
          %parallel_loop3A_241 = arith.remsi %scan3A_64, %parallel_loop3A_240 : i32
          %parallel_loop3A_242 = arith.constant 0 : i32
          %parallel_loop3A_243 = arith.cmpi ne, %parallel_loop3A_241, %parallel_loop3A_242 : i32
          %parallel_loop3A_244 = arith.constant 0 : i32
          %parallel_loop3A_245 = arith.cmpi slt, %parallel_loop3A_241, %parallel_loop3A_244 : i32
          %parallel_loop3A_246 = arith.constant 0 : i32
          %parallel_loop3A_247 = arith.cmpi slt, %parallel_loop3A_240, %parallel_loop3A_246 : i32
          %parallel_loop3A_248 = arith.xori %parallel_loop3A_245, %parallel_loop3A_247 : i1
          %parallel_loop3A_249 = arith.andi %parallel_loop3A_248, %parallel_loop3A_243 : i1
          %parallel_loop3A_250 = arith.addi %parallel_loop3A_241, %parallel_loop3A_240 : i32
          %parallel_loop3A_251 = arith.select %parallel_loop3A_249, %parallel_loop3A_250, %parallel_loop3A_241 : i32
          %parallel_loop3A_252 = arith.constant 16 : i32
          %parallel_loop3A_253 = arith.muli %parallel_loop3A_252, %parallel_loop3A_210 : i32
          %parallel_loop3A_254 = arith.constant 6 : i32
          %parallel_loop3A_255 = arith.index_cast %parallel_loop3A_251 : i32 to index
          %parallel_loop3A_256 = arith.index_cast %parallel_loop3A_254 : i32 to index
          %parallel_loop3A_257 = arith.index_cast %parallel_loop3A_253 : i32 to index
          %parallel_loop3A_258 = tpu.vector_load %arg6[%parallel_loop3A_255, %parallel_loop3A_256, %parallel_loop3A_257] {strides = array<i32>} : memref<3x8x2048xf32, #tpu.memory_space<vmem>>, vector<16xf32>,
          tpu.vector_store %arg6[%parallel_loop3A_255, %parallel_loop3A_256, %parallel_loop3A_257], %parallel_loop3A_235 {strides = array<i32>} : memref<3x8x2048xf32, #tpu.memory_space<vmem>>, vector<16xf32>,
        } {sc.loop_unroll_factor = 8 : i64, sc.parallel_access}
        %and3A_198 = arith.constant 7 : i32
        %and3A_199 = vector.broadcast %and3A_198 : i32 to vector<16xi32>
        %and3A_200 = arith.andi %iota3A, %and3A_199 : vector<16xi32>
        %mul3A_201 = arith.constant 8 : i32
        %mul3A_202 = vector.broadcast %mul3A_201 : i32 to vector<16xi32>
        %mul3A_203 = arith.muli %mul3A_202, %and3A_200 : vector<16xi32>
        %add3A_204 = arith.constant 7 : i32
        %add3A_205 = vector.broadcast %add3A_204 : i32 to vector<16xi32>
        %add3A_206 = arith.addi %mul3A_203, %add3A_205 : vector<16xi32>
        %parallel_loop3A_207 = arith.constant 0 : i32
        %parallel_loop3A_208 = arith.constant 128 : i32
        %parallel_loop3A_209 = arith.constant 1 : i32
        scf.for %parallel_loop3A_210 = %parallel_loop3A_207 to %parallel_loop3A_208 step %parallel_loop3A_209  : i32 {
          %parallel_loop3A_211 = arith.constant 3 : i32
          %parallel_loop3A_212 = arith.constant 0 : i32
          %parallel_loop3A_213 = arith.cmpi eq, %parallel_loop3A_211, %parallel_loop3A_212 : i32
          %parallel_loop3A_214 = arith.constant 1 : i32
          %parallel_loop3A_215 = arith.select %parallel_loop3A_213, %parallel_loop3A_214, %parallel_loop3A_211 : i32
          %parallel_loop3A_216 = arith.remsi %scan3A_64, %parallel_loop3A_215 : i32
          %parallel_loop3A_217 = arith.constant 0 : i32
          %parallel_loop3A_218 = arith.cmpi ne, %parallel_loop3A_216, %parallel_loop3A_217 : i32
          %parallel_loop3A_219 = arith.constant 0 : i32
          %parallel_loop3A_220 = arith.cmpi slt, %parallel_loop3A_216, %parallel_loop3A_219 : i32
          %parallel_loop3A_221 = arith.constant 0 : i32
          %parallel_loop3A_222 = arith.cmpi slt, %parallel_loop3A_215, %parallel_loop3A_221 : i32
          %parallel_loop3A_223 = arith.xori %parallel_loop3A_220, %parallel_loop3A_222 : i1
          %parallel_loop3A_224 = arith.andi %parallel_loop3A_223, %parallel_loop3A_218 : i1
          %parallel_loop3A_225 = arith.addi %parallel_loop3A_216, %parallel_loop3A_215 : i32
          %parallel_loop3A_226 = arith.select %parallel_loop3A_224, %parallel_loop3A_225, %parallel_loop3A_216 : i32
          %parallel_loop3A_227 = arith.constant 2 : i32
          %parallel_loop3A_228 = arith.muli %parallel_loop3A_227, %parallel_loop3A_210 : i32
          %parallel_loop3A_229 = vector.broadcast %parallel_loop3A_228 : i32 to vector<16xi32>
          %parallel_loop3A_230 = arith.addi %shift_right_arithmetic3A_2, %parallel_loop3A_229 : vector<16xi32>
          %parallel_loop3A_231 = arith.constant 0 : i32
          %parallel_loop3A_232 = arith.constant 0 : i32
          %parallel_loop3A_233 = tpu.memref_slice %arg5[%parallel_loop3A_226, %parallel_loop3A_231, %parallel_loop3A_232] : memref<3x64x256xf32, #tpu.memory_space<vmem>> -> memref<1x64x256xf32, #tpu.memory_space<vmem>>
          %parallel_loop3A_234 = tpu.memref_squeeze %parallel_loop3A_233 : memref<1x64x256xf32, #tpu.memory_space<vmem>> -> memref<64x256xf32, #tpu.memory_space<vmem>>
          %parallel_loop3A_235 = tpu.vector_load_idx %parallel_loop3A_234[%add3A_206, %parallel_loop3A_230] : memref<64x256xf32, #tpu.memory_space<vmem>>[vector<16xi32>, vector<16xi32>], vector<16xf32>,
          %parallel_loop3A_236 = arith.constant 3 : i32
          %parallel_loop3A_237 = arith.constant 0 : i32
          %parallel_loop3A_238 = arith.cmpi eq, %parallel_loop3A_236, %parallel_loop3A_237 : i32
          %parallel_loop3A_239 = arith.constant 1 : i32
          %parallel_loop3A_240 = arith.select %parallel_loop3A_238, %parallel_loop3A_239, %parallel_loop3A_236 : i32
          %parallel_loop3A_241 = arith.remsi %scan3A_64, %parallel_loop3A_240 : i32
          %parallel_loop3A_242 = arith.constant 0 : i32
          %parallel_loop3A_243 = arith.cmpi ne, %parallel_loop3A_241, %parallel_loop3A_242 : i32
          %parallel_loop3A_244 = arith.constant 0 : i32
          %parallel_loop3A_245 = arith.cmpi slt, %parallel_loop3A_241, %parallel_loop3A_244 : i32
          %parallel_loop3A_246 = arith.constant 0 : i32
          %parallel_loop3A_247 = arith.cmpi slt, %parallel_loop3A_240, %parallel_loop3A_246 : i32
          %parallel_loop3A_248 = arith.xori %parallel_loop3A_245, %parallel_loop3A_247 : i1
          %parallel_loop3A_249 = arith.andi %parallel_loop3A_248, %parallel_loop3A_243 : i1
          %parallel_loop3A_250 = arith.addi %parallel_loop3A_241, %parallel_loop3A_240 : i32
          %parallel_loop3A_251 = arith.select %parallel_loop3A_249, %parallel_loop3A_250, %parallel_loop3A_241 : i32
          %parallel_loop3A_252 = arith.constant 16 : i32
          %parallel_loop3A_253 = arith.muli %parallel_loop3A_252, %parallel_loop3A_210 : i32
          %parallel_loop3A_254 = arith.constant 7 : i32
          %parallel_loop3A_255 = arith.index_cast %parallel_loop3A_251 : i32 to index
          %parallel_loop3A_256 = arith.index_cast %parallel_loop3A_254 : i32 to index
          %parallel_loop3A_257 = arith.index_cast %parallel_loop3A_253 : i32 to index
          %parallel_loop3A_258 = tpu.vector_load %arg6[%parallel_loop3A_255, %parallel_loop3A_256, %parallel_loop3A_257] {strides = array<i32>} : memref<3x8x2048xf32, #tpu.memory_space<vmem>>, vector<16xf32>,
          tpu.vector_store %arg6[%parallel_loop3A_255, %parallel_loop3A_256, %parallel_loop3A_257], %parallel_loop3A_235 {strides = array<i32>} : memref<3x8x2048xf32, #tpu.memory_space<vmem>>, vector<16xf32>,
        } {sc.loop_unroll_factor = 8 : i64, sc.parallel_access}
      } else {
      }
      %eq3A_98 = arith.constant 781 : i32
      %eq3A_99 = arith.cmpi eq, %add3A_92, %eq3A_98 : i32
      %convert_element_type3A_100 = arith.extui %eq3A_99 : i1 to i32
      %cond3A_101 = arith.constant 0 : i32
      %cond3A_102 = arith.cmpi ne, %convert_element_type3A_100, %cond3A_101 : i32
      scf.if %cond3A_102 {
        %and3A = arith.constant 7 : i32
        %and3A_116 = vector.broadcast %and3A : i32 to vector<16xi32>
        %and3A_117 = arith.andi %iota3A, %and3A_116 : vector<16xi32>
        %mul3A_118 = arith.constant 8 : i32
        %mul3A_119 = vector.broadcast %mul3A_118 : i32 to vector<16xi32>
        %mul3A_120 = arith.muli %mul3A_119, %and3A_117 : vector<16xi32>
        %add3A_121 = arith.constant 0 : i32
        %add3A_122 = vector.broadcast %add3A_121 : i32 to vector<16xi32>
        %add3A_123 = arith.addi %mul3A_120, %add3A_122 : vector<16xi32>
        %parallel_loop3A = arith.constant 0 : i32
        %parallel_loop3A_124 = arith.constant 32 : i32
        %parallel_loop3A_125 = arith.constant 1 : i32
        scf.for %parallel_loop3A_210 = %parallel_loop3A to %parallel_loop3A_124 step %parallel_loop3A_125  : i32 {
          %parallel_loop3A_211 = arith.constant 3 : i32
          %parallel_loop3A_212 = arith.constant 0 : i32
          %parallel_loop3A_213 = arith.cmpi eq, %parallel_loop3A_211, %parallel_loop3A_212 : i32
          %parallel_loop3A_214 = arith.constant 1 : i32
          %parallel_loop3A_215 = arith.select %parallel_loop3A_213, %parallel_loop3A_214, %parallel_loop3A_211 : i32
          %parallel_loop3A_216 = arith.remsi %scan3A_64, %parallel_loop3A_215 : i32
          %parallel_loop3A_217 = arith.constant 0 : i32
          %parallel_loop3A_218 = arith.cmpi ne, %parallel_loop3A_216, %parallel_loop3A_217 : i32
          %parallel_loop3A_219 = arith.constant 0 : i32
          %parallel_loop3A_220 = arith.cmpi slt, %parallel_loop3A_216, %parallel_loop3A_219 : i32
          %parallel_loop3A_221 = arith.constant 0 : i32
          %parallel_loop3A_222 = arith.cmpi slt, %parallel_loop3A_215, %parallel_loop3A_221 : i32
          %parallel_loop3A_223 = arith.xori %parallel_loop3A_220, %parallel_loop3A_222 : i1
          %parallel_loop3A_224 = arith.andi %parallel_loop3A_223, %parallel_loop3A_218 : i1
          %parallel_loop3A_225 = arith.addi %parallel_loop3A_216, %parallel_loop3A_215 : i32
          %parallel_loop3A_226 = arith.select %parallel_loop3A_224, %parallel_loop3A_225, %parallel_loop3A_216 : i32
          %parallel_loop3A_227 = arith.constant 2 : i32
          %parallel_loop3A_228 = arith.muli %parallel_loop3A_227, %parallel_loop3A_210 : i32
          %parallel_loop3A_229 = vector.broadcast %parallel_loop3A_228 : i32 to vector<16xi32>
          %parallel_loop3A_230 = arith.addi %shift_right_arithmetic3A_2, %parallel_loop3A_229 : vector<16xi32>
          %parallel_loop3A_231 = arith.constant 0 : i32
          %parallel_loop3A_232 = arith.constant 0 : i32
          %parallel_loop3A_233 = tpu.memref_slice %arg5[%parallel_loop3A_226, %parallel_loop3A_231, %parallel_loop3A_232] : memref<3x64x256xf32, #tpu.memory_space<vmem>> -> memref<1x64x256xf32, #tpu.memory_space<vmem>>
          %parallel_loop3A_234 = tpu.memref_squeeze %parallel_loop3A_233 : memref<1x64x256xf32, #tpu.memory_space<vmem>> -> memref<64x256xf32, #tpu.memory_space<vmem>>
          %parallel_loop3A_235 = tpu.vector_load_idx %parallel_loop3A_234[%add3A_123, %parallel_loop3A_230] : memref<64x256xf32, #tpu.memory_space<vmem>>[vector<16xi32>, vector<16xi32>], vector<16xf32>,
          %parallel_loop3A_236 = arith.constant 3 : i32
          %parallel_loop3A_237 = arith.constant 0 : i32
          %parallel_loop3A_238 = arith.cmpi eq, %parallel_loop3A_236, %parallel_loop3A_237 : i32
          %parallel_loop3A_239 = arith.constant 1 : i32
          %parallel_loop3A_240 = arith.select %parallel_loop3A_238, %parallel_loop3A_239, %parallel_loop3A_236 : i32
          %parallel_loop3A_241 = arith.remsi %scan3A_64, %parallel_loop3A_240 : i32
          %parallel_loop3A_242 = arith.constant 0 : i32
          %parallel_loop3A_243 = arith.cmpi ne, %parallel_loop3A_241, %parallel_loop3A_242 : i32
          %parallel_loop3A_244 = arith.constant 0 : i32
          %parallel_loop3A_245 = arith.cmpi slt, %parallel_loop3A_241, %parallel_loop3A_244 : i32
          %parallel_loop3A_246 = arith.constant 0 : i32
          %parallel_loop3A_247 = arith.cmpi slt, %parallel_loop3A_240, %parallel_loop3A_246 : i32
          %parallel_loop3A_248 = arith.xori %parallel_loop3A_245, %parallel_loop3A_247 : i1
          %parallel_loop3A_249 = arith.andi %parallel_loop3A_248, %parallel_loop3A_243 : i1
          %parallel_loop3A_250 = arith.addi %parallel_loop3A_241, %parallel_loop3A_240 : i32
          %parallel_loop3A_251 = arith.select %parallel_loop3A_249, %parallel_loop3A_250, %parallel_loop3A_241 : i32
          %parallel_loop3A_252 = arith.constant 16 : i32
          %parallel_loop3A_253 = arith.muli %parallel_loop3A_252, %parallel_loop3A_210 : i32
          %parallel_loop3A_254 = arith.constant 0 : i32
          %parallel_loop3A_255 = arith.index_cast %parallel_loop3A_251 : i32 to index
          %parallel_loop3A_256 = arith.index_cast %parallel_loop3A_254 : i32 to index
          %parallel_loop3A_257 = arith.index_cast %parallel_loop3A_253 : i32 to index
          %parallel_loop3A_258 = tpu.vector_load %arg6[%parallel_loop3A_255, %parallel_loop3A_256, %parallel_loop3A_257] {strides = array<i32>} : memref<3x8x2048xf32, #tpu.memory_space<vmem>>, vector<16xf32>,
          tpu.vector_store %arg6[%parallel_loop3A_255, %parallel_loop3A_256, %parallel_loop3A_257], %parallel_loop3A_235 {strides = array<i32>} : memref<3x8x2048xf32, #tpu.memory_space<vmem>>, vector<16xf32>,
        } {sc.loop_unroll_factor = 8 : i64, sc.parallel_access}
        %and3A_126 = arith.constant 7 : i32
        %and3A_127 = vector.broadcast %and3A_126 : i32 to vector<16xi32>
        %and3A_128 = arith.andi %iota3A, %and3A_127 : vector<16xi32>
        %mul3A_129 = arith.constant 8 : i32
        %mul3A_130 = vector.broadcast %mul3A_129 : i32 to vector<16xi32>
        %mul3A_131 = arith.muli %mul3A_130, %and3A_128 : vector<16xi32>
        %add3A_132 = arith.constant 1 : i32
        %add3A_133 = vector.broadcast %add3A_132 : i32 to vector<16xi32>
        %add3A_134 = arith.addi %mul3A_131, %add3A_133 : vector<16xi32>
        %parallel_loop3A_135 = arith.constant 0 : i32
        %parallel_loop3A_136 = arith.constant 32 : i32
        %parallel_loop3A_137 = arith.constant 1 : i32
        scf.for %parallel_loop3A_210 = %parallel_loop3A_135 to %parallel_loop3A_136 step %parallel_loop3A_137  : i32 {
          %parallel_loop3A_211 = arith.constant 3 : i32
          %parallel_loop3A_212 = arith.constant 0 : i32
          %parallel_loop3A_213 = arith.cmpi eq, %parallel_loop3A_211, %parallel_loop3A_212 : i32
          %parallel_loop3A_214 = arith.constant 1 : i32
          %parallel_loop3A_215 = arith.select %parallel_loop3A_213, %parallel_loop3A_214, %parallel_loop3A_211 : i32
          %parallel_loop3A_216 = arith.remsi %scan3A_64, %parallel_loop3A_215 : i32
          %parallel_loop3A_217 = arith.constant 0 : i32
          %parallel_loop3A_218 = arith.cmpi ne, %parallel_loop3A_216, %parallel_loop3A_217 : i32
          %parallel_loop3A_219 = arith.constant 0 : i32
          %parallel_loop3A_220 = arith.cmpi slt, %parallel_loop3A_216, %parallel_loop3A_219 : i32
          %parallel_loop3A_221 = arith.constant 0 : i32
          %parallel_loop3A_222 = arith.cmpi slt, %parallel_loop3A_215, %parallel_loop3A_221 : i32
          %parallel_loop3A_223 = arith.xori %parallel_loop3A_220, %parallel_loop3A_222 : i1
          %parallel_loop3A_224 = arith.andi %parallel_loop3A_223, %parallel_loop3A_218 : i1
          %parallel_loop3A_225 = arith.addi %parallel_loop3A_216, %parallel_loop3A_215 : i32
          %parallel_loop3A_226 = arith.select %parallel_loop3A_224, %parallel_loop3A_225, %parallel_loop3A_216 : i32
          %parallel_loop3A_227 = arith.constant 2 : i32
          %parallel_loop3A_228 = arith.muli %parallel_loop3A_227, %parallel_loop3A_210 : i32
          %parallel_loop3A_229 = vector.broadcast %parallel_loop3A_228 : i32 to vector<16xi32>
          %parallel_loop3A_230 = arith.addi %shift_right_arithmetic3A_2, %parallel_loop3A_229 : vector<16xi32>
          %parallel_loop3A_231 = arith.constant 0 : i32
          %parallel_loop3A_232 = arith.constant 0 : i32
          %parallel_loop3A_233 = tpu.memref_slice %arg5[%parallel_loop3A_226, %parallel_loop3A_231, %parallel_loop3A_232] : memref<3x64x256xf32, #tpu.memory_space<vmem>> -> memref<1x64x256xf32, #tpu.memory_space<vmem>>
          %parallel_loop3A_234 = tpu.memref_squeeze %parallel_loop3A_233 : memref<1x64x256xf32, #tpu.memory_space<vmem>> -> memref<64x256xf32, #tpu.memory_space<vmem>>
          %parallel_loop3A_235 = tpu.vector_load_idx %parallel_loop3A_234[%add3A_134, %parallel_loop3A_230] : memref<64x256xf32, #tpu.memory_space<vmem>>[vector<16xi32>, vector<16xi32>], vector<16xf32>,
          %parallel_loop3A_236 = arith.constant 3 : i32
          %parallel_loop3A_237 = arith.constant 0 : i32
          %parallel_loop3A_238 = arith.cmpi eq, %parallel_loop3A_236, %parallel_loop3A_237 : i32
          %parallel_loop3A_239 = arith.constant 1 : i32
          %parallel_loop3A_240 = arith.select %parallel_loop3A_238, %parallel_loop3A_239, %parallel_loop3A_236 : i32
          %parallel_loop3A_241 = arith.remsi %scan3A_64, %parallel_loop3A_240 : i32
          %parallel_loop3A_242 = arith.constant 0 : i32
          %parallel_loop3A_243 = arith.cmpi ne, %parallel_loop3A_241, %parallel_loop3A_242 : i32
          %parallel_loop3A_244 = arith.constant 0 : i32
          %parallel_loop3A_245 = arith.cmpi slt, %parallel_loop3A_241, %parallel_loop3A_244 : i32
          %parallel_loop3A_246 = arith.constant 0 : i32
          %parallel_loop3A_247 = arith.cmpi slt, %parallel_loop3A_240, %parallel_loop3A_246 : i32
          %parallel_loop3A_248 = arith.xori %parallel_loop3A_245, %parallel_loop3A_247 : i1
          %parallel_loop3A_249 = arith.andi %parallel_loop3A_248, %parallel_loop3A_243 : i1
          %parallel_loop3A_250 = arith.addi %parallel_loop3A_241, %parallel_loop3A_240 : i32
          %parallel_loop3A_251 = arith.select %parallel_loop3A_249, %parallel_loop3A_250, %parallel_loop3A_241 : i32
          %parallel_loop3A_252 = arith.constant 16 : i32
          %parallel_loop3A_253 = arith.muli %parallel_loop3A_252, %parallel_loop3A_210 : i32
          %parallel_loop3A_254 = arith.constant 1 : i32
          %parallel_loop3A_255 = arith.index_cast %parallel_loop3A_251 : i32 to index
          %parallel_loop3A_256 = arith.index_cast %parallel_loop3A_254 : i32 to index
          %parallel_loop3A_257 = arith.index_cast %parallel_loop3A_253 : i32 to index
          %parallel_loop3A_258 = tpu.vector_load %arg6[%parallel_loop3A_255, %parallel_loop3A_256, %parallel_loop3A_257] {strides = array<i32>} : memref<3x8x2048xf32, #tpu.memory_space<vmem>>, vector<16xf32>,
          tpu.vector_store %arg6[%parallel_loop3A_255, %parallel_loop3A_256, %parallel_loop3A_257], %parallel_loop3A_235 {strides = array<i32>} : memref<3x8x2048xf32, #tpu.memory_space<vmem>>, vector<16xf32>,
        } {sc.loop_unroll_factor = 8 : i64, sc.parallel_access}
        %and3A_138 = arith.constant 7 : i32
        %and3A_139 = vector.broadcast %and3A_138 : i32 to vector<16xi32>
        %and3A_140 = arith.andi %iota3A, %and3A_139 : vector<16xi32>
        %mul3A_141 = arith.constant 8 : i32
        %mul3A_142 = vector.broadcast %mul3A_141 : i32 to vector<16xi32>
        %mul3A_143 = arith.muli %mul3A_142, %and3A_140 : vector<16xi32>
        %add3A_144 = arith.constant 2 : i32
        %add3A_145 = vector.broadcast %add3A_144 : i32 to vector<16xi32>
        %add3A_146 = arith.addi %mul3A_143, %add3A_145 : vector<16xi32>
        %parallel_loop3A_147 = arith.constant 0 : i32
        %parallel_loop3A_148 = arith.constant 32 : i32
        %parallel_loop3A_149 = arith.constant 1 : i32
        scf.for %parallel_loop3A_210 = %parallel_loop3A_147 to %parallel_loop3A_148 step %parallel_loop3A_149  : i32 {
          %parallel_loop3A_211 = arith.constant 3 : i32
          %parallel_loop3A_212 = arith.constant 0 : i32
          %parallel_loop3A_213 = arith.cmpi eq, %parallel_loop3A_211, %parallel_loop3A_212 : i32
          %parallel_loop3A_214 = arith.constant 1 : i32
          %parallel_loop3A_215 = arith.select %parallel_loop3A_213, %parallel_loop3A_214, %parallel_loop3A_211 : i32
          %parallel_loop3A_216 = arith.remsi %scan3A_64, %parallel_loop3A_215 : i32
          %parallel_loop3A_217 = arith.constant 0 : i32
          %parallel_loop3A_218 = arith.cmpi ne, %parallel_loop3A_216, %parallel_loop3A_217 : i32
          %parallel_loop3A_219 = arith.constant 0 : i32
          %parallel_loop3A_220 = arith.cmpi slt, %parallel_loop3A_216, %parallel_loop3A_219 : i32
          %parallel_loop3A_221 = arith.constant 0 : i32
          %parallel_loop3A_222 = arith.cmpi slt, %parallel_loop3A_215, %parallel_loop3A_221 : i32
          %parallel_loop3A_223 = arith.xori %parallel_loop3A_220, %parallel_loop3A_222 : i1
          %parallel_loop3A_224 = arith.andi %parallel_loop3A_223, %parallel_loop3A_218 : i1
          %parallel_loop3A_225 = arith.addi %parallel_loop3A_216, %parallel_loop3A_215 : i32
          %parallel_loop3A_226 = arith.select %parallel_loop3A_224, %parallel_loop3A_225, %parallel_loop3A_216 : i32
          %parallel_loop3A_227 = arith.constant 2 : i32
          %parallel_loop3A_228 = arith.muli %parallel_loop3A_227, %parallel_loop3A_210 : i32
          %parallel_loop3A_229 = vector.broadcast %parallel_loop3A_228 : i32 to vector<16xi32>
          %parallel_loop3A_230 = arith.addi %shift_right_arithmetic3A_2, %parallel_loop3A_229 : vector<16xi32>
          %parallel_loop3A_231 = arith.constant 0 : i32
          %parallel_loop3A_232 = arith.constant 0 : i32
          %parallel_loop3A_233 = tpu.memref_slice %arg5[%parallel_loop3A_226, %parallel_loop3A_231, %parallel_loop3A_232] : memref<3x64x256xf32, #tpu.memory_space<vmem>> -> memref<1x64x256xf32, #tpu.memory_space<vmem>>
          %parallel_loop3A_234 = tpu.memref_squeeze %parallel_loop3A_233 : memref<1x64x256xf32, #tpu.memory_space<vmem>> -> memref<64x256xf32, #tpu.memory_space<vmem>>
          %parallel_loop3A_235 = tpu.vector_load_idx %parallel_loop3A_234[%add3A_146, %parallel_loop3A_230] : memref<64x256xf32, #tpu.memory_space<vmem>>[vector<16xi32>, vector<16xi32>], vector<16xf32>,
          %parallel_loop3A_236 = arith.constant 3 : i32
          %parallel_loop3A_237 = arith.constant 0 : i32
          %parallel_loop3A_238 = arith.cmpi eq, %parallel_loop3A_236, %parallel_loop3A_237 : i32
          %parallel_loop3A_239 = arith.constant 1 : i32
          %parallel_loop3A_240 = arith.select %parallel_loop3A_238, %parallel_loop3A_239, %parallel_loop3A_236 : i32
          %parallel_loop3A_241 = arith.remsi %scan3A_64, %parallel_loop3A_240 : i32
          %parallel_loop3A_242 = arith.constant 0 : i32
          %parallel_loop3A_243 = arith.cmpi ne, %parallel_loop3A_241, %parallel_loop3A_242 : i32
          %parallel_loop3A_244 = arith.constant 0 : i32
          %parallel_loop3A_245 = arith.cmpi slt, %parallel_loop3A_241, %parallel_loop3A_244 : i32
          %parallel_loop3A_246 = arith.constant 0 : i32
          %parallel_loop3A_247 = arith.cmpi slt, %parallel_loop3A_240, %parallel_loop3A_246 : i32
          %parallel_loop3A_248 = arith.xori %parallel_loop3A_245, %parallel_loop3A_247 : i1
          %parallel_loop3A_249 = arith.andi %parallel_loop3A_248, %parallel_loop3A_243 : i1
          %parallel_loop3A_250 = arith.addi %parallel_loop3A_241, %parallel_loop3A_240 : i32
          %parallel_loop3A_251 = arith.select %parallel_loop3A_249, %parallel_loop3A_250, %parallel_loop3A_241 : i32
          %parallel_loop3A_252 = arith.constant 16 : i32
          %parallel_loop3A_253 = arith.muli %parallel_loop3A_252, %parallel_loop3A_210 : i32
          %parallel_loop3A_254 = arith.constant 2 : i32
          %parallel_loop3A_255 = arith.index_cast %parallel_loop3A_251 : i32 to index
          %parallel_loop3A_256 = arith.index_cast %parallel_loop3A_254 : i32 to index
          %parallel_loop3A_257 = arith.index_cast %parallel_loop3A_253 : i32 to index
          %parallel_loop3A_258 = tpu.vector_load %arg6[%parallel_loop3A_255, %parallel_loop3A_256, %parallel_loop3A_257] {strides = array<i32>} : memref<3x8x2048xf32, #tpu.memory_space<vmem>>, vector<16xf32>,
          tpu.vector_store %arg6[%parallel_loop3A_255, %parallel_loop3A_256, %parallel_loop3A_257], %parallel_loop3A_235 {strides = array<i32>} : memref<3x8x2048xf32, #tpu.memory_space<vmem>>, vector<16xf32>,
        } {sc.loop_unroll_factor = 8 : i64, sc.parallel_access}
        %and3A_150 = arith.constant 7 : i32
        %and3A_151 = vector.broadcast %and3A_150 : i32 to vector<16xi32>
        %and3A_152 = arith.andi %iota3A, %and3A_151 : vector<16xi32>
        %mul3A_153 = arith.constant 8 : i32
        %mul3A_154 = vector.broadcast %mul3A_153 : i32 to vector<16xi32>
        %mul3A_155 = arith.muli %mul3A_154, %and3A_152 : vector<16xi32>
        %add3A_156 = arith.constant 3 : i32
        %add3A_157 = vector.broadcast %add3A_156 : i32 to vector<16xi32>
        %add3A_158 = arith.addi %mul3A_155, %add3A_157 : vector<16xi32>
        %parallel_loop3A_159 = arith.constant 0 : i32
        %parallel_loop3A_160 = arith.constant 32 : i32
        %parallel_loop3A_161 = arith.constant 1 : i32
        scf.for %parallel_loop3A_210 = %parallel_loop3A_159 to %parallel_loop3A_160 step %parallel_loop3A_161  : i32 {
          %parallel_loop3A_211 = arith.constant 3 : i32
          %parallel_loop3A_212 = arith.constant 0 : i32
          %parallel_loop3A_213 = arith.cmpi eq, %parallel_loop3A_211, %parallel_loop3A_212 : i32
          %parallel_loop3A_214 = arith.constant 1 : i32
          %parallel_loop3A_215 = arith.select %parallel_loop3A_213, %parallel_loop3A_214, %parallel_loop3A_211 : i32
          %parallel_loop3A_216 = arith.remsi %scan3A_64, %parallel_loop3A_215 : i32
          %parallel_loop3A_217 = arith.constant 0 : i32
          %parallel_loop3A_218 = arith.cmpi ne, %parallel_loop3A_216, %parallel_loop3A_217 : i32
          %parallel_loop3A_219 = arith.constant 0 : i32
          %parallel_loop3A_220 = arith.cmpi slt, %parallel_loop3A_216, %parallel_loop3A_219 : i32
          %parallel_loop3A_221 = arith.constant 0 : i32
          %parallel_loop3A_222 = arith.cmpi slt, %parallel_loop3A_215, %parallel_loop3A_221 : i32
          %parallel_loop3A_223 = arith.xori %parallel_loop3A_220, %parallel_loop3A_222 : i1
          %parallel_loop3A_224 = arith.andi %parallel_loop3A_223, %parallel_loop3A_218 : i1
          %parallel_loop3A_225 = arith.addi %parallel_loop3A_216, %parallel_loop3A_215 : i32
          %parallel_loop3A_226 = arith.select %parallel_loop3A_224, %parallel_loop3A_225, %parallel_loop3A_216 : i32
          %parallel_loop3A_227 = arith.constant 2 : i32
          %parallel_loop3A_228 = arith.muli %parallel_loop3A_227, %parallel_loop3A_210 : i32
          %parallel_loop3A_229 = vector.broadcast %parallel_loop3A_228 : i32 to vector<16xi32>
          %parallel_loop3A_230 = arith.addi %shift_right_arithmetic3A_2, %parallel_loop3A_229 : vector<16xi32>
          %parallel_loop3A_231 = arith.constant 0 : i32
          %parallel_loop3A_232 = arith.constant 0 : i32
          %parallel_loop3A_233 = tpu.memref_slice %arg5[%parallel_loop3A_226, %parallel_loop3A_231, %parallel_loop3A_232] : memref<3x64x256xf32, #tpu.memory_space<vmem>> -> memref<1x64x256xf32, #tpu.memory_space<vmem>>
          %parallel_loop3A_234 = tpu.memref_squeeze %parallel_loop3A_233 : memref<1x64x256xf32, #tpu.memory_space<vmem>> -> memref<64x256xf32, #tpu.memory_space<vmem>>
          %parallel_loop3A_235 = tpu.vector_load_idx %parallel_loop3A_234[%add3A_158, %parallel_loop3A_230] : memref<64x256xf32, #tpu.memory_space<vmem>>[vector<16xi32>, vector<16xi32>], vector<16xf32>,
          %parallel_loop3A_236 = arith.constant 3 : i32
          %parallel_loop3A_237 = arith.constant 0 : i32
          %parallel_loop3A_238 = arith.cmpi eq, %parallel_loop3A_236, %parallel_loop3A_237 : i32
          %parallel_loop3A_239 = arith.constant 1 : i32
          %parallel_loop3A_240 = arith.select %parallel_loop3A_238, %parallel_loop3A_239, %parallel_loop3A_236 : i32
          %parallel_loop3A_241 = arith.remsi %scan3A_64, %parallel_loop3A_240 : i32
          %parallel_loop3A_242 = arith.constant 0 : i32
          %parallel_loop3A_243 = arith.cmpi ne, %parallel_loop3A_241, %parallel_loop3A_242 : i32
          %parallel_loop3A_244 = arith.constant 0 : i32
          %parallel_loop3A_245 = arith.cmpi slt, %parallel_loop3A_241, %parallel_loop3A_244 : i32
          %parallel_loop3A_246 = arith.constant 0 : i32
          %parallel_loop3A_247 = arith.cmpi slt, %parallel_loop3A_240, %parallel_loop3A_246 : i32
          %parallel_loop3A_248 = arith.xori %parallel_loop3A_245, %parallel_loop3A_247 : i1
          %parallel_loop3A_249 = arith.andi %parallel_loop3A_248, %parallel_loop3A_243 : i1
          %parallel_loop3A_250 = arith.addi %parallel_loop3A_241, %parallel_loop3A_240 : i32
          %parallel_loop3A_251 = arith.select %parallel_loop3A_249, %parallel_loop3A_250, %parallel_loop3A_241 : i32
          %parallel_loop3A_252 = arith.constant 16 : i32
          %parallel_loop3A_253 = arith.muli %parallel_loop3A_252, %parallel_loop3A_210 : i32
          %parallel_loop3A_254 = arith.constant 3 : i32
          %parallel_loop3A_255 = arith.index_cast %parallel_loop3A_251 : i32 to index
          %parallel_loop3A_256 = arith.index_cast %parallel_loop3A_254 : i32 to index
          %parallel_loop3A_257 = arith.index_cast %parallel_loop3A_253 : i32 to index
          %parallel_loop3A_258 = tpu.vector_load %arg6[%parallel_loop3A_255, %parallel_loop3A_256, %parallel_loop3A_257] {strides = array<i32>} : memref<3x8x2048xf32, #tpu.memory_space<vmem>>, vector<16xf32>,
          tpu.vector_store %arg6[%parallel_loop3A_255, %parallel_loop3A_256, %parallel_loop3A_257], %parallel_loop3A_235 {strides = array<i32>} : memref<3x8x2048xf32, #tpu.memory_space<vmem>>, vector<16xf32>,
        } {sc.loop_unroll_factor = 8 : i64, sc.parallel_access}
        %and3A_162 = arith.constant 7 : i32
        %and3A_163 = vector.broadcast %and3A_162 : i32 to vector<16xi32>
        %and3A_164 = arith.andi %iota3A, %and3A_163 : vector<16xi32>
        %mul3A_165 = arith.constant 8 : i32
        %mul3A_166 = vector.broadcast %mul3A_165 : i32 to vector<16xi32>
        %mul3A_167 = arith.muli %mul3A_166, %and3A_164 : vector<16xi32>
        %add3A_168 = arith.constant 4 : i32
        %add3A_169 = vector.broadcast %add3A_168 : i32 to vector<16xi32>
        %add3A_170 = arith.addi %mul3A_167, %add3A_169 : vector<16xi32>
        %parallel_loop3A_171 = arith.constant 0 : i32
        %parallel_loop3A_172 = arith.constant 32 : i32
        %parallel_loop3A_173 = arith.constant 1 : i32
        scf.for %parallel_loop3A_210 = %parallel_loop3A_171 to %parallel_loop3A_172 step %parallel_loop3A_173  : i32 {
          %parallel_loop3A_211 = arith.constant 3 : i32
          %parallel_loop3A_212 = arith.constant 0 : i32
          %parallel_loop3A_213 = arith.cmpi eq, %parallel_loop3A_211, %parallel_loop3A_212 : i32
          %parallel_loop3A_214 = arith.constant 1 : i32
          %parallel_loop3A_215 = arith.select %parallel_loop3A_213, %parallel_loop3A_214, %parallel_loop3A_211 : i32
          %parallel_loop3A_216 = arith.remsi %scan3A_64, %parallel_loop3A_215 : i32
          %parallel_loop3A_217 = arith.constant 0 : i32
          %parallel_loop3A_218 = arith.cmpi ne, %parallel_loop3A_216, %parallel_loop3A_217 : i32
          %parallel_loop3A_219 = arith.constant 0 : i32
          %parallel_loop3A_220 = arith.cmpi slt, %parallel_loop3A_216, %parallel_loop3A_219 : i32
          %parallel_loop3A_221 = arith.constant 0 : i32
          %parallel_loop3A_222 = arith.cmpi slt, %parallel_loop3A_215, %parallel_loop3A_221 : i32
          %parallel_loop3A_223 = arith.xori %parallel_loop3A_220, %parallel_loop3A_222 : i1
          %parallel_loop3A_224 = arith.andi %parallel_loop3A_223, %parallel_loop3A_218 : i1
          %parallel_loop3A_225 = arith.addi %parallel_loop3A_216, %parallel_loop3A_215 : i32
          %parallel_loop3A_226 = arith.select %parallel_loop3A_224, %parallel_loop3A_225, %parallel_loop3A_216 : i32
          %parallel_loop3A_227 = arith.constant 2 : i32
          %parallel_loop3A_228 = arith.muli %parallel_loop3A_227, %parallel_loop3A_210 : i32
          %parallel_loop3A_229 = vector.broadcast %parallel_loop3A_228 : i32 to vector<16xi32>
          %parallel_loop3A_230 = arith.addi %shift_right_arithmetic3A_2, %parallel_loop3A_229 : vector<16xi32>
          %parallel_loop3A_231 = arith.constant 0 : i32
          %parallel_loop3A_232 = arith.constant 0 : i32
          %parallel_loop3A_233 = tpu.memref_slice %arg5[%parallel_loop3A_226, %parallel_loop3A_231, %parallel_loop3A_232] : memref<3x64x256xf32, #tpu.memory_space<vmem>> -> memref<1x64x256xf32, #tpu.memory_space<vmem>>
          %parallel_loop3A_234 = tpu.memref_squeeze %parallel_loop3A_233 : memref<1x64x256xf32, #tpu.memory_space<vmem>> -> memref<64x256xf32, #tpu.memory_space<vmem>>
          %parallel_loop3A_235 = tpu.vector_load_idx %parallel_loop3A_234[%add3A_170, %parallel_loop3A_230] : memref<64x256xf32, #tpu.memory_space<vmem>>[vector<16xi32>, vector<16xi32>], vector<16xf32>,
          %parallel_loop3A_236 = arith.constant 3 : i32
          %parallel_loop3A_237 = arith.constant 0 : i32
          %parallel_loop3A_238 = arith.cmpi eq, %parallel_loop3A_236, %parallel_loop3A_237 : i32
          %parallel_loop3A_239 = arith.constant 1 : i32
          %parallel_loop3A_240 = arith.select %parallel_loop3A_238, %parallel_loop3A_239, %parallel_loop3A_236 : i32
          %parallel_loop3A_241 = arith.remsi %scan3A_64, %parallel_loop3A_240 : i32
          %parallel_loop3A_242 = arith.constant 0 : i32
          %parallel_loop3A_243 = arith.cmpi ne, %parallel_loop3A_241, %parallel_loop3A_242 : i32
          %parallel_loop3A_244 = arith.constant 0 : i32
          %parallel_loop3A_245 = arith.cmpi slt, %parallel_loop3A_241, %parallel_loop3A_244 : i32
          %parallel_loop3A_246 = arith.constant 0 : i32
          %parallel_loop3A_247 = arith.cmpi slt, %parallel_loop3A_240, %parallel_loop3A_246 : i32
          %parallel_loop3A_248 = arith.xori %parallel_loop3A_245, %parallel_loop3A_247 : i1
          %parallel_loop3A_249 = arith.andi %parallel_loop3A_248, %parallel_loop3A_243 : i1
          %parallel_loop3A_250 = arith.addi %parallel_loop3A_241, %parallel_loop3A_240 : i32
          %parallel_loop3A_251 = arith.select %parallel_loop3A_249, %parallel_loop3A_250, %parallel_loop3A_241 : i32
          %parallel_loop3A_252 = arith.constant 16 : i32
          %parallel_loop3A_253 = arith.muli %parallel_loop3A_252, %parallel_loop3A_210 : i32
          %parallel_loop3A_254 = arith.constant 4 : i32
          %parallel_loop3A_255 = arith.index_cast %parallel_loop3A_251 : i32 to index
          %parallel_loop3A_256 = arith.index_cast %parallel_loop3A_254 : i32 to index
          %parallel_loop3A_257 = arith.index_cast %parallel_loop3A_253 : i32 to index
          %parallel_loop3A_258 = tpu.vector_load %arg6[%parallel_loop3A_255, %parallel_loop3A_256, %parallel_loop3A_257] {strides = array<i32>} : memref<3x8x2048xf32, #tpu.memory_space<vmem>>, vector<16xf32>,
          tpu.vector_store %arg6[%parallel_loop3A_255, %parallel_loop3A_256, %parallel_loop3A_257], %parallel_loop3A_235 {strides = array<i32>} : memref<3x8x2048xf32, #tpu.memory_space<vmem>>, vector<16xf32>,
        } {sc.loop_unroll_factor = 8 : i64, sc.parallel_access}
        %and3A_174 = arith.constant 7 : i32
        %and3A_175 = vector.broadcast %and3A_174 : i32 to vector<16xi32>
        %and3A_176 = arith.andi %iota3A, %and3A_175 : vector<16xi32>
        %mul3A_177 = arith.constant 8 : i32
        %mul3A_178 = vector.broadcast %mul3A_177 : i32 to vector<16xi32>
        %mul3A_179 = arith.muli %mul3A_178, %and3A_176 : vector<16xi32>
        %add3A_180 = arith.constant 5 : i32
        %add3A_181 = vector.broadcast %add3A_180 : i32 to vector<16xi32>
        %add3A_182 = arith.addi %mul3A_179, %add3A_181 : vector<16xi32>
        %parallel_loop3A_183 = arith.constant 0 : i32
        %parallel_loop3A_184 = arith.constant 32 : i32
        %parallel_loop3A_185 = arith.constant 1 : i32
        scf.for %parallel_loop3A_210 = %parallel_loop3A_183 to %parallel_loop3A_184 step %parallel_loop3A_185  : i32 {
          %parallel_loop3A_211 = arith.constant 3 : i32
          %parallel_loop3A_212 = arith.constant 0 : i32
          %parallel_loop3A_213 = arith.cmpi eq, %parallel_loop3A_211, %parallel_loop3A_212 : i32
          %parallel_loop3A_214 = arith.constant 1 : i32
          %parallel_loop3A_215 = arith.select %parallel_loop3A_213, %parallel_loop3A_214, %parallel_loop3A_211 : i32
          %parallel_loop3A_216 = arith.remsi %scan3A_64, %parallel_loop3A_215 : i32
          %parallel_loop3A_217 = arith.constant 0 : i32
          %parallel_loop3A_218 = arith.cmpi ne, %parallel_loop3A_216, %parallel_loop3A_217 : i32
          %parallel_loop3A_219 = arith.constant 0 : i32
          %parallel_loop3A_220 = arith.cmpi slt, %parallel_loop3A_216, %parallel_loop3A_219 : i32
          %parallel_loop3A_221 = arith.constant 0 : i32
          %parallel_loop3A_222 = arith.cmpi slt, %parallel_loop3A_215, %parallel_loop3A_221 : i32
          %parallel_loop3A_223 = arith.xori %parallel_loop3A_220, %parallel_loop3A_222 : i1
          %parallel_loop3A_224 = arith.andi %parallel_loop3A_223, %parallel_loop3A_218 : i1
          %parallel_loop3A_225 = arith.addi %parallel_loop3A_216, %parallel_loop3A_215 : i32
          %parallel_loop3A_226 = arith.select %parallel_loop3A_224, %parallel_loop3A_225, %parallel_loop3A_216 : i32
          %parallel_loop3A_227 = arith.constant 2 : i32
          %parallel_loop3A_228 = arith.muli %parallel_loop3A_227, %parallel_loop3A_210 : i32
          %parallel_loop3A_229 = vector.broadcast %parallel_loop3A_228 : i32 to vector<16xi32>
          %parallel_loop3A_230 = arith.addi %shift_right_arithmetic3A_2, %parallel_loop3A_229 : vector<16xi32>
          %parallel_loop3A_231 = arith.constant 0 : i32
          %parallel_loop3A_232 = arith.constant 0 : i32
          %parallel_loop3A_233 = tpu.memref_slice %arg5[%parallel_loop3A_226, %parallel_loop3A_231, %parallel_loop3A_232] : memref<3x64x256xf32, #tpu.memory_space<vmem>> -> memref<1x64x256xf32, #tpu.memory_space<vmem>>
          %parallel_loop3A_234 = tpu.memref_squeeze %parallel_loop3A_233 : memref<1x64x256xf32, #tpu.memory_space<vmem>> -> memref<64x256xf32, #tpu.memory_space<vmem>>
          %parallel_loop3A_235 = tpu.vector_load_idx %parallel_loop3A_234[%add3A_182, %parallel_loop3A_230] : memref<64x256xf32, #tpu.memory_space<vmem>>[vector<16xi32>, vector<16xi32>], vector<16xf32>,
          %parallel_loop3A_236 = arith.constant 3 : i32
          %parallel_loop3A_237 = arith.constant 0 : i32
          %parallel_loop3A_238 = arith.cmpi eq, %parallel_loop3A_236, %parallel_loop3A_237 : i32
          %parallel_loop3A_239 = arith.constant 1 : i32
          %parallel_loop3A_240 = arith.select %parallel_loop3A_238, %parallel_loop3A_239, %parallel_loop3A_236 : i32
          %parallel_loop3A_241 = arith.remsi %scan3A_64, %parallel_loop3A_240 : i32
          %parallel_loop3A_242 = arith.constant 0 : i32
          %parallel_loop3A_243 = arith.cmpi ne, %parallel_loop3A_241, %parallel_loop3A_242 : i32
          %parallel_loop3A_244 = arith.constant 0 : i32
          %parallel_loop3A_245 = arith.cmpi slt, %parallel_loop3A_241, %parallel_loop3A_244 : i32
          %parallel_loop3A_246 = arith.constant 0 : i32
          %parallel_loop3A_247 = arith.cmpi slt, %parallel_loop3A_240, %parallel_loop3A_246 : i32
          %parallel_loop3A_248 = arith.xori %parallel_loop3A_245, %parallel_loop3A_247 : i1
          %parallel_loop3A_249 = arith.andi %parallel_loop3A_248, %parallel_loop3A_243 : i1
          %parallel_loop3A_250 = arith.addi %parallel_loop3A_241, %parallel_loop3A_240 : i32
          %parallel_loop3A_251 = arith.select %parallel_loop3A_249, %parallel_loop3A_250, %parallel_loop3A_241 : i32
          %parallel_loop3A_252 = arith.constant 16 : i32
          %parallel_loop3A_253 = arith.muli %parallel_loop3A_252, %parallel_loop3A_210 : i32
          %parallel_loop3A_254 = arith.constant 5 : i32
          %parallel_loop3A_255 = arith.index_cast %parallel_loop3A_251 : i32 to index
          %parallel_loop3A_256 = arith.index_cast %parallel_loop3A_254 : i32 to index
          %parallel_loop3A_257 = arith.index_cast %parallel_loop3A_253 : i32 to index
          %parallel_loop3A_258 = tpu.vector_load %arg6[%parallel_loop3A_255, %parallel_loop3A_256, %parallel_loop3A_257] {strides = array<i32>} : memref<3x8x2048xf32, #tpu.memory_space<vmem>>, vector<16xf32>,
          tpu.vector_store %arg6[%parallel_loop3A_255, %parallel_loop3A_256, %parallel_loop3A_257], %parallel_loop3A_235 {strides = array<i32>} : memref<3x8x2048xf32, #tpu.memory_space<vmem>>, vector<16xf32>,
        } {sc.loop_unroll_factor = 8 : i64, sc.parallel_access}
        %and3A_186 = arith.constant 7 : i32
        %and3A_187 = vector.broadcast %and3A_186 : i32 to vector<16xi32>
        %and3A_188 = arith.andi %iota3A, %and3A_187 : vector<16xi32>
        %mul3A_189 = arith.constant 8 : i32
        %mul3A_190 = vector.broadcast %mul3A_189 : i32 to vector<16xi32>
        %mul3A_191 = arith.muli %mul3A_190, %and3A_188 : vector<16xi32>
        %add3A_192 = arith.constant 6 : i32
        %add3A_193 = vector.broadcast %add3A_192 : i32 to vector<16xi32>
        %add3A_194 = arith.addi %mul3A_191, %add3A_193 : vector<16xi32>
        %parallel_loop3A_195 = arith.constant 0 : i32
        %parallel_loop3A_196 = arith.constant 32 : i32
        %parallel_loop3A_197 = arith.constant 1 : i32
        scf.for %parallel_loop3A_210 = %parallel_loop3A_195 to %parallel_loop3A_196 step %parallel_loop3A_197  : i32 {
          %parallel_loop3A_211 = arith.constant 3 : i32
          %parallel_loop3A_212 = arith.constant 0 : i32
          %parallel_loop3A_213 = arith.cmpi eq, %parallel_loop3A_211, %parallel_loop3A_212 : i32
          %parallel_loop3A_214 = arith.constant 1 : i32
          %parallel_loop3A_215 = arith.select %parallel_loop3A_213, %parallel_loop3A_214, %parallel_loop3A_211 : i32
          %parallel_loop3A_216 = arith.remsi %scan3A_64, %parallel_loop3A_215 : i32
          %parallel_loop3A_217 = arith.constant 0 : i32
          %parallel_loop3A_218 = arith.cmpi ne, %parallel_loop3A_216, %parallel_loop3A_217 : i32
          %parallel_loop3A_219 = arith.constant 0 : i32
          %parallel_loop3A_220 = arith.cmpi slt, %parallel_loop3A_216, %parallel_loop3A_219 : i32
          %parallel_loop3A_221 = arith.constant 0 : i32
          %parallel_loop3A_222 = arith.cmpi slt, %parallel_loop3A_215, %parallel_loop3A_221 : i32
          %parallel_loop3A_223 = arith.xori %parallel_loop3A_220, %parallel_loop3A_222 : i1
          %parallel_loop3A_224 = arith.andi %parallel_loop3A_223, %parallel_loop3A_218 : i1
          %parallel_loop3A_225 = arith.addi %parallel_loop3A_216, %parallel_loop3A_215 : i32
          %parallel_loop3A_226 = arith.select %parallel_loop3A_224, %parallel_loop3A_225, %parallel_loop3A_216 : i32
          %parallel_loop3A_227 = arith.constant 2 : i32
          %parallel_loop3A_228 = arith.muli %parallel_loop3A_227, %parallel_loop3A_210 : i32
          %parallel_loop3A_229 = vector.broadcast %parallel_loop3A_228 : i32 to vector<16xi32>
          %parallel_loop3A_230 = arith.addi %shift_right_arithmetic3A_2, %parallel_loop3A_229 : vector<16xi32>
          %parallel_loop3A_231 = arith.constant 0 : i32
          %parallel_loop3A_232 = arith.constant 0 : i32
          %parallel_loop3A_233 = tpu.memref_slice %arg5[%parallel_loop3A_226, %parallel_loop3A_231, %parallel_loop3A_232] : memref<3x64x256xf32, #tpu.memory_space<vmem>> -> memref<1x64x256xf32, #tpu.memory_space<vmem>>
          %parallel_loop3A_234 = tpu.memref_squeeze %parallel_loop3A_233 : memref<1x64x256xf32, #tpu.memory_space<vmem>> -> memref<64x256xf32, #tpu.memory_space<vmem>>
          %parallel_loop3A_235 = tpu.vector_load_idx %parallel_loop3A_234[%add3A_194, %parallel_loop3A_230] : memref<64x256xf32, #tpu.memory_space<vmem>>[vector<16xi32>, vector<16xi32>], vector<16xf32>,
          %parallel_loop3A_236 = arith.constant 3 : i32
          %parallel_loop3A_237 = arith.constant 0 : i32
          %parallel_loop3A_238 = arith.cmpi eq, %parallel_loop3A_236, %parallel_loop3A_237 : i32
          %parallel_loop3A_239 = arith.constant 1 : i32
          %parallel_loop3A_240 = arith.select %parallel_loop3A_238, %parallel_loop3A_239, %parallel_loop3A_236 : i32
          %parallel_loop3A_241 = arith.remsi %scan3A_64, %parallel_loop3A_240 : i32
          %parallel_loop3A_242 = arith.constant 0 : i32
          %parallel_loop3A_243 = arith.cmpi ne, %parallel_loop3A_241, %parallel_loop3A_242 : i32
          %parallel_loop3A_244 = arith.constant 0 : i32
          %parallel_loop3A_245 = arith.cmpi slt, %parallel_loop3A_241, %parallel_loop3A_244 : i32
          %parallel_loop3A_246 = arith.constant 0 : i32
          %parallel_loop3A_247 = arith.cmpi slt, %parallel_loop3A_240, %parallel_loop3A_246 : i32
          %parallel_loop3A_248 = arith.xori %parallel_loop3A_245, %parallel_loop3A_247 : i1
          %parallel_loop3A_249 = arith.andi %parallel_loop3A_248, %parallel_loop3A_243 : i1
          %parallel_loop3A_250 = arith.addi %parallel_loop3A_241, %parallel_loop3A_240 : i32
          %parallel_loop3A_251 = arith.select %parallel_loop3A_249, %parallel_loop3A_250, %parallel_loop3A_241 : i32
          %parallel_loop3A_252 = arith.constant 16 : i32
          %parallel_loop3A_253 = arith.muli %parallel_loop3A_252, %parallel_loop3A_210 : i32
          %parallel_loop3A_254 = arith.constant 6 : i32
          %parallel_loop3A_255 = arith.index_cast %parallel_loop3A_251 : i32 to index
          %parallel_loop3A_256 = arith.index_cast %parallel_loop3A_254 : i32 to index
          %parallel_loop3A_257 = arith.index_cast %parallel_loop3A_253 : i32 to index
          %parallel_loop3A_258 = tpu.vector_load %arg6[%parallel_loop3A_255, %parallel_loop3A_256, %parallel_loop3A_257] {strides = array<i32>} : memref<3x8x2048xf32, #tpu.memory_space<vmem>>, vector<16xf32>,
          tpu.vector_store %arg6[%parallel_loop3A_255, %parallel_loop3A_256, %parallel_loop3A_257], %parallel_loop3A_235 {strides = array<i32>} : memref<3x8x2048xf32, #tpu.memory_space<vmem>>, vector<16xf32>,
        } {sc.loop_unroll_factor = 8 : i64, sc.parallel_access}
        %and3A_198 = arith.constant 7 : i32
        %and3A_199 = vector.broadcast %and3A_198 : i32 to vector<16xi32>
        %and3A_200 = arith.andi %iota3A, %and3A_199 : vector<16xi32>
        %mul3A_201 = arith.constant 8 : i32
        %mul3A_202 = vector.broadcast %mul3A_201 : i32 to vector<16xi32>
        %mul3A_203 = arith.muli %mul3A_202, %and3A_200 : vector<16xi32>
        %add3A_204 = arith.constant 7 : i32
        %add3A_205 = vector.broadcast %add3A_204 : i32 to vector<16xi32>
        %add3A_206 = arith.addi %mul3A_203, %add3A_205 : vector<16xi32>
        %parallel_loop3A_207 = arith.constant 0 : i32
        %parallel_loop3A_208 = arith.constant 32 : i32
        %parallel_loop3A_209 = arith.constant 1 : i32
        scf.for %parallel_loop3A_210 = %parallel_loop3A_207 to %parallel_loop3A_208 step %parallel_loop3A_209  : i32 {
          %parallel_loop3A_211 = arith.constant 3 : i32
          %parallel_loop3A_212 = arith.constant 0 : i32
          %parallel_loop3A_213 = arith.cmpi eq, %parallel_loop3A_211, %parallel_loop3A_212 : i32
          %parallel_loop3A_214 = arith.constant 1 : i32
          %parallel_loop3A_215 = arith.select %parallel_loop3A_213, %parallel_loop3A_214, %parallel_loop3A_211 : i32
          %parallel_loop3A_216 = arith.remsi %scan3A_64, %parallel_loop3A_215 : i32
          %parallel_loop3A_217 = arith.constant 0 : i32
          %parallel_loop3A_218 = arith.cmpi ne, %parallel_loop3A_216, %parallel_loop3A_217 : i32
          %parallel_loop3A_219 = arith.constant 0 : i32
          %parallel_loop3A_220 = arith.cmpi slt, %parallel_loop3A_216, %parallel_loop3A_219 : i32
          %parallel_loop3A_221 = arith.constant 0 : i32
          %parallel_loop3A_222 = arith.cmpi slt, %parallel_loop3A_215, %parallel_loop3A_221 : i32
          %parallel_loop3A_223 = arith.xori %parallel_loop3A_220, %parallel_loop3A_222 : i1
          %parallel_loop3A_224 = arith.andi %parallel_loop3A_223, %parallel_loop3A_218 : i1
          %parallel_loop3A_225 = arith.addi %parallel_loop3A_216, %parallel_loop3A_215 : i32
          %parallel_loop3A_226 = arith.select %parallel_loop3A_224, %parallel_loop3A_225, %parallel_loop3A_216 : i32
          %parallel_loop3A_227 = arith.constant 2 : i32
          %parallel_loop3A_228 = arith.muli %parallel_loop3A_227, %parallel_loop3A_210 : i32
          %parallel_loop3A_229 = vector.broadcast %parallel_loop3A_228 : i32 to vector<16xi32>
          %parallel_loop3A_230 = arith.addi %shift_right_arithmetic3A_2, %parallel_loop3A_229 : vector<16xi32>
          %parallel_loop3A_231 = arith.constant 0 : i32
          %parallel_loop3A_232 = arith.constant 0 : i32
          %parallel_loop3A_233 = tpu.memref_slice %arg5[%parallel_loop3A_226, %parallel_loop3A_231, %parallel_loop3A_232] : memref<3x64x256xf32, #tpu.memory_space<vmem>> -> memref<1x64x256xf32, #tpu.memory_space<vmem>>
          %parallel_loop3A_234 = tpu.memref_squeeze %parallel_loop3A_233 : memref<1x64x256xf32, #tpu.memory_space<vmem>> -> memref<64x256xf32, #tpu.memory_space<vmem>>
          %parallel_loop3A_235 = tpu.vector_load_idx %parallel_loop3A_234[%add3A_206, %parallel_loop3A_230] : memref<64x256xf32, #tpu.memory_space<vmem>>[vector<16xi32>, vector<16xi32>], vector<16xf32>,
          %parallel_loop3A_236 = arith.constant 3 : i32
          %parallel_loop3A_237 = arith.constant 0 : i32
          %parallel_loop3A_238 = arith.cmpi eq, %parallel_loop3A_236, %parallel_loop3A_237 : i32
          %parallel_loop3A_239 = arith.constant 1 : i32
          %parallel_loop3A_240 = arith.select %parallel_loop3A_238, %parallel_loop3A_239, %parallel_loop3A_236 : i32
          %parallel_loop3A_241 = arith.remsi %scan3A_64, %parallel_loop3A_240 : i32
          %parallel_loop3A_242 = arith.constant 0 : i32
          %parallel_loop3A_243 = arith.cmpi ne, %parallel_loop3A_241, %parallel_loop3A_242 : i32
          %parallel_loop3A_244 = arith.constant 0 : i32
          %parallel_loop3A_245 = arith.cmpi slt, %parallel_loop3A_241, %parallel_loop3A_244 : i32
          %parallel_loop3A_246 = arith.constant 0 : i32
          %parallel_loop3A_247 = arith.cmpi slt, %parallel_loop3A_240, %parallel_loop3A_246 : i32
          %parallel_loop3A_248 = arith.xori %parallel_loop3A_245, %parallel_loop3A_247 : i1
          %parallel_loop3A_249 = arith.andi %parallel_loop3A_248, %parallel_loop3A_243 : i1
          %parallel_loop3A_250 = arith.addi %parallel_loop3A_241, %parallel_loop3A_240 : i32
          %parallel_loop3A_251 = arith.select %parallel_loop3A_249, %parallel_loop3A_250, %parallel_loop3A_241 : i32
          %parallel_loop3A_252 = arith.constant 16 : i32
          %parallel_loop3A_253 = arith.muli %parallel_loop3A_252, %parallel_loop3A_210 : i32
          %parallel_loop3A_254 = arith.constant 7 : i32
          %parallel_loop3A_255 = arith.index_cast %parallel_loop3A_251 : i32 to index
          %parallel_loop3A_256 = arith.index_cast %parallel_loop3A_254 : i32 to index
          %parallel_loop3A_257 = arith.index_cast %parallel_loop3A_253 : i32 to index
          %parallel_loop3A_258 = tpu.vector_load %arg6[%parallel_loop3A_255, %parallel_loop3A_256, %parallel_loop3A_257] {strides = array<i32>} : memref<3x8x2048xf32, #tpu.memory_space<vmem>>, vector<16xf32>,
          tpu.vector_store %arg6[%parallel_loop3A_255, %parallel_loop3A_256, %parallel_loop3A_257], %parallel_loop3A_235 {strides = array<i32>} : memref<3x8x2048xf32, #tpu.memory_space<vmem>>, vector<16xf32>,
        } {sc.loop_unroll_factor = 8 : i64, sc.parallel_access}
      } else {
      }
      %mul3A_103 = arith.constant 32 : i32
      %mul3A_104 = arith.muli %mul3A_103, %scan3A_64 : i32
      %add3A_105 = arith.addi %add3A, %mul3A_104 : i32
      %lt3A_106 = arith.constant 781 : i32
      %lt3A_107 = arith.cmpi slt, %add3A_105, %lt3A_106 : i32
      %convert_element_type3A_108 = arith.extui %lt3A_107 : i1 to i32
      %cond3A_109 = arith.constant 0 : i32
      %cond3A_110 = arith.cmpi ne, %convert_element_type3A_108, %cond3A_109 : i32
      scf.if %cond3A_110 {
        %mul3A_116 = arith.constant 32 : i32
        %mul3A_117 = arith.muli %mul3A_116, %scan3A_64 : i32
        %add3A_118 = arith.addi %add3A, %mul3A_117 : i32
        %mul3A_119 = arith.constant 2048 : i32
        %mul3A_120 = arith.muli %add3A_118, %mul3A_119 : i32
        %multiple_of3A = tpu.assume_multiple %mul3A_120, 2048 : i32
        %jit3A = arith.constant 3 : i32
        %eq3A_121 = arith.constant 0 : i32
        %eq3A_122 = arith.cmpi eq, %jit3A, %eq3A_121 : i32
        %jit3A_123 = arith.constant 1 : i32
        %select_n3A = arith.select %eq3A_122, %jit3A_123, %jit3A : i32
        %rem3A = arith.remsi %scan3A_64, %select_n3A : i32
        %ne3A = arith.constant 0 : i32
        %ne3A_124 = arith.cmpi ne, %rem3A, %ne3A : i32
        %lt3A_125 = arith.constant 0 : i32
        %lt3A_126 = arith.cmpi slt, %rem3A, %lt3A_125 : i32
        %lt3A_127 = arith.constant 0 : i32
        %lt3A_128 = arith.cmpi slt, %select_n3A, %lt3A_127 : i32
        %ne3A_129 = arith.xori %lt3A_126, %lt3A_128 : i1
        %and3A = arith.andi %ne3A_129, %ne3A_124 : i1
        %add3A_130 = arith.addi %rem3A, %select_n3A : i32
        %select_n3A_131 = arith.select %and3A, %add3A_130, %rem3A : i32
        %jit3A_132 = arith.constant 3 : i32
        %eq3A_133 = arith.constant 0 : i32
        %eq3A_134 = arith.cmpi eq, %jit3A_132, %eq3A_133 : i32
        %jit3A_135 = arith.constant 1 : i32
        %select_n3A_136 = arith.select %eq3A_134, %jit3A_135, %jit3A_132 : i32
        %rem3A_137 = arith.remsi %scan3A_64, %select_n3A_136 : i32
        %ne3A_138 = arith.constant 0 : i32
        %ne3A_139 = arith.cmpi ne, %rem3A_137, %ne3A_138 : i32
        %lt3A_140 = arith.constant 0 : i32
        %lt3A_141 = arith.cmpi slt, %rem3A_137, %lt3A_140 : i32
        %lt3A_142 = arith.constant 0 : i32
        %lt3A_143 = arith.cmpi slt, %select_n3A_136, %lt3A_142 : i32
        %ne3A_144 = arith.xori %lt3A_141, %lt3A_143 : i1
        %and3A_145 = arith.andi %ne3A_144, %ne3A_139 : i1
        %add3A_146 = arith.addi %rem3A_137, %select_n3A_136 : i32
        %select_n3A_147 = arith.select %and3A_145, %add3A_146, %rem3A_137 : i32
        %dma_start3A = arith.constant 0 : i32
        %dma_start3A_148 = arith.constant 0 : i32
        %dma_start3A_149 = tpu.memref_slice %arg6[%select_n3A_131, %dma_start3A, %dma_start3A_148] : memref<3x8x2048xf32, #tpu.memory_space<vmem>> -> memref<1x8x2048xf32, #tpu.memory_space<vmem>>
        %dma_start3A_150 = tpu.memref_squeeze %dma_start3A_149 : memref<1x8x2048xf32, #tpu.memory_space<vmem>> -> memref<8x2048xf32, #tpu.memory_space<vmem>>
        %dma_start3A_151 = arith.constant 0 : i32
        %dma_start3A_152 = tpu.memref_slice %arg4[%dma_start3A_151, %multiple_of3A] : memref<8x1600000xf32, #tpu.memory_space<hbm>> -> memref<8x2048xf32, #tpu.memory_space<hbm>>
        %dma_start3A_153 = tpu.memref_slice %arg8[%select_n3A_147] : memref<3x!tpu.dma_semaphore, #tpu.memory_space<semaphore_mem>> -> memref<1x!tpu.dma_semaphore, #tpu.memory_space<semaphore_mem>>
        %dma_start3A_154 = tpu.memref_squeeze %dma_start3A_153 : memref<1x!tpu.dma_semaphore, #tpu.memory_space<semaphore_mem>> -> memref<!tpu.dma_semaphore, #tpu.memory_space<semaphore_mem>>
        %dma_start3A_155 = arith.constant 0 : i32
        %dma_start3A_156 = tpu.memref_slice %arg4[%dma_start3A_155, %multiple_of3A] : memref<8x1600000xf32, #tpu.memory_space<hbm>> -> memref<8x2048xf32, #tpu.memory_space<hbm>>
        %dma_start3A_157 = arith.constant 0 : i32
        %dma_start3A_158 = arith.constant 0 : i32
        %dma_start3A_159 = tpu.memref_slice %arg6[%select_n3A_131, %dma_start3A_157, %dma_start3A_158] : memref<3x8x2048xf32, #tpu.memory_space<vmem>> -> memref<1x8x2048xf32, #tpu.memory_space<vmem>>
        %dma_start3A_160 = tpu.memref_squeeze %dma_start3A_159 : memref<1x8x2048xf32, #tpu.memory_space<vmem>> -> memref<8x2048xf32, #tpu.memory_space<vmem>>
        tpu.enqueue_dma source(%dma_start3A_160 : memref<8x2048xf32, #tpu.memory_space<vmem>>) target(%dma_start3A_156 : memref<8x2048xf32, #tpu.memory_space<hbm>>) target_semaphore(%dma_start3A_154 : memref<!tpu.dma_semaphore, #tpu.memory_space<semaphore_mem>>)
      } else {
      }
      %eq3A_111 = arith.constant 781 : i32
      %eq3A_112 = arith.cmpi eq, %add3A_105, %eq3A_111 : i32
      %convert_element_type3A_113 = arith.extui %eq3A_112 : i1 to i32
      %cond3A_114 = arith.constant 0 : i32
      %cond3A_115 = arith.cmpi ne, %convert_element_type3A_113, %cond3A_114 : i32
      scf.if %cond3A_115 {
        %jit3A = arith.constant 3 : i32
        %eq3A_116 = arith.constant 0 : i32
        %eq3A_117 = arith.cmpi eq, %jit3A, %eq3A_116 : i32
        %jit3A_118 = arith.constant 1 : i32
        %select_n3A = arith.select %eq3A_117, %jit3A_118, %jit3A : i32
        %rem3A = arith.remsi %scan3A_64, %select_n3A : i32
        %ne3A = arith.constant 0 : i32
        %ne3A_119 = arith.cmpi ne, %rem3A, %ne3A : i32
        %lt3A_120 = arith.constant 0 : i32
        %lt3A_121 = arith.cmpi slt, %rem3A, %lt3A_120 : i32
        %lt3A_122 = arith.constant 0 : i32
        %lt3A_123 = arith.cmpi slt, %select_n3A, %lt3A_122 : i32
        %ne3A_124 = arith.xori %lt3A_121, %lt3A_123 : i1
        %and3A = arith.andi %ne3A_124, %ne3A_119 : i1
        %add3A_125 = arith.addi %rem3A, %select_n3A : i32
        %select_n3A_126 = arith.select %and3A, %add3A_125, %rem3A : i32
        %jit3A_127 = arith.constant 3 : i32
        %eq3A_128 = arith.constant 0 : i32
        %eq3A_129 = arith.cmpi eq, %jit3A_127, %eq3A_128 : i32
        %jit3A_130 = arith.constant 1 : i32
        %select_n3A_131 = arith.select %eq3A_129, %jit3A_130, %jit3A_127 : i32
        %rem3A_132 = arith.remsi %scan3A_64, %select_n3A_131 : i32
        %ne3A_133 = arith.constant 0 : i32
        %ne3A_134 = arith.cmpi ne, %rem3A_132, %ne3A_133 : i32
        %lt3A_135 = arith.constant 0 : i32
        %lt3A_136 = arith.cmpi slt, %rem3A_132, %lt3A_135 : i32
        %lt3A_137 = arith.constant 0 : i32
        %lt3A_138 = arith.cmpi slt, %select_n3A_131, %lt3A_137 : i32
        %ne3A_139 = arith.xori %lt3A_136, %lt3A_138 : i1
        %and3A_140 = arith.andi %ne3A_139, %ne3A_134 : i1
        %add3A_141 = arith.addi %rem3A_132, %select_n3A_131 : i32
        %select_n3A_142 = arith.select %and3A_140, %add3A_141, %rem3A_132 : i32
        %dma_start3A = arith.constant 0 : i32
        %dma_start3A_143 = arith.constant 0 : i32
        %dma_start3A_144 = tpu.memref_slice %arg6[%select_n3A_126, %dma_start3A, %dma_start3A_143] : memref<3x8x2048xf32, #tpu.memory_space<vmem>> -> memref<1x8x512xf32, #tpu.memory_space<vmem>>
        %dma_start3A_145 = tpu.memref_squeeze %dma_start3A_144 : memref<1x8x512xf32, #tpu.memory_space<vmem>> -> memref<8x512xf32, #tpu.memory_space<vmem>>
        %dma_start3A_146 = arith.constant 0 : i32
        %dma_start3A_147 = arith.constant 1599488 : i32
        %dma_start3A_148 = tpu.memref_slice %arg4[%dma_start3A_146, %dma_start3A_147] : memref<8x1600000xf32, #tpu.memory_space<hbm>> -> memref<8x512xf32, #tpu.memory_space<hbm>>
        %dma_start3A_149 = tpu.memref_slice %arg8[%select_n3A_142] : memref<3x!tpu.dma_semaphore, #tpu.memory_space<semaphore_mem>> -> memref<1x!tpu.dma_semaphore, #tpu.memory_space<semaphore_mem>>
        %dma_start3A_150 = tpu.memref_squeeze %dma_start3A_149 : memref<1x!tpu.dma_semaphore, #tpu.memory_space<semaphore_mem>> -> memref<!tpu.dma_semaphore, #tpu.memory_space<semaphore_mem>>
        %dma_start3A_151 = arith.constant 0 : i32
        %dma_start3A_152 = arith.constant 1599488 : i32
        %dma_start3A_153 = tpu.memref_slice %arg4[%dma_start3A_151, %dma_start3A_152] : memref<8x1600000xf32, #tpu.memory_space<hbm>> -> memref<8x512xf32, #tpu.memory_space<hbm>>
        %dma_start3A_154 = arith.constant 0 : i32
        %dma_start3A_155 = arith.constant 0 : i32
        %dma_start3A_156 = tpu.memref_slice %arg6[%select_n3A_126, %dma_start3A_154, %dma_start3A_155] : memref<3x8x2048xf32, #tpu.memory_space<vmem>> -> memref<1x8x512xf32, #tpu.memory_space<vmem>>
        %dma_start3A_157 = tpu.memref_squeeze %dma_start3A_156 : memref<1x8x512xf32, #tpu.memory_space<vmem>> -> memref<8x512xf32, #tpu.memory_space<vmem>>
        tpu.enqueue_dma source(%dma_start3A_157 : memref<8x512xf32, #tpu.memory_space<vmem>>) target(%dma_start3A_153 : memref<8x512xf32, #tpu.memory_space<hbm>>) target_semaphore(%dma_start3A_150 : memref<!tpu.dma_semaphore, #tpu.memory_space<semaphore_mem>>)
      } else {
      }
    }
    %scan3A_27 = arith.constant 25 : i32
    %add3A_28 = arith.constant 704 : i32
    %add3A_29 = arith.addi %add3A, %add3A_28 : i32
    %lt3A_30 = arith.constant 781 : i32
    %lt3A_31 = arith.cmpi slt, %add3A_29, %lt3A_30 : i32
    %convert_element_type3A_32 = arith.extui %lt3A_31 : i1 to i32
    %cond3A_33 = arith.constant 0 : i32
    %cond3A_34 = arith.cmpi ne, %convert_element_type3A_32, %cond3A_33 : i32
    scf.if %cond3A_34 {
      %add3A_64 = arith.constant 704 : i32
      %add3A_65 = arith.addi %add3A, %add3A_64 : i32
      %mul3A_66 = arith.constant 2048 : i32
      %mul3A_67 = arith.muli %add3A_65, %mul3A_66 : i32
      %multiple_of3A = tpu.assume_multiple %mul3A_67, 2048 : i32
      %dma_wait3A = arith.constant 1 : i32
      %dma_wait3A_68 = arith.constant 1 : i32
      %dma_wait3A_69 = arith.constant 0 : i32
      %dma_wait3A_70 = arith.constant 0 : i32
      %dma_wait3A_71 = tpu.memref_slice %arg6[%dma_wait3A, %dma_wait3A_69, %dma_wait3A_70] : memref<3x8x2048xf32, #tpu.memory_space<vmem>> -> memref<1x8x2048xf32, #tpu.memory_space<vmem>>
      %dma_wait3A_72 = tpu.memref_squeeze %dma_wait3A_71 : memref<1x8x2048xf32, #tpu.memory_space<vmem>> -> memref<8x2048xf32, #tpu.memory_space<vmem>>
      %dma_wait3A_73 = arith.constant 0 : i32
      %dma_wait3A_74 = tpu.memref_slice %arg4[%dma_wait3A_73, %multiple_of3A] : memref<8x1600000xf32, #tpu.memory_space<hbm>> -> memref<8x2048xf32, #tpu.memory_space<hbm>>
      %dma_wait3A_75 = tpu.memref_slice %arg8[%dma_wait3A_68] : memref<3x!tpu.dma_semaphore, #tpu.memory_space<semaphore_mem>> -> memref<1x!tpu.dma_semaphore, #tpu.memory_space<semaphore_mem>>
      %dma_wait3A_76 = tpu.memref_squeeze %dma_wait3A_75 : memref<1x!tpu.dma_semaphore, #tpu.memory_space<semaphore_mem>> -> memref<!tpu.dma_semaphore, #tpu.memory_space<semaphore_mem>>
      %dma_wait3A_77 = arith.constant 0 : i32
      %dma_wait3A_78 = tpu.memref_slice %arg4[%dma_wait3A_77, %multiple_of3A] : memref<8x1600000xf32, #tpu.memory_space<hbm>> -> memref<8x2048xf32, #tpu.memory_space<hbm>>
      %dma_wait3A_79 = arith.constant 0 : i32
      %dma_wait3A_80 = arith.constant 0 : i32
      %dma_wait3A_81 = tpu.memref_slice %arg6[%dma_wait3A, %dma_wait3A_79, %dma_wait3A_80] : memref<3x8x2048xf32, #tpu.memory_space<vmem>> -> memref<1x8x2048xf32, #tpu.memory_space<vmem>>
      %dma_wait3A_82 = tpu.memref_squeeze %dma_wait3A_81 : memref<1x8x2048xf32, #tpu.memory_space<vmem>> -> memref<8x2048xf32, #tpu.memory_space<vmem>>
      tpu.wait_dma2 semaphore(%dma_wait3A_76 : memref<!tpu.dma_semaphore, #tpu.memory_space<semaphore_mem>>) src(%dma_wait3A_82 : memref<8x2048xf32, #tpu.memory_space<vmem>>) dst(%dma_wait3A_78 : memref<8x2048xf32, #tpu.memory_space<hbm>>)
    } else {
    }
    %eq3A_35 = arith.constant 781 : i32
    %eq3A_36 = arith.cmpi eq, %add3A_29, %eq3A_35 : i32
    %convert_element_type3A_37 = arith.extui %eq3A_36 : i1 to i32
    %cond3A_38 = arith.constant 0 : i32
    %cond3A_39 = arith.cmpi ne, %convert_element_type3A_37, %cond3A_38 : i32
    scf.if %cond3A_39 {
      %dma_wait3A = arith.constant 1 : i32
      %dma_wait3A_64 = arith.constant 1 : i32
      %dma_wait3A_65 = arith.constant 0 : i32
      %dma_wait3A_66 = arith.constant 0 : i32
      %dma_wait3A_67 = tpu.memref_slice %arg6[%dma_wait3A, %dma_wait3A_65, %dma_wait3A_66] : memref<3x8x2048xf32, #tpu.memory_space<vmem>> -> memref<1x8x512xf32, #tpu.memory_space<vmem>>
      %dma_wait3A_68 = tpu.memref_squeeze %dma_wait3A_67 : memref<1x8x512xf32, #tpu.memory_space<vmem>> -> memref<8x512xf32, #tpu.memory_space<vmem>>
      %dma_wait3A_69 = arith.constant 0 : i32
      %dma_wait3A_70 = arith.constant 1599488 : i32
      %dma_wait3A_71 = tpu.memref_slice %arg4[%dma_wait3A_69, %dma_wait3A_70] : memref<8x1600000xf32, #tpu.memory_space<hbm>> -> memref<8x512xf32, #tpu.memory_space<hbm>>
      %dma_wait3A_72 = tpu.memref_slice %arg8[%dma_wait3A_64] : memref<3x!tpu.dma_semaphore, #tpu.memory_space<semaphore_mem>> -> memref<1x!tpu.dma_semaphore, #tpu.memory_space<semaphore_mem>>
      %dma_wait3A_73 = tpu.memref_squeeze %dma_wait3A_72 : memref<1x!tpu.dma_semaphore, #tpu.memory_space<semaphore_mem>> -> memref<!tpu.dma_semaphore, #tpu.memory_space<semaphore_mem>>
      %dma_wait3A_74 = arith.constant 0 : i32
      %dma_wait3A_75 = arith.constant 1599488 : i32
      %dma_wait3A_76 = tpu.memref_slice %arg4[%dma_wait3A_74, %dma_wait3A_75] : memref<8x1600000xf32, #tpu.memory_space<hbm>> -> memref<8x512xf32, #tpu.memory_space<hbm>>
      %dma_wait3A_77 = arith.constant 0 : i32
      %dma_wait3A_78 = arith.constant 0 : i32
      %dma_wait3A_79 = tpu.memref_slice %arg6[%dma_wait3A, %dma_wait3A_77, %dma_wait3A_78] : memref<3x8x2048xf32, #tpu.memory_space<vmem>> -> memref<1x8x512xf32, #tpu.memory_space<vmem>>
      %dma_wait3A_80 = tpu.memref_squeeze %dma_wait3A_79 : memref<1x8x512xf32, #tpu.memory_space<vmem>> -> memref<8x512xf32, #tpu.memory_space<vmem>>
      tpu.wait_dma2 semaphore(%dma_wait3A_73 : memref<!tpu.dma_semaphore, #tpu.memory_space<semaphore_mem>>) src(%dma_wait3A_80 : memref<8x512xf32, #tpu.memory_space<vmem>>) dst(%dma_wait3A_76 : memref<8x512xf32, #tpu.memory_space<hbm>>)
    } else {
    }
    %add3A_40 = arith.constant 736 : i32
    %add3A_41 = arith.addi %add3A, %add3A_40 : i32
    %lt3A_42 = arith.constant 781 : i32
    %lt3A_43 = arith.cmpi slt, %add3A_41, %lt3A_42 : i32
    %convert_element_type3A_44 = arith.extui %lt3A_43 : i1 to i32
    %cond3A_45 = arith.constant 0 : i32
    %cond3A_46 = arith.cmpi ne, %convert_element_type3A_44, %cond3A_45 : i32
    scf.if %cond3A_46 {
      %add3A_64 = arith.constant 736 : i32
      %add3A_65 = arith.addi %add3A, %add3A_64 : i32
      %mul3A_66 = arith.constant 2048 : i32
      %mul3A_67 = arith.muli %add3A_65, %mul3A_66 : i32
      %multiple_of3A = tpu.assume_multiple %mul3A_67, 2048 : i32
      %dma_wait3A = arith.constant 2 : i32
      %dma_wait3A_68 = arith.constant 2 : i32
      %dma_wait3A_69 = arith.constant 0 : i32
      %dma_wait3A_70 = arith.constant 0 : i32
      %dma_wait3A_71 = tpu.memref_slice %arg6[%dma_wait3A, %dma_wait3A_69, %dma_wait3A_70] : memref<3x8x2048xf32, #tpu.memory_space<vmem>> -> memref<1x8x2048xf32, #tpu.memory_space<vmem>>
      %dma_wait3A_72 = tpu.memref_squeeze %dma_wait3A_71 : memref<1x8x2048xf32, #tpu.memory_space<vmem>> -> memref<8x2048xf32, #tpu.memory_space<vmem>>
      %dma_wait3A_73 = arith.constant 0 : i32
      %dma_wait3A_74 = tpu.memref_slice %arg4[%dma_wait3A_73, %multiple_of3A] : memref<8x1600000xf32, #tpu.memory_space<hbm>> -> memref<8x2048xf32, #tpu.memory_space<hbm>>
      %dma_wait3A_75 = tpu.memref_slice %arg8[%dma_wait3A_68] : memref<3x!tpu.dma_semaphore, #tpu.memory_space<semaphore_mem>> -> memref<1x!tpu.dma_semaphore, #tpu.memory_space<semaphore_mem>>
      %dma_wait3A_76 = tpu.memref_squeeze %dma_wait3A_75 : memref<1x!tpu.dma_semaphore, #tpu.memory_space<semaphore_mem>> -> memref<!tpu.dma_semaphore, #tpu.memory_space<semaphore_mem>>
      %dma_wait3A_77 = arith.constant 0 : i32
      %dma_wait3A_78 = tpu.memref_slice %arg4[%dma_wait3A_77, %multiple_of3A] : memref<8x1600000xf32, #tpu.memory_space<hbm>> -> memref<8x2048xf32, #tpu.memory_space<hbm>>
      %dma_wait3A_79 = arith.constant 0 : i32
      %dma_wait3A_80 = arith.constant 0 : i32
      %dma_wait3A_81 = tpu.memref_slice %arg6[%dma_wait3A, %dma_wait3A_79, %dma_wait3A_80] : memref<3x8x2048xf32, #tpu.memory_space<vmem>> -> memref<1x8x2048xf32, #tpu.memory_space<vmem>>
      %dma_wait3A_82 = tpu.memref_squeeze %dma_wait3A_81 : memref<1x8x2048xf32, #tpu.memory_space<vmem>> -> memref<8x2048xf32, #tpu.memory_space<vmem>>
      tpu.wait_dma2 semaphore(%dma_wait3A_76 : memref<!tpu.dma_semaphore, #tpu.memory_space<semaphore_mem>>) src(%dma_wait3A_82 : memref<8x2048xf32, #tpu.memory_space<vmem>>) dst(%dma_wait3A_78 : memref<8x2048xf32, #tpu.memory_space<hbm>>)
    } else {
    }
    %eq3A_47 = arith.constant 781 : i32
    %eq3A_48 = arith.cmpi eq, %add3A_41, %eq3A_47 : i32
    %convert_element_type3A_49 = arith.extui %eq3A_48 : i1 to i32
    %cond3A_50 = arith.constant 0 : i32
    %cond3A_51 = arith.cmpi ne, %convert_element_type3A_49, %cond3A_50 : i32
    scf.if %cond3A_51 {
      %dma_wait3A = arith.constant 2 : i32
      %dma_wait3A_64 = arith.constant 2 : i32
      %dma_wait3A_65 = arith.constant 0 : i32
      %dma_wait3A_66 = arith.constant 0 : i32
      %dma_wait3A_67 = tpu.memref_slice %arg6[%dma_wait3A, %dma_wait3A_65, %dma_wait3A_66] : memref<3x8x2048xf32, #tpu.memory_space<vmem>> -> memref<1x8x512xf32, #tpu.memory_space<vmem>>
      %dma_wait3A_68 = tpu.memref_squeeze %dma_wait3A_67 : memref<1x8x512xf32, #tpu.memory_space<vmem>> -> memref<8x512xf32, #tpu.memory_space<vmem>>
      %dma_wait3A_69 = arith.constant 0 : i32
      %dma_wait3A_70 = arith.constant 1599488 : i32
      %dma_wait3A_71 = tpu.memref_slice %arg4[%dma_wait3A_69, %dma_wait3A_70] : memref<8x1600000xf32, #tpu.memory_space<hbm>> -> memref<8x512xf32, #tpu.memory_space<hbm>>
      %dma_wait3A_72 = tpu.memref_slice %arg8[%dma_wait3A_64] : memref<3x!tpu.dma_semaphore, #tpu.memory_space<semaphore_mem>> -> memref<1x!tpu.dma_semaphore, #tpu.memory_space<semaphore_mem>>
      %dma_wait3A_73 = tpu.memref_squeeze %dma_wait3A_72 : memref<1x!tpu.dma_semaphore, #tpu.memory_space<semaphore_mem>> -> memref<!tpu.dma_semaphore, #tpu.memory_space<semaphore_mem>>
      %dma_wait3A_74 = arith.constant 0 : i32
      %dma_wait3A_75 = arith.constant 1599488 : i32
      %dma_wait3A_76 = tpu.memref_slice %arg4[%dma_wait3A_74, %dma_wait3A_75] : memref<8x1600000xf32, #tpu.memory_space<hbm>> -> memref<8x512xf32, #tpu.memory_space<hbm>>
      %dma_wait3A_77 = arith.constant 0 : i32
      %dma_wait3A_78 = arith.constant 0 : i32
      %dma_wait3A_79 = tpu.memref_slice %arg6[%dma_wait3A, %dma_wait3A_77, %dma_wait3A_78] : memref<3x8x2048xf32, #tpu.memory_space<vmem>> -> memref<1x8x512xf32, #tpu.memory_space<vmem>>
      %dma_wait3A_80 = tpu.memref_squeeze %dma_wait3A_79 : memref<1x8x512xf32, #tpu.memory_space<vmem>> -> memref<8x512xf32, #tpu.memory_space<vmem>>
      tpu.wait_dma2 semaphore(%dma_wait3A_73 : memref<!tpu.dma_semaphore, #tpu.memory_space<semaphore_mem>>) src(%dma_wait3A_80 : memref<8x512xf32, #tpu.memory_space<vmem>>) dst(%dma_wait3A_76 : memref<8x512xf32, #tpu.memory_space<hbm>>)
    } else {
    }
    %add3A_52 = arith.constant 768 : i32
    %add3A_53 = arith.addi %add3A, %add3A_52 : i32
    %lt3A_54 = arith.constant 781 : i32
    %lt3A_55 = arith.cmpi slt, %add3A_53, %lt3A_54 : i32
    %convert_element_type3A_56 = arith.extui %lt3A_55 : i1 to i32
    %cond3A_57 = arith.constant 0 : i32
    %cond3A_58 = arith.cmpi ne, %convert_element_type3A_56, %cond3A_57 : i32
    scf.if %cond3A_58 {
      %add3A_64 = arith.constant 768 : i32
      %add3A_65 = arith.addi %add3A, %add3A_64 : i32
      %mul3A_66 = arith.constant 2048 : i32
      %mul3A_67 = arith.muli %add3A_65, %mul3A_66 : i32
      %multiple_of3A = tpu.assume_multiple %mul3A_67, 2048 : i32
      %dma_wait3A = arith.constant 0 : i32
      %dma_wait3A_68 = arith.constant 0 : i32
      %dma_wait3A_69 = arith.constant 0 : i32
      %dma_wait3A_70 = arith.constant 0 : i32
      %dma_wait3A_71 = tpu.memref_slice %arg6[%dma_wait3A, %dma_wait3A_69, %dma_wait3A_70] : memref<3x8x2048xf32, #tpu.memory_space<vmem>> -> memref<1x8x2048xf32, #tpu.memory_space<vmem>>
      %dma_wait3A_72 = tpu.memref_squeeze %dma_wait3A_71 : memref<1x8x2048xf32, #tpu.memory_space<vmem>> -> memref<8x2048xf32, #tpu.memory_space<vmem>>
      %dma_wait3A_73 = arith.constant 0 : i32
      %dma_wait3A_74 = tpu.memref_slice %arg4[%dma_wait3A_73, %multiple_of3A] : memref<8x1600000xf32, #tpu.memory_space<hbm>> -> memref<8x2048xf32, #tpu.memory_space<hbm>>
      %dma_wait3A_75 = tpu.memref_slice %arg8[%dma_wait3A_68] : memref<3x!tpu.dma_semaphore, #tpu.memory_space<semaphore_mem>> -> memref<1x!tpu.dma_semaphore, #tpu.memory_space<semaphore_mem>>
      %dma_wait3A_76 = tpu.memref_squeeze %dma_wait3A_75 : memref<1x!tpu.dma_semaphore, #tpu.memory_space<semaphore_mem>> -> memref<!tpu.dma_semaphore, #tpu.memory_space<semaphore_mem>>
      %dma_wait3A_77 = arith.constant 0 : i32
      %dma_wait3A_78 = tpu.memref_slice %arg4[%dma_wait3A_77, %multiple_of3A] : memref<8x1600000xf32, #tpu.memory_space<hbm>> -> memref<8x2048xf32, #tpu.memory_space<hbm>>
      %dma_wait3A_79 = arith.constant 0 : i32
      %dma_wait3A_80 = arith.constant 0 : i32
      %dma_wait3A_81 = tpu.memref_slice %arg6[%dma_wait3A, %dma_wait3A_79, %dma_wait3A_80] : memref<3x8x2048xf32, #tpu.memory_space<vmem>> -> memref<1x8x2048xf32, #tpu.memory_space<vmem>>
      %dma_wait3A_82 = tpu.memref_squeeze %dma_wait3A_81 : memref<1x8x2048xf32, #tpu.memory_space<vmem>> -> memref<8x2048xf32, #tpu.memory_space<vmem>>
      tpu.wait_dma2 semaphore(%dma_wait3A_76 : memref<!tpu.dma_semaphore, #tpu.memory_space<semaphore_mem>>) src(%dma_wait3A_82 : memref<8x2048xf32, #tpu.memory_space<vmem>>) dst(%dma_wait3A_78 : memref<8x2048xf32, #tpu.memory_space<hbm>>)
    } else {
    }
    %eq3A_59 = arith.constant 781 : i32
    %eq3A_60 = arith.cmpi eq, %add3A_53, %eq3A_59 : i32
    %convert_element_type3A_61 = arith.extui %eq3A_60 : i1 to i32
    %cond3A_62 = arith.constant 0 : i32
    %cond3A_63 = arith.cmpi ne, %convert_element_type3A_61, %cond3A_62 : i32
    scf.if %cond3A_63 {
      %dma_wait3A = arith.constant 0 : i32
      %dma_wait3A_64 = arith.constant 0 : i32
      %dma_wait3A_65 = arith.constant 0 : i32
      %dma_wait3A_66 = arith.constant 0 : i32
      %dma_wait3A_67 = tpu.memref_slice %arg6[%dma_wait3A, %dma_wait3A_65, %dma_wait3A_66] : memref<3x8x2048xf32, #tpu.memory_space<vmem>> -> memref<1x8x512xf32, #tpu.memory_space<vmem>>
      %dma_wait3A_68 = tpu.memref_squeeze %dma_wait3A_67 : memref<1x8x512xf32, #tpu.memory_space<vmem>> -> memref<8x512xf32, #tpu.memory_space<vmem>>
      %dma_wait3A_69 = arith.constant 0 : i32
      %dma_wait3A_70 = arith.constant 1599488 : i32
      %dma_wait3A_71 = tpu.memref_slice %arg4[%dma_wait3A_69, %dma_wait3A_70] : memref<8x1600000xf32, #tpu.memory_space<hbm>> -> memref<8x512xf32, #tpu.memory_space<hbm>>
      %dma_wait3A_72 = tpu.memref_slice %arg8[%dma_wait3A_64] : memref<3x!tpu.dma_semaphore, #tpu.memory_space<semaphore_mem>> -> memref<1x!tpu.dma_semaphore, #tpu.memory_space<semaphore_mem>>
      %dma_wait3A_73 = tpu.memref_squeeze %dma_wait3A_72 : memref<1x!tpu.dma_semaphore, #tpu.memory_space<semaphore_mem>> -> memref<!tpu.dma_semaphore, #tpu.memory_space<semaphore_mem>>
      %dma_wait3A_74 = arith.constant 0 : i32
      %dma_wait3A_75 = arith.constant 1599488 : i32
      %dma_wait3A_76 = tpu.memref_slice %arg4[%dma_wait3A_74, %dma_wait3A_75] : memref<8x1600000xf32, #tpu.memory_space<hbm>> -> memref<8x512xf32, #tpu.memory_space<hbm>>
      %dma_wait3A_77 = arith.constant 0 : i32
      %dma_wait3A_78 = arith.constant 0 : i32
      %dma_wait3A_79 = tpu.memref_slice %arg6[%dma_wait3A, %dma_wait3A_77, %dma_wait3A_78] : memref<3x8x2048xf32, #tpu.memory_space<vmem>> -> memref<1x8x512xf32, #tpu.memory_space<vmem>>
      %dma_wait3A_80 = tpu.memref_squeeze %dma_wait3A_79 : memref<1x8x512xf32, #tpu.memory_space<vmem>> -> memref<8x512xf32, #tpu.memory_space<vmem>>
      tpu.wait_dma2 semaphore(%dma_wait3A_73 : memref<!tpu.dma_semaphore, #tpu.memory_space<semaphore_mem>>) src(%dma_wait3A_80 : memref<8x512xf32, #tpu.memory_space<vmem>>) dst(%dma_wait3A_76 : memref<8x512xf32, #tpu.memory_space<hbm>>)
    } else {
    }
    return
  }
}

module attributes {stable_mosaic.version = 14 : i64} {
  func.func @_idx_body(%arg0: i32, %arg1: memref<4x16384xi32, #tpu.memory_space<vmem>>, %arg2: memref<4x131072xi32, #tpu.memory_space<vmem>>) attributes {dimension_semantics = [#tpu.dimension_semantics<arbitrary>], iteration_bounds = array<i64: 13>, scalar_prefetch = 0 : i64, scratch_operands = 0 : i64, tpu.core_type = #tpu.core_type<tc>, window_params = [{transform_indices = @transform_0, window_bounds = array<i64: 4, 16384>}, {transform_indices = @transform_1, window_bounds = array<i64: 4, 131072>}]} {
    %get3A = arith.constant 0 : index
    %get3A_0 = arith.constant 0 : index
    %get3A_1 = vector.load %arg1[%get3A, %get3A_0] : memref<4x16384xi32, #tpu.memory_space<vmem>>, vector<4x16384xi32>
    %iota3A = tpu.iota {dimensions = array<i32: 0>} : vector<4x16384xi32>
    %eq3A = arith.constant 0 : i32
    %eq3A_2 = vector.broadcast %eq3A : i32 to vector<4x16384xi32>
    %eq3A_3 = arith.cmpi eq, %iota3A, %eq3A_2 : vector<4x16384xi32>
    %mul3A = arith.constant 2 : i32
    %mul3A_4 = vector.broadcast %mul3A : i32 to vector<4x16384xi32>
    %mul3A_5 = arith.muli %get3A_1, %mul3A_4 : vector<4x16384xi32>
    %select_n3A = arith.select %eq3A_3, %get3A_1, %mul3A_5 : vector<4x16384xi1>, vector<4x16384xi32>
    %reshape3A = vector.shape_cast %select_n3A : vector<4x16384xi32> to vector<512x128xi32>
    %convert_element_type3A = arith.sitofp %reshape3A : vector<512x128xi32> to vector<512x128xf32>
    %iota3A_6 = tpu.iota {dimensions = array<i32: 0>} : vector<128x1024xi32>
    %iota3A_7 = tpu.iota {dimensions = array<i32: 1>} : vector<128x1024xi32>
    %jit3A = arith.constant 8 : i32
    %div3A = vector.broadcast %jit3A : i32 to vector<128x1024xi32>
    %div3A_8 = arith.divsi %iota3A_7, %div3A : vector<128x1024xi32>
    %sign3A = arith.constant 0 : i32
    %sign3A_9 = vector.broadcast %sign3A : i32 to vector<128x1024xi32>
    %sign3A_10 = arith.cmpi sgt, %iota3A_7, %sign3A_9 : vector<128x1024xi32>
    %sign3A_11 = arith.extui %sign3A_10 : vector<128x1024xi1> to vector<128x1024xi32>
    %sign3A_12 = arith.constant 0 : i32
    %sign3A_13 = vector.broadcast %sign3A_12 : i32 to vector<128x1024xi32>
    %sign3A_14 = arith.cmpi slt, %iota3A_7, %sign3A_13 : vector<128x1024xi32>
    %sign3A_15 = arith.extui %sign3A_14 : vector<128x1024xi1> to vector<128x1024xi32>
    %sign3A_16 = arith.subi %sign3A_11, %sign3A_15 : vector<128x1024xi32>
    %sign3A_17 = arith.constant 0 : i32
    %sign3A_18 = arith.cmpi sgt, %jit3A, %sign3A_17 : i32
    %sign3A_19 = arith.extui %sign3A_18 : i1 to i32
    %sign3A_20 = arith.constant 0 : i32
    %sign3A_21 = arith.cmpi slt, %jit3A, %sign3A_20 : i32
    %sign3A_22 = arith.extui %sign3A_21 : i1 to i32
    %sign3A_23 = arith.subi %sign3A_19, %sign3A_22 : i32
    %ne3A = vector.broadcast %sign3A_23 : i32 to vector<128x1024xi32>
    %ne3A_24 = arith.cmpi ne, %sign3A_16, %ne3A : vector<128x1024xi32>
    %rem3A = vector.broadcast %jit3A : i32 to vector<128x1024xi32>
    %rem3A_25 = arith.remsi %iota3A_7, %rem3A : vector<128x1024xi32>
    %ne3A_26 = arith.constant 0 : i32
    %ne3A_27 = vector.broadcast %ne3A_26 : i32 to vector<128x1024xi32>
    %ne3A_28 = arith.cmpi ne, %rem3A_25, %ne3A_27 : vector<128x1024xi32>
    %and3A = arith.andi %ne3A_24, %ne3A_28 : vector<128x1024xi1>
    %sub3A = arith.constant 1 : i32
    %sub3A_29 = vector.broadcast %sub3A : i32 to vector<128x1024xi32>
    %sub3A_30 = arith.subi %div3A_8, %sub3A_29 : vector<128x1024xi32>
    %select_n3A_31 = arith.select %and3A, %sub3A_30, %div3A_8 : vector<128x1024xi1>, vector<128x1024xi32>
    %eq3A_32 = arith.cmpi eq, %iota3A_6, %select_n3A_31 : vector<128x1024xi32>
    %convert_element_type3A_33 = arith.extui %eq3A_32 : vector<128x1024xi1> to vector<128x1024xi32>
    %convert_element_type3A_34 = arith.sitofp %convert_element_type3A_33 : vector<128x1024xi32> to vector<128x1024xf32>
    %dot_general3A = arith.constant dense<0.000000e+00> : vector<512x1024xf32>
    %dot_general3A_35 = tpu.matmul %convert_element_type3A, %convert_element_type3A_34, %dot_general3A {dimension_numbers = #tpu.dot_dimension_numbers<[1], [0], [0], [1], [0, 0, 1, 1], [], []>, transpose_lhs_hint = false} : vector<512x128xf32>, vector<128x1024xf32>, vector<512x1024xf32> -> vector<512x1024xf32>
    %iota3A_36 = tpu.iota {dimensions = array<i32: 0>} : vector<4x1x1024xi32>
    %iota3A_37 = tpu.iota {dimensions = array<i32: 2>} : vector<4x1x1024xi32>
    %and3A_38 = arith.constant 7 : i32
    %and3A_39 = vector.broadcast %and3A_38 : i32 to vector<4x1x1024xi32>
    %and3A_40 = arith.andi %iota3A_37, %and3A_39 : vector<4x1x1024xi32>
    %eq3A_41 = arith.constant 0 : i32
    %eq3A_42 = vector.broadcast %eq3A_41 : i32 to vector<4x1x1024xi32>
    %eq3A_43 = arith.cmpi eq, %iota3A_36, %eq3A_42 : vector<4x1x1024xi32>
    %eq3A_44 = arith.constant 1 : i32
    %eq3A_45 = vector.broadcast %eq3A_44 : i32 to vector<4x1x1024xi32>
    %eq3A_46 = arith.cmpi eq, %iota3A_36, %eq3A_45 : vector<4x1x1024xi32>
    %shift_right_arithmetic3A = arith.constant 2 : i32
    %shift_right_arithmetic3A_47 = vector.broadcast %shift_right_arithmetic3A : i32 to vector<4x1x1024xi32>
    %shift_right_arithmetic3A_48 = arith.shrsi %and3A_40, %shift_right_arithmetic3A_47 : vector<4x1x1024xi32>
    %eq3A_49 = arith.constant 2 : i32
    %eq3A_50 = vector.broadcast %eq3A_49 : i32 to vector<4x1x1024xi32>
    %eq3A_51 = arith.cmpi eq, %iota3A_36, %eq3A_50 : vector<4x1x1024xi32>
    %and3A_52 = arith.constant 1 : i32
    %and3A_53 = vector.broadcast %and3A_52 : i32 to vector<4x1x1024xi32>
    %and3A_54 = arith.andi %and3A_40, %and3A_53 : vector<4x1x1024xi32>
    %shift_right_arithmetic3A_55 = arith.constant 1 : i32
    %shift_right_arithmetic3A_56 = vector.broadcast %shift_right_arithmetic3A_55 : i32 to vector<4x1x1024xi32>
    %shift_right_arithmetic3A_57 = arith.shrsi %and3A_40, %shift_right_arithmetic3A_56 : vector<4x1x1024xi32>
    %and3A_58 = arith.constant 1 : i32
    %and3A_59 = vector.broadcast %and3A_58 : i32 to vector<4x1x1024xi32>
    %and3A_60 = arith.andi %shift_right_arithmetic3A_57, %and3A_59 : vector<4x1x1024xi32>
    %select_n3A_61 = arith.select %eq3A_51, %and3A_54, %and3A_60 : vector<4x1x1024xi1>, vector<4x1x1024xi32>
    %select_n3A_62 = arith.select %eq3A_46, %shift_right_arithmetic3A_48, %select_n3A_61 : vector<4x1x1024xi1>, vector<4x1x1024xi32>
    %jit3A_63 = arith.constant 0 : i32
    %broadcast_in_dim3A = vector.broadcast %jit3A_63 : i32 to vector<4x1x1024xi32>
    %select_n3A_64 = arith.select %eq3A_43, %broadcast_in_dim3A, %select_n3A_62 : vector<4x1x1024xi1>, vector<4x1x1024xi32>
    %convert_element_type3A_65 = arith.fptosi %dot_general3A_35 : vector<512x1024xf32> to vector<512x1024xi32>
    %reshape3A_66 = vector.shape_cast %convert_element_type3A_65 : vector<512x1024xi32> to vector<4x128x1024xi32>
    %add3A = vector.broadcast %select_n3A_64 : vector<4x1x1024xi32> to vector<4x128x1024xi32>
    %add3A_67 = arith.addi %reshape3A_66, %add3A : vector<4x128x1024xi32>
    %reshape3A_68 = vector.shape_cast %add3A_67 : vector<4x128x1024xi32> to vector<4x131072xi32>
    %swap3A = arith.constant 0 : index
    %swap3A_69 = arith.constant 0 : index
    %swap3A_70 = vector.load %arg2[%swap3A, %swap3A_69] : memref<4x131072xi32, #tpu.memory_space<vmem>>, vector<4x131072xi32>
    tpu.vector_store %arg2[%swap3A, %swap3A_69], %reshape3A_68 {strides = array<i32>} : memref<4x131072xi32, #tpu.memory_space<vmem>>, vector<4x131072xi32>,
    return
  }
  func.func @transform_0(%arg0: i32) -> (i32, i32) {
    %c0_i32 = arith.constant 0 : i32
    %c0_i32_0 = arith.constant 0 : i32
    return %c0_i32, %arg0 : i32, i32
  }
  func.func @transform_1(%arg0: i32) -> (i32, i32) {
    %c0_i32 = arith.constant 0 : i32
    %c0_i32_0 = arith.constant 0 : i32
    return %c0_i32, %arg0 : i32, i32
  }
}

</mosaic_0001>

<sc_bundles>
// kernel: kernel.4.cloned.1.call-start
scs
__scs_entry_jumppad:
0x0: {  	(pc) =	sbr.rel $0x88, $3  }
0x1: {  	(tag) =	ssettag $0x0;
	lr =	simm.s32 $0x1  }
0x2: {  	[smem:$0x3F9F] =	sst lr;
	_ =	strace $0xD0000000  }
0x3: {  	_ = 	snop  }
0x4: {  	_ = 	snop  }
0x5: {  	_ = 	snop  }
0x6: {  	_ = 	snop  }
0x7: {  	_ = 	snop  }
__scs_overlays_trampoline_lowered:
0x8: {  	[smem:$0x3FAE] =	sst s0  }
0x9: {  	[smem:$0x3FAF] =	sst s1  }
0xa: {  	[smem:$0x3FB0] =	sst s2  }
0xb: {  	[smem:$0x3FB1] =	sst s3  }
0xc: {  	[smem:$0x3FB2] =	sst s4  }
0xd: {  	[smem:$0x3FB3] =	sst s5  }
0xe: {  	[smem:$0x3FB4] =	sst s6  }
0xf: {  	[smem:$0x3FB5] =	sst s7  }
0x10: {  	[smem:$0x3FB6] =	sst s8  }
0x11: {  	[smem:$0x3FB7] =	sst s9;
	s0 =	simm.s32 @!p0 $0x0  }
0x12: {  	s1 =	sld [smem:$0x3F9D];
	s0 =	simm.s32 @p0 $0x1  }
0x13: {  	[smem:$0x3FB8] =	sst s0;
	s0 =	simm.s32 @!p1 $0x0  }
0x14: {  	s2 =	sld [smem:$0x3F9C];
	s0 =	simm.s32 @p1 $0x1  }
0x15: {  	[smem:$0x3FB9] =	sst s0;
	s0 =	simm.s32 @!p2 $0x0  }
0x16: {  	s3 =	sld [smem:$0x3FDB];
	s0 =	simm.s32 @p2 $0x1  }
0x17: {  	s4 =	simm.s32 $0x1BF5;
	[smem:$0x3FBB] =	sst s0  }
0x18: {  	s0 =	sld [smem:$0x3F9E];
	_ =	swait.ge [sflag:s4], $0x0  }
0x19: {  	s7 =	sld [smem:$0x3F9F]  }
0x1a: {  	s8 =	sadd.s32 $0xFFFFE003, lr  }
0x1b: {  	s9 =	sadd.s32 $0xFFFFFEF7, lr;
	s5 =	simm.s32 $0xFFFFFFFF;
	p2 =	slt.u32 s8, $0xFFFFF086  }
0x1c: {  	p1 =	slt.u32 s9, $0xF7A;
	s5 =	simm.s32 @!p2 $0x0  }
0x1d: {  	s5 =	simm.s32 @p1 $0x1;
	p0 =	seq.s32 s7, s2  }
0x1e: {  	s7 =	smul.u32 @!p0 $0xF7A, s2;
	p2 =	seq.s32 @!p0 s5, $0x0  }
0x1f: {  	s9 =	smul.u32 $0xF7A, s1;
	s8 =	simm.s32 @!p0 $0x1BF5;
	p2 =	por !p2, p0  }
0x20: {  	[sflag:s8] =	ssyncset.s32 @!p0 $0xFFFFF086;
	s6 =	sadd.s32 @!p0 s3, s7;
	s7 =	simm.s32 @!p0 $0x108  }
0x21: {  	s3 =	sadd.s32 s3, s9;
	s6 =	sadd.s32 @!p0 $0x88, s6;
	s7 =	simm.s32 @p2 $0x1082  }
0x22: {  	[simem:s7], [sflag:s8] =	dma.local @!p0 [hbm:s6], $0xF7A  }
0x23: {  	s9 =	sor.u32 $0xD0000000, s2;
	s6 =	simm.s32 $0x108;
	_ =	swait.ge @!p0 [sflag:s8], $0x0  }
0x24: {  	s3 =	sadd.s32 $0x88, s3;
	s6 =	simm.s32 @!p1 $0x1082;
	[sflag:s4] =	ssyncset.s32 $0xFFFFF086  }
0x25: {  	[simem:s6], [sflag:s4] =	dma.local [hbm:s3], $0xF7A  }
0x26: {  	[smem:$0x3F9F] =	sst s1;
	(tag) =	ssettag s2;
	_ =	strace s9  }
0x27: {  	s1 =	sld [smem:$0x3FAF]  }
0x28: {  	s2 =	sld [smem:$0x3FB0]  }
0x29: {  	s4 =	sld [smem:$0x3FB2]  }
0x2a: {  	p0 =	seq.s32 s5, $0x0;
	s5 =	sld [smem:$0x3FB3]  }
0x2b: {  	s6 =	sld [smem:$0x3FB4]  }
0x2c: {  	s7 =	sld [smem:$0x3FB5]  }
0x2d: {  	s3 =	simm.s32 $0x108;
	s8 =	sld [smem:$0x3FB6]  }
0x2e: {  	s3 =	simm.s32 @!p0 $0x1082;
	s9 =	sld [smem:$0x3FB7]  }
0x2f: {  	lr =	sadd.s32 s0, s3;
	s0 =	sld [smem:$0x3FAE]  }
0x30: {  	s3 =	sld [smem:$0x3FB1]  }
0x31: {  	[smem:$0x3FBA] =	sst s10  }
0x32: {  	s10 =	sld [smem:$0x3FB8];
	_ =	sdelay $0x3  }
0x33: {  	p0 =	seq.s32 s10, $0x1;
	s10 =	sld [smem:$0x3FBA];
	_ =	sdelay $0x3  }
0x34: {  	[smem:$0x3FBA] =	sst s10  }
0x35: {  	s10 =	sld [smem:$0x3FB9];
	_ =	sdelay $0x3  }
0x36: {  	p1 =	seq.s32 s10, $0x1;
	s10 =	sld [smem:$0x3FBA];
	_ =	sdelay $0x3  }
0x37: {  	[smem:$0x3FBA] =	sst s10  }
0x38: {  	s10 =	sld [smem:$0x3FBB]  }
0x39: {  	_ = 	snop;
	(pc) =	sbr.ind lr, $3  }
0x3a: {  	_ = 	snop  }
0x3b: {  	_ = 	snop  }
0x3c: {  	p2 =	seq.s32 s10, $0x1;
	s10 =	sld [smem:$0x3FBA]  }
0x3d: {  	_ =	shalt  }
0x3e: {  	_ =	shalt  }
0x3f: {  	_ =	shalt  }
0x40: {  	_ =	shalt  }
0x41: {  	_ =	shalt  }
0x42: {  	_ =	shalt  }
0x43: {  	_ =	shalt  }
0x44: {  	_ =	shalt  }
0x45: {  	_ =	shalt  }
0x46: {  	_ =	shalt  }
0x47: {  	_ =	shalt  }
0x48: {  	_ =	shalt  }
0x49: {  	_ =	shalt  }
0x4a: {  	_ =	shalt  }
0x4b: {  	_ =	shalt  }
0x4c: {  	_ =	shalt  }
0x4d: {  	_ =	shalt  }
0x4e: {  	_ =	shalt  }
0x4f: {  	_ =	shalt  }
0x50: {  	_ =	shalt  }
0x51: {  	_ =	shalt  }
0x52: {  	_ =	shalt  }
0x53: {  	_ =	shalt  }
0x54: {  	_ =	shalt  }
0x55: {  	_ =	shalt  }
0x56: {  	_ =	shalt  }
0x57: {  	_ =	shalt  }
0x58: {  	_ =	shalt  }
0x59: {  	_ =	shalt  }
0x5a: {  	_ =	shalt  }
0x5b: {  	_ =	shalt  }
0x5c: {  	_ =	shalt  }
0x5d: {  	_ =	shalt  }
0x5e: {  	_ =	shalt  }
0x5f: {  	_ =	shalt  }
0x60: {  	_ =	shalt  }
0x61: {  	_ =	shalt  }
0x62: {  	_ =	shalt  }
0x63: {  	_ =	shalt  }
0x64: {  	_ =	shalt  }
0x65: {  	_ =	shalt  }
0x66: {  	_ =	shalt  }
0x67: {  	_ =	shalt  }
0x68: {  	_ =	shalt  }
0x69: {  	_ =	shalt  }
0x6a: {  	_ =	shalt  }
0x6b: {  	_ =	shalt  }
0x6c: {  	_ =	shalt  }
0x6d: {  	_ =	shalt  }
0x6e: {  	_ =	shalt  }
0x6f: {  	_ =	shalt  }
0x70: {  	_ =	shalt  }
0x71: {  	_ =	shalt  }
0x72: {  	_ =	shalt  }
0x73: {  	_ =	shalt  }
0x74: {  	_ =	shalt  }
0x75: {  	_ =	shalt  }
0x76: {  	_ =	shalt  }
0x77: {  	_ =	shalt  }
0x78: {  	_ =	shalt  }
0x79: {  	_ =	shalt  }
0x7a: {  	_ =	shalt  }
0x7b: {  	_ =	shalt  }
0x7c: {  	_ =	shalt  }
0x7d: {  	_ =	shalt  }
0x7e: {  	_ =	shalt  }
0x7f: {  	_ =	shalt  }
0x80: {  	_ =	shalt  }
0x81: {  	_ =	shalt  }
0x82: {  	_ =	shalt  }
0x83: {  	_ =	shalt  }
0x84: {  	_ =	shalt  }
0x85: {  	_ =	shalt  }
0x86: {  	_ =	shalt  }
0x87: {  	_ =	shalt  }
.Lfunc_end0:
.L_simem_size_0:
called_computation_lowered:
.L_overlay_start_0:
0x88: {  	s2 =	sld [smem:$0x3FD9]  }
0x89: {  	s3 =	sld [smem:$0x3FFE];
	_ =	sdelay $0x1  }
0x8a: {  	s1 =	srdreg.scid  }
0x8b: {  	s0 =	sand.u32 $0x1, s1  }
0x8c: {  	s14 =	sshll.u32 s0, $0xA;
	s2 =	sadd.s32 s3, s2  }
0x8d: {  	s2 =	sadd.s32 s2, s14  }
0x8e: {  	[smem:$0x3FC6] =	sst s2  }
0x8f: {  	_ = 	snop  }
0x90: {  	s2 =	sld [smem:$0x3FD0];
	_ =	sdelay $0x2  }
0x91: {  	s4 =	simm.s32 $0xA;
	s5 =	simm.s32 $0x10;
	s15 =	sld [smem:$0x3FC9]  }
0x92: {  	[smem:s5], [sflag:s4] =	dma.local [hbm:s2], $0x1  }
0x93: {  	_ =	swait.eq [sflag:s4], $0x1  }
0x94: {  	[sflag:s4] =	ssyncset.done $0x0  }
0x95: {  	[sflag:s4] =	ssyncadd.s32 $0xFFFFFFFF  }
0x96: {  	s16 =	sld [smem:$0x10];
	(tm) =	ssettm $0x1  }
0x97: {  	s17 =	sld [smem:$0x3FFB];
	_ =	sdelay $0x3  }
0x98: {  	_ =	strace s17  }
0x99: {  	s4 =	sld [smem:$0x3FFC];
	_ =	sdelay $0x3  }
0x9a: {  	_ =	strace s4  }
0x9b: {  	s4 =	sld [smem:$0x3FFD];
	_ =	sdelay $0x3  }
0x9c: {  	_ =	strace s4  }
0x9d: {  	_ =	strace $0x8FFFFFFF  }
0x9e: {  	s18 =	sld [smem:$0x3FDB];
	_ =	sdelay $0x1  }
0x9f: {  	s19 =	simm.s32 $_scs_section_size  }
0xa0: {  	s6 =	simm.s32 $_size__tile_overlayer_lowered;
	s7 =	simm.s32 $_tile_overlayer_lowered  }
0xa1: {  	s22 =	simm.s32 $0x1BFF;
	s21 =	sshll.u32 s7, $0x1;
	s4 =	sadd.s32 s19, s18  }
0xa2: {  	s8 =	simm.s32 $0x0;
	s20 =	sshll.u32 s6, $0x1;
	s6 =	sadd.s32 s21, s4  }
0xa3: {  	[timem:s8], [sflag:s22] =	dma.local [hbm:s6], s20  }
0xa4: {  	_ =	swait.ge [sflag:s22], s20  }
0xa5: {  	s5 =	ssub.s32 $0x0, s20;
	[sflag:s22] =	ssyncset.done $0x0  }
0xa6: {  	[sflag:s22] =	ssyncadd.s32 s5;
	_ =	sdelay $0x1  }
0xa7: {  	s23 =	simm.s32 $0x1B8B  }
0xa8: {  	_ =	swait.ge [sflag:s23], $0x1  }
0xa9: {  	[sflag:s23] =	ssyncset.done $0x0  }
0xaa: {  	s25 =	simm.s32 $0x1B8E;
	s24 =	sld [smem:$0x3FFE];
	[sflag:s23] =	ssyncadd.s32 $0xFFFFFFFF  }
0xab: {  	s26 =	simm.s32 $execute0_lowered;
	[smem:$0x3FD2] =	sst s25  }
0xac: {  	s6 =	sshll.u32 s26, $0x1;
	_ =	strace $0x80000046;
	[dreg:$0x1] =	wrdreg $0xFFFFFFFF  }
0xad: {  	s28 =	simm.s32 $_size_execute0_lowered;
	s4 =	sadd.s32 s4, s6;
	[dreg:$0x0] =	wrdreg $0x0  }
0xae: {  	s6 =	sshll.u32 s28, $0x1;
	[dreg:$0x2] =	wrdreg s4  }
0xaf: {  	[dreg:$0x3] =	wrdreg s6  }
0xb0: {  	[dreg:$0x4] =	wrdreg $0xC0  }
0xb1: {  	_ =	task [dreg:s8], $0x5FFFF  }
0xb2: {  	[dreg:$0x1] =	wrdreg $0xFFFFFFFF  }
0xb3: {  	[dreg:$0x0] =	wrdreg $0x60  }
0xb4: {  	[dreg:$0x2] =	wrdreg s15  }
0xb5: {  	[dreg:$0x3] =	wrdreg s24  }
0xb6: {  	[dreg:$0x4] =	wrdreg s16  }
0xb7: {  	[dreg:$0x5] =	wrdreg $0x9  }
0xb8: {  	_ =	task.clear_ibuf [dreg:s8], $0x6FFFF;
	_ =	strace $0x90000046  }
0xb9: {  	s29 =	simm.s32 $0x9;
	_ =	strace $0x80000048  }
0xba: {  	_ =	swait.ge [sflag:s29], $0x1  }
0xbb: {  	[sflag:s29] =	ssyncadd.s32 $0xFFFFFFFF  }
0xbc: {  	_ =	strace $0x90000048  }
0xbd: {  	_ =	sfence  }
0xbe: {  	s30 =	sld [smem:$0x0];
	_ =	sdelay $0x2  }
0xbf: {  	s31 =	sshll.u32 s1, $0xD;
	s1 =	sshrl.u32 s1, $0x2  }
0xc0: {  	s3 =	sand.u32 $0x4000, s31;
	s1 =	sadd.s32 s1, s30  }
0xc1: {  	s0 =	sor.u32 s3, s0;
	s1 =	sshll.u32 s1, $0x11  }
0xc2: {  	s0 =	sor.u32 s1, s0  }
0xc3: {  	s0 =	sadd.s32 $0x8F2B, s0  }
0xc4: {  	[sflag:s0] =	ssyncadd.remote.s32 $0x1  }
0xc5: {  	_ =	sfence.sel $0xFFFF  }
0xc6: {  	[dreg:$0x0] =	wrdreg $0xFFFFFFFF;
	(pc) =	sbr.abs _section_cstart, $3  }
0xc7: {  	[dreg:$0x1] =	wrdreg $0xFFFFFFFF  }
0xc8: {  	_ =	task.clear_ibuf [dreg:s8], $0x2FFFF;
	_ =	strace $0x9FFFFFFF  }
0xc9: {  	(tm) =	ssettm $0x7FFFFFFF  }
tec
execute0_lowered:
.L_overlay_start_1:
0x0: {  	(tag) =	ssettag $0x1  }
0x1: {  	v1 =	vlaneseq.u32  }
0x2: {  	v8 =	vimm.s32 $0x3801;
	vm14 =	vcmask $0x300;
	v9 =	vimm.s32 $0x3881  }
0x3: {  	vm13 =	vcmask $0x704;
	vm12 =	vcmask $0xB08;
	vm11 =	vcmask $0xF0C  }
0x4: {  	vm10 =	vcmask $0x1310;
	vm9 =	vcmask $0x1714;
	vm8 =	vcmask $0x1B18  }
0x5: {  	vm7 =	vcmask $0x1F1C;
	vm6 =	vcmask $0x2320;
	vm5 =	vcmask $0x2724  }
0x6: {  	vm4 =	vcmask $0x2B28;
	vm3 =	vcmask $0x2F2C;
	vm2 =	vcmask $0x3330  }
0x7: {  	vm1 =	vcmask $0x3734;
	vm0 =	vcmask $0x3B38;
	v12 =	vimm.s32 $0x3981  }
0x8: {  	v13 =	vimm.s32 $0x3A01;
	v14 =	vimm.s32 $0x3A81;
	v15 =	vimm.s32 $0x3B01  }
0x9: {  	v16 =	vimm.s32 $0x3B81;
	v0 =	vand.u32 $0x7, v1;
	v1 =	vshrl.u32 v1, $0x3  }
0xa: {  	v8 =	vsel vm14, $0x0, v8;
	v9 =	vsel vm14, $0x80, v9;
	v12 =	vsel vm14, $0x180, v12  }
0xb: {  	v13 =	vsel vm14, $0x200, v13;
	v14 =	vsel vm14, $0x280, v14;
	v15 =	vsel vm14, $0x300, v15  }
0xc: {  	v16 =	vsel vm14, $0x380, v16;
	v0 =	vmul.u32 $0x800, v0;
	v8 =	vsel vm13, $0x800, v8  }
0xd: {  	v9 =	vsel vm13, $0x880, v9;
	v12 =	vsel vm13, $0x980, v12;
	v13 =	vsel vm13, $0xA00, v13  }
0xe: {  	v14 =	vsel vm13, $0xA80, v14;
	v15 =	vsel vm13, $0xB00, v15;
	v16 =	vsel vm13, $0xB80, v16  }
0xf: {  	v8 =	vsel vm12, $0x1000, v8;
	v9 =	vsel vm12, $0x1080, v9;
	v12 =	vsel vm12, $0x1180, v12  }
0x10: {  	v13 =	vsel vm12, $0x1200, v13;
	v14 =	vsel vm12, $0x1280, v14;
	v15 =	vsel vm12, $0x1300, v15  }
0x11: {  	v16 =	vsel vm12, $0x1380, v16;
	v2 =	vor.u32 $0x80, v0;
	v3 =	vor.u32 $0x100, v0  }
0x12: {  	v4 =	vor.u32 $0x180, v0;
	v5 =	vor.u32 $0x200, v0;
	v6 =	vor.u32 $0x280, v0  }
0x13: {  	v7 =	vor.u32 $0x300, v0;
	v8 =	vsel vm11, $0x1800, v8;
	v9 =	vsel vm11, $0x1880, v9  }
0x14: {  	v12 =	vsel vm11, $0x1980, v12;
	v13 =	vsel vm11, $0x1A00, v13;
	v14 =	vsel vm11, $0x1A80, v14  }
0x15: {  	v15 =	vsel vm11, $0x1B00, v15;
	v16 =	vsel vm11, $0x1B80, v16;
	v8 =	vsel vm10, $0x2000, v8  }
0x16: {  	v9 =	vsel vm10, $0x2080, v9;
	v12 =	vsel vm10, $0x2180, v12;
	v13 =	vsel vm10, $0x2200, v13  }
0x17: {  	v14 =	vsel vm10, $0x2280, v14;
	v15 =	vsel vm10, $0x2300, v15;
	v16 =	vsel vm10, $0x2380, v16  }
0x18: {  	v8 =	vsel vm9, $0x2800, v8;
	v9 =	vsel vm9, $0x2880, v9;
	v12 =	vsel vm9, $0x2980, v12  }
0x19: {  	v13 =	vsel vm9, $0x2A00, v13;
	v14 =	vsel vm9, $0x2A80, v14;
	v15 =	vsel vm9, $0x2B00, v15  }
0x1a: {  	v16 =	vsel vm9, $0x2B80, v16;
	v8 =	vsel vm8, $0x3000, v8;
	v9 =	vsel vm8, $0x3080, v9  }
0x1b: {  	v12 =	vsel vm8, $0x3180, v12;
	v13 =	vsel vm8, $0x3200, v13;
	v14 =	vsel vm8, $0x3280, v14  }
0x1c: {  	v15 =	vsel vm8, $0x3300, v15;
	v16 =	vsel vm8, $0x3380, v16;
	v8 =	vsel vm7, $0x3800, v8  }
0x1d: {  	v9 =	vsel vm7, $0x3880, v9;
	v12 =	vsel vm7, $0x3980, v12;
	v13 =	vsel vm7, $0x3A00, v13  }
0x1e: {  	v14 =	vsel vm7, $0x3A80, v14;
	v15 =	vsel vm7, $0x3B00, v15;
	v16 =	vsel vm7, $0x3B80, v16  }
0x1f: {  	v8 =	vsel vm6, $0x1, v8;
	v9 =	vsel vm6, $0x81, v9;
	v12 =	vsel vm6, $0x181, v12  }
0x20: {  	v13 =	vsel vm6, $0x201, v13;
	v8 =	vsel vm5, $0x801, v8;
	v9 =	vsel vm5, $0x881, v9  }
0x21: {  	v14 =	vsel vm6, $0x281, v14;
	v8 =	vsel vm4, $0x1001, v8;
	v9 =	vsel vm4, $0x1081, v9  }
0x22: {  	s4 =	rddreg [dreg:$0x0];
	v15 =	vsel vm6, $0x301, v15;
	v8 =	vsel vm3, $0x1801, v8;
	v9 =	vsel vm3, $0x1881, v9  }
0x23: {  	s0 =	rddreg [dreg:$0x1];
	v16 =	vsel vm6, $0x381, v16;
	v8 =	vsel vm2, $0x2001, v8;
	v9 =	vsel vm2, $0x2081, v9  }
0x24: {  	s15 =	rddreg [dreg:$0x2];
	s3 =	simm.s32 $0x0;
	v12 =	vsel vm5, $0x981, v12;
	v10 =	vsel vm1, $0x2801, v8;
	v11 =	vsel vm1, $0x2881, v9  }
0x25: {  	[smem:$0x7FF] =	sst s3;
	s22 =	sadd.s32 $0x600, s0;
	v9 =	vsel vm0, $0x3001, v10;
	v10 =	vsel vm0, $0x3081, v11;
	v11 =	vimm.s32 $0x3901  }
0x26: {  	s24 =	sadd.s32 $0x680, s0;
	_ =	strace $0x80000047;
	[dreg:$0x5] =	wrdreg s22;
	v13 =	vsel vm5, $0xA01, v13;
	v14 =	vsel vm5, $0xA81, v14;
	v11 =	vsel vm14, $0x100, v11  }
0x27: {  	s25 =	sadd.s32 $0x700, s0;
	[dreg:$0x9] =	wrdreg s24;
	v15 =	vsel vm5, $0xB01, v15;
	v16 =	vsel vm5, $0xB81, v16;
	v11 =	vsel vm13, $0x900, v11  }
0x28: {  	s1 =	srdreg.scid;
	s26 =	sadd.s32 $0x780, s0;
	[dreg:$0xa] =	wrdreg s25;
	v12 =	vsel vm4, $0x1181, v12;
	v13 =	vsel vm4, $0x1201, v13;
	v11 =	vsel vm12, $0x1100, v11  }
0x29: {  	s2 =	stileid.u32;
	s28 =	sadd.s32 $0x800, s0;
	[dreg:$0xb] =	wrdreg s26;
	v14 =	vsel vm4, $0x1281, v14;
	v15 =	vsel vm4, $0x1301, v15;
	v11 =	vsel vm11, $0x1900, v11  }
0x2a: {  	s1 =	sand.u32 $0x1, s1;
	s29 =	sadd.s32 $0x880, s0;
	[dreg:$0xc] =	wrdreg s28;
	v16 =	vsel vm4, $0x1381, v16;
	v12 =	vsel vm3, $0x1981, v12;
	v11 =	vsel vm10, $0x2100, v11  }
0x2b: {  	s2 =	sshll.u32 s2, $0x1;
	s30 =	sadd.s32 $0x900, s0;
	[dreg:$0xd] =	wrdreg s29;
	v13 =	vsel vm3, $0x1A01, v13;
	v14 =	vsel vm3, $0x1A81, v14;
	v11 =	vsel vm9, $0x2900, v11  }
0x2c: {  	s20 =	sadd.s32 $0x186800, s15;
	s0 =	sadd.s32 $0x980, s0;
	[dreg:$0xe] =	wrdreg s30;
	v15 =	vsel vm3, $0x1B01, v15;
	v16 =	vsel vm3, $0x1B81, v16;
	v11 =	vsel vm8, $0x3100, v11  }
0x2d: {  	s21 =	ssub.s32 $0x2, s1;
	s16 =	sor.u32 s1, s2;
	[dreg:$0xf] =	wrdreg s0;
	v12 =	vsel vm2, $0x2181, v12;
	v13 =	vsel vm2, $0x2201, v13;
	v11 =	vsel vm7, $0x3900, v11  }
0x2e: {  	[dreg:$0x7] =	wrdreg s20;
	s23 =	sshrl.u32 s21, $0x1;
	s2 =	sshll.u32 s16, $0x8;
	v14 =	vsel vm2, $0x2281, v14;
	v15 =	vsel vm2, $0x2301, v15;
	v11 =	vsel vm6, $0x101, v11  }
0x2f: {  	p0 =	sgt.u32 s16, $0xC;
	[dreg:$0x4] =	wrdreg s16;
	s1 =	ssub.s32 s21, s23;
	v16 =	vsel vm2, $0x2381, v16;
	v8 =	vor.u32 $0x380, v0;
	v11 =	vsel vm5, $0x901, v11  }
.Ltmp0:
0x30: {  	s2 =	sadd.s32 s4, s2;
	p1 =	sne.s32 @p0 s16, $0xD;
	v12 =	vsel vm1, $0x2981, v12;
	v13 =	vsel vm1, $0x2A01, v13;
	v11 =	vsel vm4, $0x1101, v11;
	(pc) =	sbr.rel .LBB2_1-.Ltmp0, $4  }
0x31: {  	[dreg:$0x6] =	wrdreg s2;
	s2 =	sadd.s32 $0x2000, s2;
	p1 =	por p1, !p0;
	v14 =	vsel vm1, $0x2A81, v14;
	v15 =	vsel vm1, $0x2B01, v15;
	v11 =	vsel vm3, $0x1901, v11  }
0x32: {  	s31 =	smax.u32 s1, $0x1;
	[dreg:$0x8] =	wrdreg s2;
	s0 =	simm.s32 @!p1 $0x0;
	v16 =	vsel vm1, $0x2B81, v16;
	v12 =	vsel vm0, $0x3181, v12;
	v11 =	vsel vm2, $0x2101, v11  }
0x33: {  	[dreg:$0x10] =	wrdreg s31;
	s0 =	simm.s32 @p1 $0x1;
	v13 =	vsel vm0, $0x3201, v13;
	v14 =	vsel vm0, $0x3281, v14;
	v11 =	vsel vm1, $0x2901, v11  }
0x34: {  	s2 =	simm.s32 $0x0;
	[smem:$0x7FD] =	sst s0;
	v15 =	vsel vm0, $0x3301, v15;
	v16 =	vsel vm0, $0x3381, v16;
	v11 =	vsel vm0, $0x3101, v11  }
.LBB2_65:
0x35: {  	s0 =	simm.s32 $0x5  }
0x36: {  	_ =	swait.ge [sflag:s0], $0x4000  }
0x37: {  	[sflag:s0] =	ssyncset.done $0x0  }
0x38: {  	s30 =	simm.s32 $0x6;
	[sflag:s0] =	ssyncadd.s32 $0xFFFFC000  }
0x39: {  	_ =	swait.ge [sflag:s30], $0x4000  }
0x3a: {  	s31 =	sld [smem:$0x7FD];
	_ =	sdelay $0x2  }
0x3b: {  	[sflag:s30] =	ssyncset.done $0x0;
	p1 =	seq.s32 s31, $0x1  }
0x3c: {  	[sflag:s30] =	ssyncadd.s32 $0xFFFFC000;
	s0 =	simm.s32 @!p1 $0x4  }
0x3d: {  	_ =	swait.ge @!p1 [sflag:s0], $0x1000  }
0x3e: {  	[sflag:s0] =	ssyncset.done @!p1 $0x0  }
0x3f: {  	[sflag:s0] =	ssyncadd.s32 @!p1 $0xFFFFF000;
	s0 =	simm.s32 @!p0 $0x4  }
0x40: {  	_ =	swait.ge @!p0 [sflag:s0], $0x4000  }
0x41: {  	s2 =	rddreg [dreg:$0x11]  }
0x42: {  	s1 =	rddreg [dreg:$0x10];
	s2 =	sadd.s32 $0x1, s2  }
0x43: {  	p1 =	sne.s32 s2, s1  }
.Ltmp1:
0x44: {  	_ = 	snop;
	(pc) =	sbr.rel @!p1 .LBB2_66-.Ltmp1, $3  }
0x45: {  	_ =	sdelay $0x1  }
0x46: {  	[sflag:s0] =	ssyncset.done @!p0 $0x0  }
0x47: {  	[sflag:s0] =	ssyncadd.s32 @!p0 $0xFFFFC000  }
.LBB2_1:
0x48: {  	[dreg:$0x11] =	wrdreg s2;
	s0 =	simm.s32 $0x0  }
0x49: {  	s1 =	rddreg [dreg:$0x6];
	s24 =	simm.s32 $0x800;
	s3 =	simm.s32 $0x186C00  }
0x4a: {  	s25 =	rddreg [dreg:$0x8];
	s26 =	simm.s32 $0x4000;
	s21 =	simm.s32 $0xC000  }
.Ltmp2:
0x4b: {  	s29 =	simm.s32 $0xC170;
	s28 =	simm.s32 $0xC270;
	(pc) =	sbr.rel .LBB2_2-.Ltmp2, $4  }
0x4c: {  	[tilespmem:s0], [sflag:$0x1] =	stream.strided.gather [hbm4b:s1+s24], $0x4000, s3, s24, $0x38;
	[tilespmem:$0x18000] =	vst v63  }
0x4d: {  	s30 =	simm.s32 $0xC2F0;
	s31 =	simm.s32 $0xC370;
	s1 =	simm.s32 $0xC3F0  }
0x4e: {  	[tilespmem:s26], [sflag:$0x2] =	stream.strided.gather [hbm4b:s25+s24], $0x4000, s3, s24, $0x38;
	[tilespmem:$0x18000] =	vst v63  }
0x4f: {  	s25 =	simm.s32 $0xC0F0;
	s26 =	simm.s32 $0xC1F0;
	s3 =	simm.s32 $0x0  }
.LBB2_58:
0x50: {  	s2 =	smov.u32 s1  }
.LBB2_63:
0x51: {  	_ =	sdelay $0x1  }
0x52: {  	[tilespmem:s0+$0xFFFFFFC0] =	vst @p3 v21  }
0x53: {  	[tilespmem:s0+$0xFFFFFFD0] =	vst @p3 v23;
	s2 =	sadd.s32 @p3 $0x400, s2;
	s4 =	smov.u32 s1  }
0x54: {  	v20 =	vld.idx.msk [tilespmem:v20+s9+$0x0], $0xffff;
	[tilespmem:s0+$0xFFFFFFE0] =	vst @p3 v22;
	s4 =	smov.u32 @p3 s2  }
0x55: {  	v61 =	vld.idx.msk [tilespmem:v24+s9+$0x0], $0xffff;
	[tilespmem:s0+$0x0] =	vst @p3 v29;
	s2 =	sadd.s32 s17, s4  }
0x56: {  	v62 =	vld.idx.msk [tilespmem:v26+s9+$0x0], $0xffff;
	[tilespmem:s2+$0xFFFFFFF0] =	vst v18  }
0x57: {  	v63 =	vld.idx.msk [tilespmem:v27+s9+$0x0], $0xffff;
	[tilespmem:s2+$0xFFFFFFA0] =	vst v19  }
0x58: {  	v18 =	vld.idx.msk [tilespmem:v28+s9+$0x0], $0xffff;
	[tilespmem:s2+$0x0] =	vst v17  }
0x59: {  	[tilespmem:s2+$0xFFFFFFB0] =	vst v20  }
0x5a: {  	[tilespmem:s2+$0xFFFFFF90] =	vst v61  }
0x5b: {  	[tilespmem:s2+$0xFFFFFFC0] =	vst v62  }
0x5c: {  	[tilespmem:s2+$0xFFFFFFD0] =	vst v63  }
0x5d: {  	[tilespmem:s2+$0xFFFFFFE0] =	vst v18  }
.LBB2_64:
0x5e: {  	s2 =	smulhi.u32 @p4 $0xAAAAAAAB, s3  }
0x5f: {  	s0 =	sshll.u32 @!p2 s23, $0xE;
	s4 =	sor.u32 @!p2 $0x4, s23  }
0x60: {  	s5 =	sshll.u32 @!p2 s22, $0xB;
	s6 =	simm.s32 @!p2 $0x0;
	s2 =	sshrl.u32 @p4 s2, $0x1  }
0x61: {  	s0 =	sadd.s32 @!p2 $0xC000, s0;
	s5 =	sadd.s32 @!p2 s15, s5;
	s2 =	smul.u32 @p4 $0x3, s2  }
0x62: {  	[hbm4b:s5+s6] =	stream.linear.scatter @!p2 [tilespmem:s0], [sflag:s4], $0x4000, $0x38;
	[tilespmem:$0x18000] =	vst v63  }
0x63: {  	s0 =	ssub.s32 @p4 s3, s2;
	s3 =	sadd.s32 $0x1, s3  }
0x64: {  	s21 =	sadd.s32 $0x4000, s21;
	p1 =	sne.s32 s3, $0x19  }
.Ltmp3:
0x65: {  	s25 =	sadd.s32 $0x4000, s25;
	s29 =	sadd.s32 $0x4000, s29;
	(pc) =	sbr.rel @!p1 .LBB2_65-.Ltmp3, $4  }
0x66: {  	s26 =	sadd.s32 $0x4000, s26;
	s28 =	sadd.s32 $0x4000, s28;
	s30 =	sadd.s32 $0x4000, s30  }
0x67: {  	s31 =	sadd.s32 $0x4000, s31;
	s1 =	sadd.s32 $0x4000, s1;
	s2 =	sshll.u32 @p4 s0, $0xE  }
0x68: {  	s4 =	simm.s32 @p4 $0x0;
	s0 =	sor.u32 @p4 $0x4, s0;
	s2 =	sadd.s32 @p4 $0xC000, s2  }
0x69: {  	[hbm4b:s20+s4] =	stream.linear.scatter @p4 [tilespmem:s2], [sflag:s0], $0x1000, $0x38;
	[tilespmem:$0x18000] =	vst v63  }
.LBB2_2:
0x6a: {  	p1 =	sgt.u32 s3, $0x16  }
.Ltmp4:
0x6b: {  	_ = 	snop;
	(pc) =	sbr.rel @p1 .LBB2_4-.Ltmp4, $1  }
0x6c: {  	_ =	sdelay $0x3  }
0x6d: {  	s0 =	sadd.s32 $0x2, s3  }
0x6e: {  	s2 =	sshll.u32 s0, $0x5  }
0x6f: {  	s2 =	sor.u32 s16, s2  }
0x70: {  	p2 =	sgt.u32 s2, $0x30C  }
0x71: {  	p1 =	sne.s32 @p2 s2, $0x30D  }
0x72: {  	p1 =	por p1, !p2  }
0x73: {  	s4 =	smul.u32 @!p1 $0xAB, s0;
	_ =	sdelay $0x1  }
0x74: {  	s4 =	sshrl.u32 @!p1 s4, $0x9  }
0x75: {  	s4 =	sand.u32 @!p1 $0x7F, s4  }
0x76: {  	s4 =	smul.u32 @!p1 $0x3, s4;
	_ =	sdelay $0x1  }
0x77: {  	s4 =	ssub.s32 @!p1 s0, s4  }
0x78: {  	s5 =	rddreg [dreg:$0x5];
	s4 =	sand.u32 @!p1 $0xFF, s4  }
0x79: {  	s7 =	simm.s32 @!p1 $0x0;
	s6 =	sadd.s32 @!p1 $0x1, s4;
	s4 =	sshll.u32 @!p1 s4, $0xE  }
0x7a: {  	[tilespmem:s4], [sflag:s6] =	stream.linear.gather @!p1 [hbm4b:s5+s7], $0x400, $0x38;
	[tilespmem:$0x18000] =	vst v63  }
0x7b: {  	s8 =	sor.u32 @!p1 $0x800, s4;
	s5 =	rddreg [dreg:$0x9]  }
0x7c: {  	[tilespmem:s8], [sflag:s6] =	stream.linear.gather @!p1 [hbm4b:s5+s7], $0x400, $0x38;
	[tilespmem:$0x18000] =	vst v63  }
0x7d: {  	s8 =	sor.u32 @!p1 $0x1000, s4;
	s5 =	rddreg [dreg:$0xa]  }
0x7e: {  	[tilespmem:s8], [sflag:s6] =	stream.linear.gather @!p1 [hbm4b:s5+s7], $0x400, $0x38;
	[tilespmem:$0x18000] =	vst v63  }
0x7f: {  	s8 =	sor.u32 @!p1 $0x1800, s4;
	s5 =	rddreg [dreg:$0xb]  }
0x80: {  	[tilespmem:s8], [sflag:s6] =	stream.linear.gather @!p1 [hbm4b:s5+s7], $0x400, $0x38;
	[tilespmem:$0x18000] =	vst v63  }
0x81: {  	s8 =	sor.u32 @!p1 $0x2000, s4;
	s5 =	rddreg [dreg:$0xc]  }
0x82: {  	[tilespmem:s8], [sflag:s6] =	stream.linear.gather @!p1 [hbm4b:s5+s7], $0x400, $0x38;
	[tilespmem:$0x18000] =	vst v63  }
0x83: {  	s8 =	sor.u32 @!p1 $0x2800, s4;
	s5 =	rddreg [dreg:$0xd]  }
0x84: {  	[tilespmem:s8], [sflag:s6] =	stream.linear.gather @!p1 [hbm4b:s5+s7], $0x400, $0x38;
	[tilespmem:$0x18000] =	vst v63  }
0x85: {  	s9 =	smul.u32 @!p2 $0xAB, s0;
	s8 =	sor.u32 @!p1 $0x3000, s4;
	s5 =	rddreg [dreg:$0xe]  }
0x86: {  	[tilespmem:s8], [sflag:s6] =	stream.linear.gather @!p1 [hbm4b:s5+s7], $0x400, $0x38;
	[tilespmem:$0x18000] =	vst v63  }
0x87: {  	s8 =	sshrl.u32 @!p2 s9, $0x9  }
0x88: {  	s8 =	sand.u32 @!p2 $0x7F, s8  }
0x89: {  	s4 =	sor.u32 @!p1 $0x3800, s4;
	s5 =	rddreg [dreg:$0xf];
	s8 =	smul.u32 @!p2 $0x3, s8  }
0x8a: {  	[tilespmem:s4], [sflag:s6] =	stream.linear.gather @!p1 [hbm4b:s5+s7], $0x400, $0x38;
	[tilespmem:$0x18000] =	vst v63  }
0x8b: {  	s2 =	sshll.u32 @!p2 s2, $0x8;
	s5 =	rddreg [dreg:$0x0];
	s0 =	ssub.s32 @!p2 s0, s8  }
0x8c: {  	s6 =	simm.s32 @!p2 $0x800;
	s7 =	simm.s32 @!p2 $0x186C00;
	s0 =	sand.u32 @!p2 $0xFF, s0  }
0x8d: {  	s2 =	sadd.s32 @!p2 s5, s2;
	s4 =	sshll.u32 @!p2 s0, $0xE;
	s0 =	sadd.s32 @!p2 $0x1, s0  }
0x8e: {  	[tilespmem:s4], [sflag:s0] =	stream.strided.gather @!p2 [hbm4b:s2+s6], $0x4000, s7, s6, $0x38;
	[tilespmem:$0x18000] =	vst v63  }
.LBB2_4:
0x8f: {  	s0 =	sshll.u32 s3, $0x5  }
0x90: {  	s22 =	sor.u32 s16, s0  }
0x91: {  	p2 =	sgt.u32 s22, $0x30C  }
0x92: {  	p3 =	sne.s32 @p2 s22, $0x30D  }
0x93: {  	p4 =	por p3, !p2  }
0x94: {  	s0 =	smulhi.u32 @!p4 $0xAAAAAAAB, s3;
	_ =	sdelay $0x1  }
0x95: {  	s2 =	smulhi.u32 @!p2 $0xAAAAAAAB, s3;
	s0 =	sshrl.u32 @!p4 s0, $0x1  }
0x96: {  	p1 =	slt.u32 s3, $0x3;
	s0 =	smul.u32 @!p4 $0x3, s0  }
0x97: {  	s4 =	sadd.s32 @!p1 $0xFFFFFFFD, s3  }
0x98: {  	s6 =	smulhi.u32 @!p1 $0xAAAAAAAB, s4;
	s2 =	sshrl.u32 @!p2 s2, $0x1;
	s0 =	ssub.s32 @!p4 s3, s0  }
0x99: {  	s2 =	smul.u32 @!p2 $0x3, s2;
	s0 =	sadd.s32 @!p4 $0x1, s0  }
0x9a: {  	s7 =	smulhi.u32 $0xAAAAAAAB, s3;
	_ =	swait.ge @!p4 [sflag:s0], $0x2000  }
0x9b: {  	s23 =	ssub.s32 @!p2 s3, s2;
	s2 =	sshrl.u32 @!p1 s6, $0x1;
	[sflag:s0] =	ssyncset.done @!p4 $0x0  }
0x9c: {  	s2 =	smul.u32 @!p1 $0x3, s2;
	[sflag:s0] =	ssyncadd.s32 @!p4 $0xFFFFE000;
	s0 =	sadd.s32 @!p2 $0x1, s23  }
0x9d: {  	s18 =	sshrl.u32 s7, $0x1;
	_ =	swait.ge @!p2 [sflag:s0], $0x4000  }
.Ltmp5:
0x9e: {  	s2 =	ssub.s32 @!p1 s4, s2;
	[sflag:s0] =	ssyncset.done @!p2 $0x0;
	(pc) =	sbr.rel @p2 .LBB2_22-.Ltmp5, $4  }
0x9f: {  	s24 =	smul.u32 $0xFFFD0000, s18;
	[sflag:s0] =	ssyncadd.s32 @!p2 $0xFFFFC000;
	s0 =	sor.u32 @!p1 $0x4, s2  }
0xa0: {  	_ =	swait.ge @!p1 [sflag:s0], $0x4000  }
0xa1: {  	s17 =	sshra.s32 s24, $0x2;
	[sflag:s0] =	ssyncset.done @!p1 $0x0  }
0xa2: {  	s9 =	smul.u32 $0x3, s18;
	s19 =	sadd.s32 s17, s21;
	[sflag:s0] =	ssyncadd.s32 @!p1 $0xFFFFC000  }
0xa3: {  	s0 =	simm.s32 $0x0  }
0xa4: {  	s14 =	simm.s32 $0x2;
	s2 =	simm.s32 $0xE;
	s4 =	simm.s32 $0x4;
	v17 =	vmov s0;
	v18 =	vor.u32 s0, v1  }
0xa5: {  	s6 =	simm.s32 $0x6;
	s18 =	simm.s32 $0x8;
	v19 =	vmov s14;
	v20 =	vmov s2;
	v21 =	vmov s4  }
0xa6: {  	s7 =	simm.s32 $0xA;
	v22 =	vor.u32 s2, v1;
	v23 =	vmov s6;
	v24 =	vmov s18  }
0xa7: {  	v25 =	vmov s7;
	v26 =	vor.u32 s14, v1;
	v27 =	vor.u32 s4, v1  }
0xa8: {  	s8 =	simm.s32 $0xC;
	v28 =	vor.u32 s6, v1;
	v29 =	vor.u32 s18, v1;
	v30 =	vor.u32 s7, v1  }
0xa9: {  	v31 =	vor.u32 s8, v1;
	v17 =	vshll.u32 v17, $0x3;
	v20 =	vshll.u32 v20, $0x3  }
0xaa: {  	v22 =	vand.u32 $0x7F, v22;
	v19 =	vshll.u32 v19, $0x3;
	v20 =	vand.u32 $0x400, v20  }
0xab: {  	v21 =	vshll.u32 v21, $0x3;
	v23 =	vshll.u32 v23, $0x3;
	v20 =	vor.u32 v22, v20  }
0xac: {  	v24 =	vshll.u32 v24, $0x3;
	v25 =	vshll.u32 v25, $0x3;
	v20 =	vor.u32 v0, v20  }
0xad: {  	v26 =	vand.u32 $0x73, v26;
	v27 =	vand.u32 $0x75, v27;
	v28 =	vand.u32 $0x77, v28  }
0xae: {  	v29 =	vand.u32 $0x79, v29;
	v30 =	vand.u32 $0x7B, v30;
	v31 =	vand.u32 $0x7D, v31  }
0xaf: {  	s24 =	ssub.s32 s3, s9;
	v18 =	vand.u32 $0x71, v18;
	v19 =	vand.u32 $0x400, v19;
	v21 =	vand.u32 $0x400, v21  }
0xb0: {  	s18 =	sshll.u32 s24, $0xE;
	v23 =	vand.u32 $0x400, v23;
	v24 =	vand.u32 $0x400, v24;
	v17 =	vand.u32 $0x400, v17  }
0xb1: {  	v25 =	vand.u32 $0x400, v25;
	v22 =	vmov s8;
	v19 =	vor.u32 v26, v19;
	v20 =	vld.idx.msk [tilespmem:v20+s18+$0x0], $0xffff  }
0xb2: {  	v21 =	vor.u32 v27, v21;
	v63 =	vor.u32 v28, v23;
	v24 =	vor.u32 v29, v24  }
0xb3: {  	v25 =	vor.u32 v30, v25;
	v18 =	vor.u32 v18, v17;
	v22 =	vshll.u32 v22, $0x3  }
0xb4: {  	v23 =	vor.u32 v0, v19;
	v17 =	vor.u32 v0, v24;
	v22 =	vand.u32 $0x400, v22  }
0xb5: {  	s2 =	simm.s32 $0x0;
	v18 =	vor.u32 v0, v18;
	v19 =	vor.u32 v31, v22;
	v22 =	vor.u32 v0, v21  }
0xb6: {  	s0 =	simm.s32 $0xE;
	s6 =	simm.s32 $0x10;
	s7 =	smov.u32 s19;
	v21 =	vor.u32 v0, v63;
	v19 =	vor.u32 v0, v19;
	[tilespmem:s19+$0x70] =	vst v20;
	v20 =	vor.u32 v0, v25  }
.LBB2_6:
0xb7: {  	v24 =	vmov s6;
	v25 =	vor.u32 s6, v1;
	s4 =	sadd.s32 $0x2, s6;
	s8 =	sadd.s32 $0xE, s6;
	s2 =	sadd.s32 $0x8, s2  }
0xb8: {  	s10 =	sadd.s32 $0x4, s6;
	s11 =	sadd.s32 $0x6, s6;
	v24 =	vshll.u32 v24, $0x3;
	v26 =	vmov s4;
	v27 =	vmov s8;
	p5 =	slt.u32 s2, $0x78  }
0xb9: {  	s12 =	sadd.s32 $0x8, s6;
	s13 =	sadd.s32 $0xA, s6;
	s14 =	sadd.s32 $0xC, s6;
	v28 =	vmov s10;
	v29 =	vor.u32 s8, v1;
	v27 =	vshll.u32 v27, $0x3;
	v23 =	vld.idx.msk [tilespmem:v23+s18+$0x0], $0xffff  }
0xba: {  	v30 =	vmov s11;
	v29 =	vand.u32 $0x7F, v29;
	v27 =	vand.u32 $0x400, v27;
	v22 =	vld.idx.msk [tilespmem:v22+s18+$0x0], $0xffff  }
0xbb: {  	v31 =	vmov s12;
	v32 =	vmov s13;
	v27 =	vor.u32 v29, v27;
	v21 =	vld.idx.msk [tilespmem:v21+s18+$0x0], $0xffff  }
0xbc: {  	v26 =	vshll.u32 v26, $0x3;
	v29 =	vmov s14;
	v27 =	vor.u32 v0, v27;
	v17 =	vld.idx.msk [tilespmem:v17+s18+$0x0], $0xffff  }
0xbd: {  	v28 =	vshll.u32 v28, $0x3;
	v30 =	vshll.u32 v30, $0x3;
	v31 =	vshll.u32 v31, $0x3;
	v20 =	vld.idx.msk [tilespmem:v20+s18+$0x0], $0xffff  }
0xbe: {  	v33 =	vor.u32 s4, v1;
	v32 =	vshll.u32 v32, $0x3;
	v29 =	vshll.u32 v29, $0x3;
	v19 =	vld.idx.msk [tilespmem:v19+s18+$0x0], $0xffff  }
0xbf: {  	v34 =	vor.u32 s10, v1;
	v35 =	vor.u32 s11, v1;
	v36 =	vor.u32 s12, v1;
	v18 =	vld.idx.msk [tilespmem:v18+s18+$0x0], $0xffff  }
0xc0: {  	v37 =	vor.u32 s13, v1;
	v38 =	vor.u32 s14, v1;
	v26 =	vand.u32 $0x400, v26;
	[tilespmem:s7+$0x10] =	vst v23  }
0xc1: {  	v23 =	vand.u32 $0x400, v28;
	v28 =	vand.u32 $0x400, v30;
	v30 =	vand.u32 $0x400, v31;
	v27 =	vld.idx.msk [tilespmem:v27+s18+$0x0], $0xffff;
	[tilespmem:s7+$0x20] =	vst v22  }
0xc2: {  	v29 =	vand.u32 $0x400, v29;
	v22 =	vand.u32 $0x400, v24;
	v24 =	vand.u32 $0x400, v32;
	[tilespmem:s7+$0x30] =	vst v21  }
0xc3: {  	v31 =	vand.u32 $0x75, v34;
	v32 =	vand.u32 $0x77, v35;
	v21 =	vand.u32 $0x73, v33;
	[tilespmem:s7+$0x40] =	vst v17  }
0xc4: {  	v34 =	vand.u32 $0x7D, v38;
	v33 =	vand.u32 $0x7B, v37;
	v17 =	vand.u32 $0x79, v36;
	[tilespmem:s7+$0x50] =	vst v20  }
.Ltmp6:
0xc5: {  	v21 =	vor.u32 v21, v26;
	v20 =	vand.u32 $0x71, v25;
	v25 =	vor.u32 v31, v23;
	[tilespmem:s7+$0x60] =	vst v19;
	(pc) =	sbr.rel @p5 .LBB2_6-.Ltmp6, $4  }
0xc6: {  	v24 =	vor.u32 v33, v24;
	v17 =	vor.u32 v17, v30;
	v19 =	vor.u32 v32, v28;
	[tilespmem:s7+$0x0] =	vst v18;
	s7 =	sadd.s32 $0x400, s7  }
0xc7: {  	v26 =	vor.u32 v34, v29;
	v23 =	vor.u32 v0, v21;
	v18 =	vor.u32 v20, v22;
	[tilespmem:s7+$0x70] =	vst v27  }
0xc8: {  	v17 =	vor.u32 v0, v17;
	v22 =	vor.u32 v0, v25;
	v21 =	vor.u32 v0, v19  }
0xc9: {  	s6 =	sadd.s32 $0x10, s6;
	v20 =	vor.u32 v0, v24;
	v19 =	vor.u32 v0, v26;
	v18 =	vor.u32 v0, v18  }
0xca: {  	_ =	sdelay $0x2  }
0xcb: {  	s2 =	simm.s32 $0x2;
	s4 =	simm.s32 $0xC;
	v24 =	vmov s0;
	v25 =	vor.u32 s0, v1  }
0xcc: {  	v23 =	vld.idx.msk [tilespmem:v23+s18+$0x0], $0xffff;
	s13 =	simm.s32 $0x4;
	s14 =	simm.s32 $0x0;
	v26 =	vmov s2;
	v27 =	vor.u32 s2, v1;
	v28 =	vmov s4  }
0xcd: {  	v22 =	vld.idx.msk [tilespmem:v22+s18+$0x0], $0xffff;
	s24 =	simm.s32 $0x6;
	s6 =	simm.s32 $0x8;
	v29 =	vmov s13;
	v30 =	vor.u32 s4, v1;
	v31 =	vmov s14  }
0xce: {  	v21 =	vld.idx.msk [tilespmem:v21+s18+$0x0], $0xffff;
	s8 =	simm.s32 $0xA;
	v33 =	vmov s24;
	v34 =	vmov s6;
	v59 =	vor.u32 s24, v1  }
0xcf: {  	v32 =	vld.idx.msk [tilespmem:v17+s18+$0x0], $0xffff;
	v35 =	vor.u32 s6, v1;
	v60 =	vor.u32 s8, v1;
	v24 =	vshll.u32 v24, $0x3  }
0xd0: {  	v18 =	vld.idx.msk [tilespmem:v18+s18+$0x0], $0xffff;
	v25 =	vand.u32 $0x7F, v25;
	v28 =	vshll.u32 v28, $0x3;
	v30 =	vand.u32 $0x7D, v30  }
0xd1: {  	v20 =	vld.idx.msk [tilespmem:v20+s18+$0x0], $0xffff;
	v58 =	vshll.u32 v34, $0x3;
	v63 =	vand.u32 $0x400, v24;
	v28 =	vand.u32 $0x400, v28;
	[tilespmem:s7+$0x10] =	vst v23  }
0xd2: {  	v19 =	vld.idx.msk [tilespmem:v19+s18+$0x0], $0xffff;
	v17 =	vor.u32 v30, v28;
	v28 =	vshll.u32 v31, $0x3;
	v30 =	vmov s8;
	[tilespmem:s7+$0x20] =	vst v22  }
0xd3: {  	v31 =	vor.u32 v2, v17;
	v23 =	vshll.u32 v26, $0x3;
	v26 =	vshll.u32 v29, $0x3;
	[tilespmem:s7+$0x30] =	vst v21  }
0xd4: {  	v29 =	vshll.u32 v33, $0x3;
	v22 =	vor.u32 s14, v1;
	v30 =	vshll.u32 v30, $0x3;
	[tilespmem:s7+$0x40] =	vst v32  }
0xd5: {  	v21 =	vor.u32 s13, v1;
	v28 =	vand.u32 $0x400, v28;
	[tilespmem:s7+$0x0] =	vst v18;
	v18 =	vand.u32 $0x73, v27  }
0xd6: {  	[tilespmem:s7+$0x50] =	vst v20;
	v27 =	vand.u32 $0x77, v59;
	v20 =	vand.u32 $0x400, v23;
	v23 =	vand.u32 $0x400, v26  }
0xd7: {  	[tilespmem:s7+$0x60] =	vst v19;
	v26 =	vand.u32 $0x400, v29;
	v19 =	vand.u32 $0x71, v22;
	v29 =	vand.u32 $0x400, v58  }
0xd8: {  	v61 =	vand.u32 $0x400, v30;
	v21 =	vand.u32 $0x75, v21;
	v30 =	vand.u32 $0x79, v35;
	v62 =	vld.idx.msk [tilespmem:v31+s18+$0x0], $0xffff  }
0xd9: {  	v22 =	vor.u32 v19, v28;
	v19 =	vor.u32 v18, v20;
	v23 =	vor.u32 v21, v23  }
0xda: {  	v24 =	vor.u32 v27, v26;
	v18 =	vor.u32 v30, v29;
	v21 =	vor.u32 v25, v63  }
0xdb: {  	v30 =	vor.u32 v2, v22;
	v29 =	vor.u32 v2, v23;
	v31 =	vand.u32 $0x7B, v60  }
0xdc: {  	s0 =	sadd.s32 s17, s25;
	v28 =	vor.u32 v2, v24;
	v20 =	vor.u32 v31, v61;
	v31 =	vor.u32 v2, v19  }
0xdd: {  	s2 =	simm.s32 $0x0;
	s6 =	simm.s32 $0x1E;
	s7 =	smov.u32 s25;
	v27 =	vor.u32 v2, v18;
	v25 =	vor.u32 v2, v21;
	v26 =	vor.u32 v2, v20;
	[tilespmem:s0+$0xFFFFFFF0] =	vst v62  }
.LBB2_8:
0xde: {  	s4 =	sadd.s32 $0xFFFFFFF4, s6;
	s8 =	sadd.s32 $0xFFFFFFFE, s6;
	v32 =	vmov s6;
	v33 =	vor.u32 s6, v1;
	s2 =	sadd.s32 $0x8, s2  }
0xdf: {  	s10 =	sadd.s32 $0xFFFFFFF8, s6;
	v34 =	vmov s4;
	v35 =	vor.u32 s4, v1;
	s4 =	sadd.s32 $0xFFFFFFF6, s6;
	v36 =	vmov s8;
	p5 =	slt.u32 s2, $0x78  }
0xe0: {  	s11 =	sadd.s32 $0xFFFFFFF2, s6;
	s12 =	sadd.s32 $0xFFFFFFFA, s6;
	s13 =	sadd.s32 $0xFFFFFFFC, s6;
	v38 =	vor.u32 s8, v1;
	v37 =	vmov s4;
	v36 =	vshll.u32 v36, $0x3;
	v30 =	vld.idx.msk [tilespmem:v30+s18+$0x0], $0xffff  }
0xe1: {  	v39 =	vmov s11;
	v38 =	vand.u32 $0x7D, v38;
	v36 =	vand.u32 $0x400, v36;
	v31 =	vld.idx.msk [tilespmem:v31+s18+$0x0], $0xffff  }
0xe2: {  	v40 =	vmov s10;
	v41 =	vmov s12;
	v36 =	vor.u32 v38, v36;
	v29 =	vld.idx.msk [tilespmem:v29+s18+$0x0], $0xffff  }
0xe3: {  	v38 =	vshll.u32 v39, $0x3;
	v39 =	vmov s13;
	v36 =	vor.u32 v2, v36;
	v28 =	vld.idx.msk [tilespmem:v28+s18+$0x0], $0xffff  }
0xe4: {  	v34 =	vshll.u32 v34, $0x3;
	v40 =	vshll.u32 v40, $0x3;
	v37 =	vshll.u32 v37, $0x3;
	v27 =	vld.idx.msk [tilespmem:v27+s18+$0x0], $0xffff  }
0xe5: {  	v42 =	vor.u32 s11, v1;
	v41 =	vshll.u32 v41, $0x3;
	v39 =	vshll.u32 v39, $0x3;
	v26 =	vld.idx.msk [tilespmem:v26+s18+$0x0], $0xffff  }
0xe6: {  	v44 =	vor.u32 s10, v1;
	v45 =	vor.u32 s12, v1;
	v43 =	vor.u32 s4, v1;
	v25 =	vld.idx.msk [tilespmem:v25+s18+$0x0], $0xffff  }
0xe7: {  	v46 =	vor.u32 s13, v1;
	v32 =	vshll.u32 v32, $0x3;
	v38 =	vand.u32 $0x400, v38;
	[tilespmem:s0+$0xFFFFFF90] =	vst v30  }
0xe8: {  	v30 =	vand.u32 $0x400, v34;
	v34 =	vand.u32 $0x400, v37;
	v37 =	vand.u32 $0x400, v40;
	v36 =	vld.idx.msk [tilespmem:v36+s18+$0x0], $0xffff;
	[tilespmem:s0+$0xFFFFFFA0] =	vst v31  }
0xe9: {  	v39 =	vand.u32 $0x400, v39;
	v40 =	vand.u32 $0x400, v41;
	v31 =	vand.u32 $0x71, v42;
	[tilespmem:s0+$0xFFFFFFB0] =	vst v29  }
0xea: {  	v41 =	vand.u32 $0x77, v44;
	v29 =	vand.u32 $0x73, v35;
	v35 =	vand.u32 $0x75, v43;
	[tilespmem:s0+$0xFFFFFFC0] =	vst v28  }
0xeb: {  	v32 =	vand.u32 $0x400, v32;
	v42 =	vand.u32 $0x7B, v46;
	v28 =	vand.u32 $0x79, v45;
	[tilespmem:s0+$0xFFFFFFD0] =	vst v27  }
.Ltmp7:
0xec: {  	s7 =	sadd.s32 $0x400, s7;
	v29 =	vor.u32 v29, v30;
	v27 =	vor.u32 v31, v38;
	v31 =	vand.u32 $0x7F, v33;
	[tilespmem:s0+$0xFFFFFFE0] =	vst v26;
	(pc) =	sbr.rel @p5 .LBB2_8-.Ltmp7, $4  }
0xed: {  	v33 =	vor.u32 v41, v37;
	v26 =	vor.u32 v35, v34;
	v34 =	vor.u32 v28, v40;
	[tilespmem:s0+$0x0] =	vst v25;
	s0 =	sadd.s32 s17, s7  }
0xee: {  	v30 =	vor.u32 v2, v27;
	v32 =	vor.u32 v31, v32;
	v25 =	vor.u32 v42, v39;
	[tilespmem:s0+$0xFFFFFFF0] =	vst v36  }
0xef: {  	v31 =	vor.u32 v2, v29;
	v28 =	vor.u32 v2, v33;
	v29 =	vor.u32 v2, v26  }
0xf0: {  	s6 =	sadd.s32 $0x10, s6;
	v27 =	vor.u32 v2, v34;
	v26 =	vor.u32 v2, v25;
	v25 =	vor.u32 v2, v32  }
0xf1: {  	_ =	sdelay $0x3  }
0xf2: {  	v30 =	vld.idx.msk [tilespmem:v30+s18+$0x0], $0xffff  }
0xf3: {  	v31 =	vld.idx.msk [tilespmem:v31+s18+$0x0], $0xffff  }
0xf4: {  	v29 =	vld.idx.msk [tilespmem:v29+s18+$0x0], $0xffff  }
0xf5: {  	v28 =	vld.idx.msk [tilespmem:v28+s18+$0x0], $0xffff  }
0xf6: {  	v27 =	vld.idx.msk [tilespmem:v27+s18+$0x0], $0xffff  }
0xf7: {  	v26 =	vld.idx.msk [tilespmem:v26+s18+$0x0], $0xffff;
	[tilespmem:s0+$0xFFFFFF90] =	vst v30  }
0xf8: {  	v25 =	vld.idx.msk [tilespmem:v25+s18+$0x0], $0xffff;
	[tilespmem:s0+$0xFFFFFFA0] =	vst v31  }
0xf9: {  	v17 =	vor.u32 v3, v17;
	[tilespmem:s0+$0xFFFFFFB0] =	vst v29  }
0xfa: {  	[tilespmem:s0+$0xFFFFFFC0] =	vst v28  }
0xfb: {  	[tilespmem:s0+$0xFFFFFFD0] =	vst v27  }
0xfc: {  	[tilespmem:s0+$0xFFFFFFE0] =	vst v26  }
0xfd: {  	[tilespmem:s0+$0x0] =	vst v25  }
0xfe: {  	v27 =	vld.idx.msk [tilespmem:v17+s18+$0x0], $0xffff;
	_ =	sdelay $0x2  }
0xff: {  	v26 =	vor.u32 v3, v22  }
0x100: {  	s7 =	sadd.s32 s17, s29;
	v23 =	vor.u32 v3, v23;
	v25 =	vor.u32 v3, v19;
	v22 =	vor.u32 v3, v18  }
0x101: {  	s2 =	simm.s32 $0x1E;
	s6 =	smov.u32 s29;
	s0 =	simm.s32 $0x0;
	v19 =	vor.u32 v3, v20;
	v18 =	vor.u32 v3, v21;
	v17 =	vor.u32 v3, v24;
	[tilespmem:s7+$0xFFFFFFF0] =	vst v27  }
.LBB2_10:
0x102: {  	s4 =	sadd.s32 $0xFFFFFFF4, s2;
	s8 =	sadd.s32 $0xFFFFFFFE, s2;
	v20 =	vmov s2;
	v21 =	vor.u32 s2, v1;
	s0 =	sadd.s32 $0x8, s0  }
0x103: {  	s10 =	sadd.s32 $0xFFFFFFF8, s2;
	v24 =	vmov s4;
	v27 =	vor.u32 s4, v1;
	s4 =	sadd.s32 $0xFFFFFFF6, s2;
	v28 =	vmov s8;
	p5 =	slt.u32 s0, $0x78  }
0x104: {  	s11 =	sadd.s32 $0xFFFFFFF2, s2;
	s12 =	sadd.s32 $0xFFFFFFFA, s2;
	s13 =	sadd.s32 $0xFFFFFFFC, s2;
	v30 =	vor.u32 s8, v1;
	v29 =	vmov s4;
	v28 =	vshll.u32 v28, $0x3;
	v26 =	vld.idx.msk [tilespmem:v26+s18+$0x0], $0xffff  }
0x105: {  	v31 =	vmov s11;
	v30 =	vand.u32 $0x7D, v30;
	v28 =	vand.u32 $0x400, v28;
	v25 =	vld.idx.msk [tilespmem:v25+s18+$0x0], $0xffff  }
0x106: {  	v32 =	vmov s10;
	v33 =	vmov s12;
	v28 =	vor.u32 v30, v28;
	v23 =	vld.idx.msk [tilespmem:v23+s18+$0x0], $0xffff  }
0x107: {  	v30 =	vshll.u32 v31, $0x3;
	v31 =	vmov s13;
	v28 =	vor.u32 v3, v28;
	v17 =	vld.idx.msk [tilespmem:v17+s18+$0x0], $0xffff  }
0x108: {  	v24 =	vshll.u32 v24, $0x3;
	v32 =	vshll.u32 v32, $0x3;
	v29 =	vshll.u32 v29, $0x3;
	v22 =	vld.idx.msk [tilespmem:v22+s18+$0x0], $0xffff  }
0x109: {  	v34 =	vor.u32 s11, v1;
	v33 =	vshll.u32 v33, $0x3;
	v31 =	vshll.u32 v31, $0x3;
	v19 =	vld.idx.msk [tilespmem:v19+s18+$0x0], $0xffff  }
0x10a: {  	v36 =	vor.u32 s10, v1;
	v37 =	vor.u32 s12, v1;
	v35 =	vor.u32 s4, v1;
	v18 =	vld.idx.msk [tilespmem:v18+s18+$0x0], $0xffff  }
0x10b: {  	v38 =	vor.u32 s13, v1;
	v20 =	vshll.u32 v20, $0x3;
	v30 =	vand.u32 $0x400, v30;
	[tilespmem:s7+$0xFFFFFF90] =	vst v26  }
0x10c: {  	v24 =	vand.u32 $0x400, v24;
	v26 =	vand.u32 $0x400, v29;
	v29 =	vand.u32 $0x400, v32;
	v28 =	vld.idx.msk [tilespmem:v28+s18+$0x0], $0xffff;
	[tilespmem:s7+$0xFFFFFFA0] =	vst v25  }
0x10d: {  	v31 =	vand.u32 $0x400, v31;
	v32 =	vand.u32 $0x400, v33;
	v25 =	vand.u32 $0x71, v34;
	[tilespmem:s7+$0xFFFFFFB0] =	vst v23  }
0x10e: {  	v33 =	vand.u32 $0x77, v36;
	v23 =	vand.u32 $0x73, v27;
	v27 =	vand.u32 $0x75, v35;
	[tilespmem:s7+$0xFFFFFFC0] =	vst v17  }
0x10f: {  	v20 =	vand.u32 $0x400, v20;
	v34 =	vand.u32 $0x7B, v38;
	v17 =	vand.u32 $0x79, v37;
	[tilespmem:s7+$0xFFFFFFD0] =	vst v22  }
.Ltmp8:
0x110: {  	s6 =	sadd.s32 $0x400, s6;
	v21 =	vand.u32 $0x7F, v21;
	v23 =	vor.u32 v23, v24;
	v22 =	vor.u32 v25, v30;
	[tilespmem:s7+$0xFFFFFFE0] =	vst v19;
	(pc) =	sbr.rel @p5 .LBB2_10-.Ltmp8, $4  }
0x111: {  	v24 =	vor.u32 v33, v29;
	v19 =	vor.u32 v27, v26;
	v27 =	vor.u32 v17, v32;
	[tilespmem:s7+$0x0] =	vst v18;
	s7 =	sadd.s32 s17, s6  }
0x112: {  	s4 =	simm.s32 $0xE;
	v20 =	vor.u32 v21, v20;
	v26 =	vor.u32 v3, v22;
	v18 =	vor.u32 v34, v31;
	[tilespmem:s7+$0xFFFFFFF0] =	vst v28  }
0x113: {  	v25 =	vor.u32 v3, v23;
	v17 =	vor.u32 v3, v24;
	v23 =	vor.u32 v3, v19  }
0x114: {  	s2 =	sadd.s32 $0x10, s2;
	v22 =	vor.u32 v3, v27;
	v19 =	vor.u32 v3, v18;
	v18 =	vor.u32 v3, v20  }
0x115: {  	_ =	sdelay $0x2  }
0x116: {  	s0 =	simm.s32 $0x2;
	s2 =	simm.s32 $0xC;
	v20 =	vmov s4;
	v21 =	vor.u32 s4, v1  }
0x117: {  	v24 =	vld.idx.msk [tilespmem:v26+s18+$0x0], $0xffff;
	s13 =	simm.s32 $0x4;
	s14 =	simm.s32 $0x0;
	v26 =	vmov s0;
	v27 =	vor.u32 s0, v1;
	v28 =	vmov s2  }
0x118: {  	v25 =	vld.idx.msk [tilespmem:v25+s18+$0x0], $0xffff;
	s24 =	simm.s32 $0x6;
	s6 =	simm.s32 $0x8;
	v29 =	vmov s13;
	v30 =	vor.u32 s2, v1;
	v31 =	vmov s14  }
0x119: {  	v23 =	vld.idx.msk [tilespmem:v23+s18+$0x0], $0xffff;
	s8 =	simm.s32 $0xA;
	v33 =	vmov s24;
	v34 =	vmov s6;
	v59 =	vor.u32 s24, v1  }
0x11a: {  	v32 =	vld.idx.msk [tilespmem:v17+s18+$0x0], $0xffff;
	v35 =	vor.u32 s6, v1;
	v60 =	vor.u32 s8, v1;
	v20 =	vshll.u32 v20, $0x3  }
0x11b: {  	v22 =	vld.idx.msk [tilespmem:v22+s18+$0x0], $0xffff;
	v21 =	vand.u32 $0x7F, v21;
	v28 =	vshll.u32 v28, $0x3;
	v30 =	vand.u32 $0x7D, v30  }
0x11c: {  	v18 =	vld.idx.msk [tilespmem:v18+s18+$0x0], $0xffff;
	v58 =	vshll.u32 v34, $0x3;
	v63 =	vand.u32 $0x400, v20;
	v28 =	vand.u32 $0x400, v28;
	[tilespmem:s7+$0xFFFFFF90] =	vst v24  }
0x11d: {  	v19 =	vld.idx.msk [tilespmem:v19+s18+$0x0], $0xffff;
	v21 =	vor.u32 v21, v63;
	v17 =	vor.u32 v30, v28;
	v28 =	vshll.u32 v31, $0x3;
	[tilespmem:s7+$0xFFFFFFA0] =	vst v25  }
0x11e: {  	v30 =	vmov s8;
	v31 =	vor.u32 v4, v17;
	v24 =	vshll.u32 v26, $0x3;
	[tilespmem:s7+$0xFFFFFFB0] =	vst v23  }
0x11f: {  	v26 =	vshll.u32 v29, $0x3;
	v29 =	vshll.u32 v33, $0x3;
	v25 =	vor.u32 s14, v1;
	[tilespmem:s7+$0xFFFFFFC0] =	vst v32  }
0x120: {  	v30 =	vshll.u32 v30, $0x3;
	v23 =	vor.u32 s13, v1;
	v28 =	vand.u32 $0x400, v28;
	[tilespmem:s7+$0xFFFFFFD0] =	vst v22  }
0x121: {  	[tilespmem:s7+$0x0] =	vst v18;
	v18 =	vand.u32 $0x73, v27;
	v27 =	vand.u32 $0x77, v59;
	v24 =	vand.u32 $0x400, v24  }
0x122: {  	[tilespmem:s7+$0xFFFFFFE0] =	vst v19;
	v26 =	vand.u32 $0x400, v26;
	v29 =	vand.u32 $0x400, v29;
	v19 =	vand.u32 $0x71, v25  }
0x123: {  	v25 =	vand.u32 $0x400, v58;
	v61 =	vand.u32 $0x400, v30;
	v23 =	vand.u32 $0x75, v23;
	v62 =	vld.idx.msk [tilespmem:v31+s18+$0x0], $0xffff  }
0x124: {  	v30 =	vand.u32 $0x79, v35;
	v22 =	vor.u32 v19, v28;
	v19 =	vor.u32 v18, v24  }
0x125: {  	v23 =	vor.u32 v23, v26;
	v24 =	vor.u32 v27, v29;
	v18 =	vor.u32 v30, v25  }
0x126: {  	v25 =	vor.u32 v4, v21;
	v30 =	vor.u32 v4, v22;
	v31 =	vand.u32 $0x7B, v60  }
0x127: {  	s0 =	sadd.s32 s17, s26;
	v29 =	vor.u32 v4, v23;
	v20 =	vor.u32 v31, v61;
	v31 =	vor.u32 v4, v19  }
0x128: {  	s2 =	simm.s32 $0x0;
	s6 =	simm.s32 $0x1E;
	s7 =	smov.u32 s26;
	v28 =	vor.u32 v4, v24;
	v27 =	vor.u32 v4, v18;
	v26 =	vor.u32 v4, v20;
	[tilespmem:s0+$0xFFFFFFF0] =	vst v62  }
.LBB2_12:
0x129: {  	s4 =	sadd.s32 $0xFFFFFFF4, s6;
	s8 =	sadd.s32 $0xFFFFFFFE, s6;
	v32 =	vmov s6;
	v33 =	vor.u32 s6, v1;
	s2 =	sadd.s32 $0x8, s2  }
0x12a: {  	s10 =	sadd.s32 $0xFFFFFFF8, s6;
	v34 =	vmov s4;
	v35 =	vor.u32 s4, v1;
	s4 =	sadd.s32 $0xFFFFFFF6, s6;
	v36 =	vmov s8;
	p5 =	slt.u32 s2, $0x78  }
0x12b: {  	s11 =	sadd.s32 $0xFFFFFFF2, s6;
	s12 =	sadd.s32 $0xFFFFFFFA, s6;
	s13 =	sadd.s32 $0xFFFFFFFC, s6;
	v38 =	vor.u32 s8, v1;
	v37 =	vmov s4;
	v36 =	vshll.u32 v36, $0x3;
	v30 =	vld.idx.msk [tilespmem:v30+s18+$0x0], $0xffff  }
0x12c: {  	v39 =	vmov s11;
	v38 =	vand.u32 $0x7D, v38;
	v36 =	vand.u32 $0x400, v36;
	v31 =	vld.idx.msk [tilespmem:v31+s18+$0x0], $0xffff  }
0x12d: {  	v40 =	vmov s10;
	v41 =	vmov s12;
	v36 =	vor.u32 v38, v36;
	v29 =	vld.idx.msk [tilespmem:v29+s18+$0x0], $0xffff  }
0x12e: {  	v38 =	vshll.u32 v39, $0x3;
	v39 =	vmov s13;
	v36 =	vor.u32 v4, v36;
	v28 =	vld.idx.msk [tilespmem:v28+s18+$0x0], $0xffff  }
0x12f: {  	v34 =	vshll.u32 v34, $0x3;
	v40 =	vshll.u32 v40, $0x3;
	v37 =	vshll.u32 v37, $0x3;
	v27 =	vld.idx.msk [tilespmem:v27+s18+$0x0], $0xffff  }
0x130: {  	v42 =	vor.u32 s11, v1;
	v41 =	vshll.u32 v41, $0x3;
	v39 =	vshll.u32 v39, $0x3;
	v26 =	vld.idx.msk [tilespmem:v26+s18+$0x0], $0xffff  }
0x131: {  	v44 =	vor.u32 s10, v1;
	v45 =	vor.u32 s12, v1;
	v43 =	vor.u32 s4, v1;
	v25 =	vld.idx.msk [tilespmem:v25+s18+$0x0], $0xffff  }
0x132: {  	v46 =	vor.u32 s13, v1;
	v32 =	vshll.u32 v32, $0x3;
	v38 =	vand.u32 $0x400, v38;
	[tilespmem:s0+$0xFFFFFF90] =	vst v30  }
0x133: {  	v30 =	vand.u32 $0x400, v34;
	v34 =	vand.u32 $0x400, v37;
	v37 =	vand.u32 $0x400, v40;
	v36 =	vld.idx.msk [tilespmem:v36+s18+$0x0], $0xffff;
	[tilespmem:s0+$0xFFFFFFA0] =	vst v31  }
0x134: {  	v39 =	vand.u32 $0x400, v39;
	v40 =	vand.u32 $0x400, v41;
	v31 =	vand.u32 $0x71, v42;
	[tilespmem:s0+$0xFFFFFFB0] =	vst v29  }
0x135: {  	v41 =	vand.u32 $0x77, v44;
	v29 =	vand.u32 $0x73, v35;
	v35 =	vand.u32 $0x75, v43;
	[tilespmem:s0+$0xFFFFFFC0] =	vst v28  }
0x136: {  	v32 =	vand.u32 $0x400, v32;
	v42 =	vand.u32 $0x7B, v46;
	v28 =	vand.u32 $0x79, v45;
	[tilespmem:s0+$0xFFFFFFD0] =	vst v27  }
.Ltmp9:
0x137: {  	s7 =	sadd.s32 $0x400, s7;
	v29 =	vor.u32 v29, v30;
	v27 =	vor.u32 v31, v38;
	v31 =	vand.u32 $0x7F, v33;
	[tilespmem:s0+$0xFFFFFFE0] =	vst v26;
	(pc) =	sbr.rel @p5 .LBB2_12-.Ltmp9, $4  }
0x138: {  	v33 =	vor.u32 v41, v37;
	v26 =	vor.u32 v35, v34;
	v34 =	vor.u32 v28, v40;
	[tilespmem:s0+$0x0] =	vst v25;
	s0 =	sadd.s32 s17, s7  }
0x139: {  	v30 =	vor.u32 v4, v27;
	v32 =	vor.u32 v31, v32;
	v25 =	vor.u32 v42, v39;
	[tilespmem:s0+$0xFFFFFFF0] =	vst v36  }
0x13a: {  	v31 =	vor.u32 v4, v29;
	v28 =	vor.u32 v4, v33;
	v29 =	vor.u32 v4, v26  }
0x13b: {  	s6 =	sadd.s32 $0x10, s6;
	v27 =	vor.u32 v4, v34;
	v26 =	vor.u32 v4, v25;
	v25 =	vor.u32 v4, v32  }
0x13c: {  	_ =	sdelay $0x3  }
0x13d: {  	v30 =	vld.idx.msk [tilespmem:v30+s18+$0x0], $0xffff  }
0x13e: {  	v31 =	vld.idx.msk [tilespmem:v31+s18+$0x0], $0xffff  }
0x13f: {  	v29 =	vld.idx.msk [tilespmem:v29+s18+$0x0], $0xffff  }
0x140: {  	v28 =	vld.idx.msk [tilespmem:v28+s18+$0x0], $0xffff  }
0x141: {  	v27 =	vld.idx.msk [tilespmem:v27+s18+$0x0], $0xffff  }
0x142: {  	v26 =	vld.idx.msk [tilespmem:v26+s18+$0x0], $0xffff;
	[tilespmem:s0+$0xFFFFFF90] =	vst v30  }
0x143: {  	v25 =	vld.idx.msk [tilespmem:v25+s18+$0x0], $0xffff;
	[tilespmem:s0+$0xFFFFFFA0] =	vst v31  }
0x144: {  	v17 =	vor.u32 v5, v17;
	[tilespmem:s0+$0xFFFFFFB0] =	vst v29  }
0x145: {  	[tilespmem:s0+$0xFFFFFFC0] =	vst v28  }
0x146: {  	[tilespmem:s0+$0xFFFFFFD0] =	vst v27  }
0x147: {  	[tilespmem:s0+$0xFFFFFFE0] =	vst v26  }
0x148: {  	[tilespmem:s0+$0x0] =	vst v25  }
0x149: {  	v27 =	vld.idx.msk [tilespmem:v17+s18+$0x0], $0xffff;
	_ =	sdelay $0x2  }
0x14a: {  	v26 =	vor.u32 v5, v22  }
0x14b: {  	s7 =	sadd.s32 s17, s28;
	v23 =	vor.u32 v5, v23;
	v25 =	vor.u32 v5, v19;
	v22 =	vor.u32 v5, v18  }
0x14c: {  	s2 =	simm.s32 $0x1E;
	s6 =	smov.u32 s28;
	s0 =	simm.s32 $0x0;
	v19 =	vor.u32 v5, v20;
	v18 =	vor.u32 v5, v21;
	v17 =	vor.u32 v5, v24;
	[tilespmem:s7+$0xFFFFFFF0] =	vst v27  }
.LBB2_14:
0x14d: {  	s4 =	sadd.s32 $0xFFFFFFF4, s2;
	s8 =	sadd.s32 $0xFFFFFFFE, s2;
	v20 =	vmov s2;
	v21 =	vor.u32 s2, v1;
	s0 =	sadd.s32 $0x8, s0  }
0x14e: {  	s10 =	sadd.s32 $0xFFFFFFF8, s2;
	v24 =	vmov s4;
	v27 =	vor.u32 s4, v1;
	s4 =	sadd.s32 $0xFFFFFFF6, s2;
	v28 =	vmov s8;
	p5 =	slt.u32 s0, $0x78  }
0x14f: {  	s11 =	sadd.s32 $0xFFFFFFF2, s2;
	s12 =	sadd.s32 $0xFFFFFFFA, s2;
	s13 =	sadd.s32 $0xFFFFFFFC, s2;
	v30 =	vor.u32 s8, v1;
	v29 =	vmov s4;
	v28 =	vshll.u32 v28, $0x3;
	v26 =	vld.idx.msk [tilespmem:v26+s18+$0x0], $0xffff  }
0x150: {  	v31 =	vmov s11;
	v30 =	vand.u32 $0x7D, v30;
	v28 =	vand.u32 $0x400, v28;
	v25 =	vld.idx.msk [tilespmem:v25+s18+$0x0], $0xffff  }
0x151: {  	v32 =	vmov s10;
	v33 =	vmov s12;
	v28 =	vor.u32 v30, v28;
	v23 =	vld.idx.msk [tilespmem:v23+s18+$0x0], $0xffff  }
0x152: {  	v30 =	vshll.u32 v31, $0x3;
	v31 =	vmov s13;
	v28 =	vor.u32 v5, v28;
	v17 =	vld.idx.msk [tilespmem:v17+s18+$0x0], $0xffff  }
0x153: {  	v24 =	vshll.u32 v24, $0x3;
	v32 =	vshll.u32 v32, $0x3;
	v29 =	vshll.u32 v29, $0x3;
	v22 =	vld.idx.msk [tilespmem:v22+s18+$0x0], $0xffff  }
0x154: {  	v34 =	vor.u32 s11, v1;
	v33 =	vshll.u32 v33, $0x3;
	v31 =	vshll.u32 v31, $0x3;
	v19 =	vld.idx.msk [tilespmem:v19+s18+$0x0], $0xffff  }
0x155: {  	v36 =	vor.u32 s10, v1;
	v37 =	vor.u32 s12, v1;
	v35 =	vor.u32 s4, v1;
	v18 =	vld.idx.msk [tilespmem:v18+s18+$0x0], $0xffff  }
0x156: {  	v38 =	vor.u32 s13, v1;
	v20 =	vshll.u32 v20, $0x3;
	v30 =	vand.u32 $0x400, v30;
	[tilespmem:s7+$0xFFFFFF90] =	vst v26  }
0x157: {  	v24 =	vand.u32 $0x400, v24;
	v26 =	vand.u32 $0x400, v29;
	v29 =	vand.u32 $0x400, v32;
	v28 =	vld.idx.msk [tilespmem:v28+s18+$0x0], $0xffff;
	[tilespmem:s7+$0xFFFFFFA0] =	vst v25  }
0x158: {  	v31 =	vand.u32 $0x400, v31;
	v32 =	vand.u32 $0x400, v33;
	v25 =	vand.u32 $0x71, v34;
	[tilespmem:s7+$0xFFFFFFB0] =	vst v23  }
0x159: {  	v33 =	vand.u32 $0x77, v36;
	v23 =	vand.u32 $0x73, v27;
	v27 =	vand.u32 $0x75, v35;
	[tilespmem:s7+$0xFFFFFFC0] =	vst v17  }
0x15a: {  	v20 =	vand.u32 $0x400, v20;
	v34 =	vand.u32 $0x7B, v38;
	v17 =	vand.u32 $0x79, v37;
	[tilespmem:s7+$0xFFFFFFD0] =	vst v22  }
.Ltmp10:
0x15b: {  	s6 =	sadd.s32 $0x400, s6;
	v21 =	vand.u32 $0x7F, v21;
	v23 =	vor.u32 v23, v24;
	v22 =	vor.u32 v25, v30;
	[tilespmem:s7+$0xFFFFFFE0] =	vst v19;
	(pc) =	sbr.rel @p5 .LBB2_14-.Ltmp10, $4  }
0x15c: {  	v24 =	vor.u32 v33, v29;
	v19 =	vor.u32 v27, v26;
	v27 =	vor.u32 v17, v32;
	[tilespmem:s7+$0x0] =	vst v18;
	s7 =	sadd.s32 s17, s6  }
0x15d: {  	s4 =	simm.s32 $0xE;
	v20 =	vor.u32 v21, v20;
	v26 =	vor.u32 v5, v22;
	v18 =	vor.u32 v34, v31;
	[tilespmem:s7+$0xFFFFFFF0] =	vst v28  }
0x15e: {  	v25 =	vor.u32 v5, v23;
	v17 =	vor.u32 v5, v24;
	v23 =	vor.u32 v5, v19  }
0x15f: {  	s2 =	sadd.s32 $0x10, s2;
	v22 =	vor.u32 v5, v27;
	v19 =	vor.u32 v5, v18;
	v18 =	vor.u32 v5, v20  }
0x160: {  	_ =	sdelay $0x2  }
0x161: {  	s0 =	simm.s32 $0x2;
	s2 =	simm.s32 $0xC;
	v20 =	vmov s4;
	v21 =	vor.u32 s4, v1  }
0x162: {  	v24 =	vld.idx.msk [tilespmem:v26+s18+$0x0], $0xffff;
	s13 =	simm.s32 $0x4;
	s14 =	simm.s32 $0x0;
	v26 =	vmov s0;
	v27 =	vor.u32 s0, v1;
	v28 =	vmov s2  }
0x163: {  	v25 =	vld.idx.msk [tilespmem:v25+s18+$0x0], $0xffff;
	s24 =	simm.s32 $0x6;
	s6 =	simm.s32 $0x8;
	v29 =	vmov s13;
	v30 =	vor.u32 s2, v1;
	v31 =	vmov s14  }
0x164: {  	v23 =	vld.idx.msk [tilespmem:v23+s18+$0x0], $0xffff;
	s8 =	simm.s32 $0xA;
	v33 =	vmov s24;
	v34 =	vmov s6;
	v59 =	vor.u32 s24, v1  }
0x165: {  	v32 =	vld.idx.msk [tilespmem:v17+s18+$0x0], $0xffff;
	v35 =	vor.u32 s6, v1;
	v60 =	vor.u32 s8, v1;
	v20 =	vshll.u32 v20, $0x3  }
0x166: {  	v22 =	vld.idx.msk [tilespmem:v22+s18+$0x0], $0xffff;
	v21 =	vand.u32 $0x7F, v21;
	v28 =	vshll.u32 v28, $0x3;
	v30 =	vand.u32 $0x7D, v30  }
0x167: {  	v18 =	vld.idx.msk [tilespmem:v18+s18+$0x0], $0xffff;
	v58 =	vshll.u32 v34, $0x3;
	v63 =	vand.u32 $0x400, v20;
	v28 =	vand.u32 $0x400, v28;
	[tilespmem:s7+$0xFFFFFF90] =	vst v24  }
0x168: {  	v19 =	vld.idx.msk [tilespmem:v19+s18+$0x0], $0xffff;
	v21 =	vor.u32 v21, v63;
	v17 =	vor.u32 v30, v28;
	v28 =	vshll.u32 v31, $0x3;
	[tilespmem:s7+$0xFFFFFFA0] =	vst v25  }
0x169: {  	v30 =	vmov s8;
	v31 =	vor.u32 v6, v17;
	v24 =	vshll.u32 v26, $0x3;
	[tilespmem:s7+$0xFFFFFFB0] =	vst v23  }
0x16a: {  	v26 =	vshll.u32 v29, $0x3;
	v29 =	vshll.u32 v33, $0x3;
	v25 =	vor.u32 s14, v1;
	[tilespmem:s7+$0xFFFFFFC0] =	vst v32  }
0x16b: {  	v30 =	vshll.u32 v30, $0x3;
	v23 =	vor.u32 s13, v1;
	v28 =	vand.u32 $0x400, v28;
	[tilespmem:s7+$0xFFFFFFD0] =	vst v22  }
0x16c: {  	[tilespmem:s7+$0x0] =	vst v18;
	v18 =	vand.u32 $0x73, v27;
	v27 =	vand.u32 $0x77, v59;
	v24 =	vand.u32 $0x400, v24  }
0x16d: {  	[tilespmem:s7+$0xFFFFFFE0] =	vst v19;
	v26 =	vand.u32 $0x400, v26;
	v29 =	vand.u32 $0x400, v29;
	v19 =	vand.u32 $0x71, v25  }
0x16e: {  	v25 =	vand.u32 $0x400, v58;
	v61 =	vand.u32 $0x400, v30;
	v23 =	vand.u32 $0x75, v23;
	v62 =	vld.idx.msk [tilespmem:v31+s18+$0x0], $0xffff  }
0x16f: {  	v30 =	vand.u32 $0x79, v35;
	v22 =	vor.u32 v19, v28;
	v19 =	vor.u32 v18, v24  }
0x170: {  	v23 =	vor.u32 v23, v26;
	v24 =	vor.u32 v27, v29;
	v18 =	vor.u32 v30, v25  }
0x171: {  	v25 =	vor.u32 v6, v21;
	v30 =	vor.u32 v6, v22;
	v31 =	vand.u32 $0x7B, v60  }
0x172: {  	s0 =	sadd.s32 s17, s30;
	v29 =	vor.u32 v6, v23;
	v20 =	vor.u32 v31, v61;
	v31 =	vor.u32 v6, v19  }
0x173: {  	s2 =	simm.s32 $0x0;
	s6 =	simm.s32 $0x1E;
	s7 =	smov.u32 s30;
	v28 =	vor.u32 v6, v24;
	v27 =	vor.u32 v6, v18;
	v26 =	vor.u32 v6, v20;
	[tilespmem:s0+$0xFFFFFFF0] =	vst v62  }
.LBB2_16:
0x174: {  	s4 =	sadd.s32 $0xFFFFFFF4, s6;
	s8 =	sadd.s32 $0xFFFFFFFE, s6;
	v32 =	vmov s6;
	v33 =	vor.u32 s6, v1;
	s2 =	sadd.s32 $0x8, s2  }
0x175: {  	s10 =	sadd.s32 $0xFFFFFFF8, s6;
	v34 =	vmov s4;
	v35 =	vor.u32 s4, v1;
	s4 =	sadd.s32 $0xFFFFFFF6, s6;
	v36 =	vmov s8;
	p5 =	slt.u32 s2, $0x78  }
0x176: {  	s11 =	sadd.s32 $0xFFFFFFF2, s6;
	s12 =	sadd.s32 $0xFFFFFFFA, s6;
	s13 =	sadd.s32 $0xFFFFFFFC, s6;
	v38 =	vor.u32 s8, v1;
	v37 =	vmov s4;
	v36 =	vshll.u32 v36, $0x3;
	v30 =	vld.idx.msk [tilespmem:v30+s18+$0x0], $0xffff  }
0x177: {  	v39 =	vmov s11;
	v38 =	vand.u32 $0x7D, v38;
	v36 =	vand.u32 $0x400, v36;
	v31 =	vld.idx.msk [tilespmem:v31+s18+$0x0], $0xffff  }
0x178: {  	v40 =	vmov s10;
	v41 =	vmov s12;
	v36 =	vor.u32 v38, v36;
	v29 =	vld.idx.msk [tilespmem:v29+s18+$0x0], $0xffff  }
0x179: {  	v38 =	vshll.u32 v39, $0x3;
	v39 =	vmov s13;
	v36 =	vor.u32 v6, v36;
	v28 =	vld.idx.msk [tilespmem:v28+s18+$0x0], $0xffff  }
0x17a: {  	v34 =	vshll.u32 v34, $0x3;
	v40 =	vshll.u32 v40, $0x3;
	v37 =	vshll.u32 v37, $0x3;
	v27 =	vld.idx.msk [tilespmem:v27+s18+$0x0], $0xffff  }
0x17b: {  	v42 =	vor.u32 s11, v1;
	v41 =	vshll.u32 v41, $0x3;
	v39 =	vshll.u32 v39, $0x3;
	v26 =	vld.idx.msk [tilespmem:v26+s18+$0x0], $0xffff  }
0x17c: {  	v44 =	vor.u32 s10, v1;
	v45 =	vor.u32 s12, v1;
	v43 =	vor.u32 s4, v1;
	v25 =	vld.idx.msk [tilespmem:v25+s18+$0x0], $0xffff  }
0x17d: {  	v46 =	vor.u32 s13, v1;
	v32 =	vshll.u32 v32, $0x3;
	v38 =	vand.u32 $0x400, v38;
	[tilespmem:s0+$0xFFFFFF90] =	vst v30  }
0x17e: {  	v30 =	vand.u32 $0x400, v34;
	v34 =	vand.u32 $0x400, v37;
	v37 =	vand.u32 $0x400, v40;
	v36 =	vld.idx.msk [tilespmem:v36+s18+$0x0], $0xffff;
	[tilespmem:s0+$0xFFFFFFA0] =	vst v31  }
0x17f: {  	v39 =	vand.u32 $0x400, v39;
	v40 =	vand.u32 $0x400, v41;
	v31 =	vand.u32 $0x71, v42;
	[tilespmem:s0+$0xFFFFFFB0] =	vst v29  }
0x180: {  	v41 =	vand.u32 $0x77, v44;
	v29 =	vand.u32 $0x73, v35;
	v35 =	vand.u32 $0x75, v43;
	[tilespmem:s0+$0xFFFFFFC0] =	vst v28  }
0x181: {  	v32 =	vand.u32 $0x400, v32;
	v42 =	vand.u32 $0x7B, v46;
	v28 =	vand.u32 $0x79, v45;
	[tilespmem:s0+$0xFFFFFFD0] =	vst v27  }
.Ltmp11:
0x182: {  	s7 =	sadd.s32 $0x400, s7;
	v29 =	vor.u32 v29, v30;
	v27 =	vor.u32 v31, v38;
	v31 =	vand.u32 $0x7F, v33;
	[tilespmem:s0+$0xFFFFFFE0] =	vst v26;
	(pc) =	sbr.rel @p5 .LBB2_16-.Ltmp11, $4  }
0x183: {  	v33 =	vor.u32 v41, v37;
	v26 =	vor.u32 v35, v34;
	v34 =	vor.u32 v28, v40;
	[tilespmem:s0+$0x0] =	vst v25;
	s0 =	sadd.s32 s17, s7  }
0x184: {  	v30 =	vor.u32 v6, v27;
	v32 =	vor.u32 v31, v32;
	v25 =	vor.u32 v42, v39;
	[tilespmem:s0+$0xFFFFFFF0] =	vst v36  }
0x185: {  	v31 =	vor.u32 v6, v29;
	v28 =	vor.u32 v6, v33;
	v29 =	vor.u32 v6, v26  }
0x186: {  	s6 =	sadd.s32 $0x10, s6;
	v27 =	vor.u32 v6, v34;
	v26 =	vor.u32 v6, v25;
	v25 =	vor.u32 v6, v32  }
0x187: {  	_ =	sdelay $0x3  }
0x188: {  	v30 =	vld.idx.msk [tilespmem:v30+s18+$0x0], $0xffff  }
0x189: {  	v31 =	vld.idx.msk [tilespmem:v31+s18+$0x0], $0xffff  }
0x18a: {  	v29 =	vld.idx.msk [tilespmem:v29+s18+$0x0], $0xffff  }
0x18b: {  	v28 =	vld.idx.msk [tilespmem:v28+s18+$0x0], $0xffff  }
0x18c: {  	v27 =	vld.idx.msk [tilespmem:v27+s18+$0x0], $0xffff  }
0x18d: {  	v26 =	vld.idx.msk [tilespmem:v26+s18+$0x0], $0xffff;
	[tilespmem:s0+$0xFFFFFF90] =	vst v30  }
0x18e: {  	v25 =	vld.idx.msk [tilespmem:v25+s18+$0x0], $0xffff;
	[tilespmem:s0+$0xFFFFFFA0] =	vst v31  }
0x18f: {  	v17 =	vor.u32 v7, v17;
	[tilespmem:s0+$0xFFFFFFB0] =	vst v29  }
0x190: {  	[tilespmem:s0+$0xFFFFFFC0] =	vst v28  }
0x191: {  	[tilespmem:s0+$0xFFFFFFD0] =	vst v27  }
0x192: {  	[tilespmem:s0+$0xFFFFFFE0] =	vst v26  }
0x193: {  	[tilespmem:s0+$0x0] =	vst v25  }
0x194: {  	v17 =	vld.idx.msk [tilespmem:v17+s18+$0x0], $0xffff;
	_ =	sdelay $0x2  }
0x195: {  	v26 =	vor.u32 v7, v22  }
0x196: {  	s7 =	sadd.s32 s17, s31;
	v23 =	vor.u32 v7, v23;
	v25 =	vor.u32 v7, v19;
	v22 =	vor.u32 v7, v24  }
0x197: {  	s2 =	simm.s32 $0x1E;
	s6 =	smov.u32 s31;
	s0 =	simm.s32 $0x0;
	v19 =	vor.u32 v7, v18;
	v18 =	vor.u32 v7, v20;
	[tilespmem:s7+$0xFFFFFFF0] =	vst v17;
	v17 =	vor.u32 v7, v21  }
.LBB2_18:
0x198: {  	s4 =	sadd.s32 $0xFFFFFFF4, s2;
	s8 =	sadd.s32 $0xFFFFFFFE, s2;
	v20 =	vmov s2;
	v21 =	vor.u32 s2, v1;
	s0 =	sadd.s32 $0x8, s0  }
0x199: {  	s10 =	sadd.s32 $0xFFFFFFF8, s2;
	v24 =	vmov s4;
	v27 =	vor.u32 s4, v1;
	s4 =	sadd.s32 $0xFFFFFFF6, s2;
	v28 =	vmov s8;
	p5 =	slt.u32 s0, $0x78  }
0x19a: {  	s11 =	sadd.s32 $0xFFFFFFF2, s2;
	s12 =	sadd.s32 $0xFFFFFFFA, s2;
	s13 =	sadd.s32 $0xFFFFFFFC, s2;
	v30 =	vor.u32 s8, v1;
	v29 =	vmov s4;
	v28 =	vshll.u32 v28, $0x3;
	v26 =	vld.idx.msk [tilespmem:v26+s18+$0x0], $0xffff  }
0x19b: {  	v31 =	vmov s11;
	v30 =	vand.u32 $0x7D, v30;
	v28 =	vand.u32 $0x400, v28;
	v25 =	vld.idx.msk [tilespmem:v25+s18+$0x0], $0xffff  }
0x19c: {  	v32 =	vmov s10;
	v33 =	vmov s12;
	v28 =	vor.u32 v30, v28;
	v23 =	vld.idx.msk [tilespmem:v23+s18+$0x0], $0xffff  }
0x19d: {  	v30 =	vshll.u32 v31, $0x3;
	v31 =	vmov s13;
	v28 =	vor.u32 v7, v28;
	v22 =	vld.idx.msk [tilespmem:v22+s18+$0x0], $0xffff  }
0x19e: {  	v24 =	vshll.u32 v24, $0x3;
	v32 =	vshll.u32 v32, $0x3;
	v29 =	vshll.u32 v29, $0x3;
	v19 =	vld.idx.msk [tilespmem:v19+s18+$0x0], $0xffff  }
0x19f: {  	v34 =	vor.u32 s11, v1;
	v33 =	vshll.u32 v33, $0x3;
	v31 =	vshll.u32 v31, $0x3;
	v18 =	vld.idx.msk [tilespmem:v18+s18+$0x0], $0xffff  }
0x1a0: {  	v36 =	vor.u32 s10, v1;
	v37 =	vor.u32 s12, v1;
	v35 =	vor.u32 s4, v1;
	v17 =	vld.idx.msk [tilespmem:v17+s18+$0x0], $0xffff  }
0x1a1: {  	v38 =	vor.u32 s13, v1;
	v20 =	vshll.u32 v20, $0x3;
	v30 =	vand.u32 $0x400, v30;
	[tilespmem:s7+$0xFFFFFF90] =	vst v26  }
0x1a2: {  	v24 =	vand.u32 $0x400, v24;
	v26 =	vand.u32 $0x400, v29;
	v29 =	vand.u32 $0x400, v32;
	v28 =	vld.idx.msk [tilespmem:v28+s18+$0x0], $0xffff;
	[tilespmem:s7+$0xFFFFFFA0] =	vst v25  }
0x1a3: {  	v31 =	vand.u32 $0x400, v31;
	v32 =	vand.u32 $0x400, v33;
	v25 =	vand.u32 $0x71, v34;
	[tilespmem:s7+$0xFFFFFFB0] =	vst v23  }
0x1a4: {  	v33 =	vand.u32 $0x77, v36;
	v23 =	vand.u32 $0x73, v27;
	v27 =	vand.u32 $0x75, v35;
	[tilespmem:s7+$0xFFFFFFC0] =	vst v22  }
0x1a5: {  	v20 =	vand.u32 $0x400, v20;
	v34 =	vand.u32 $0x7B, v38;
	v22 =	vand.u32 $0x79, v37;
	[tilespmem:s7+$0xFFFFFFD0] =	vst v19  }
.Ltmp12:
0x1a6: {  	s6 =	sadd.s32 $0x400, s6;
	v21 =	vand.u32 $0x7F, v21;
	v23 =	vor.u32 v23, v24;
	v19 =	vor.u32 v25, v30;
	[tilespmem:s7+$0xFFFFFFE0] =	vst v18;
	(pc) =	sbr.rel @p5 .LBB2_18-.Ltmp12, $4  }
0x1a7: {  	v24 =	vor.u32 v33, v29;
	v18 =	vor.u32 v27, v26;
	v27 =	vor.u32 v22, v32;
	[tilespmem:s7+$0x0] =	vst v17;
	s7 =	sadd.s32 s17, s6  }
0x1a8: {  	s4 =	simm.s32 $0xE;
	v20 =	vor.u32 v21, v20;
	v26 =	vor.u32 v7, v19;
	v17 =	vor.u32 v34, v31;
	[tilespmem:s7+$0xFFFFFFF0] =	vst v28  }
0x1a9: {  	v25 =	vor.u32 v7, v23;
	v22 =	vor.u32 v7, v24;
	v23 =	vor.u32 v7, v18  }
0x1aa: {  	s2 =	sadd.s32 $0x10, s2;
	v19 =	vor.u32 v7, v27;
	v18 =	vor.u32 v7, v17;
	v17 =	vor.u32 v7, v20  }
0x1ab: {  	_ =	sdelay $0x2  }
0x1ac: {  	s0 =	simm.s32 $0x2;
	v20 =	vmov s4  }
0x1ad: {  	v21 =	vld.idx.msk [tilespmem:v26+s18+$0x0], $0xffff;
	s2 =	simm.s32 $0xC;
	v24 =	vor.u32 s4, v1;
	s13 =	simm.s32 $0x4;
	v50 =	vmov s0;
	v27 =	vor.u32 s0, v1  }
0x1ae: {  	v25 =	vld.idx.msk [tilespmem:v25+s18+$0x0], $0xffff;
	s14 =	simm.s32 $0x6;
	s24 =	simm.s32 $0x8;
	s6 =	simm.s32 $0xA;
	v28 =	vmov s2;
	v29 =	vmov s13;
	v30 =	vor.u32 s2, v1  }
0x1af: {  	v23 =	vld.idx.msk [tilespmem:v23+s18+$0x0], $0xffff;
	s8 =	simm.s32 $0x0;
	v31 =	vmov s14;
	v32 =	vmov s24;
	v33 =	vmov s6  }
0x1b0: {  	v22 =	vld.idx.msk [tilespmem:v22+s18+$0x0], $0xffff;
	v54 =	vmov s8;
	v55 =	vor.u32 s8, v1;
	v56 =	vor.u32 s14, v1  }
0x1b1: {  	v19 =	vld.idx.msk [tilespmem:v19+s18+$0x0], $0xffff;
	v34 =	vor.u32 s24, v1;
	v24 =	vand.u32 $0x7F, v24;
	v28 =	vshll.u32 v28, $0x3  }
0x1b2: {  	v18 =	vld.idx.msk [tilespmem:v18+s18+$0x0], $0xffff;
	v30 =	vand.u32 $0x7D, v30;
	v26 =	vshll.u32 v50, $0x3;
	v28 =	vand.u32 $0x400, v28;
	[tilespmem:s7+$0xFFFFFF90] =	vst v21  }
0x1b3: {  	v17 =	vld.idx.msk [tilespmem:v17+s18+$0x0], $0xffff;
	v29 =	vshll.u32 v29, $0x3;
	v51 =	vshll.u32 v31, $0x3;
	v28 =	vor.u32 v30, v28;
	[tilespmem:s7+$0xFFFFFFA0] =	vst v25  }
0x1b4: {  	v52 =	vshll.u32 v32, $0x3;
	v53 =	vshll.u32 v33, $0x3;
	v21 =	vor.u32 v8, v28;
	[tilespmem:s7+$0xFFFFFFB0] =	vst v23  }
0x1b5: {  	v58 =	vand.u32 $0x71, v55;
	v59 =	vshll.u32 v54, $0x3;
	v60 =	vand.u32 $0x77, v56;
	[tilespmem:s7+$0xFFFFFFC0] =	vst v22  }
0x1b6: {  	v26 =	vand.u32 $0x400, v26;
	v29 =	vand.u32 $0x400, v29;
	v57 =	vand.u32 $0x400, v52;
	[tilespmem:s7+$0xFFFFFFD0] =	vst v19  }
0x1b7: {  	v23 =	vor.u32 s13, v1;
	v22 =	vor.u32 s6, v1;
	v19 =	vshll.u32 v20, $0x3;
	[tilespmem:s7+$0xFFFFFFE0] =	vst v18  }
0x1b8: {  	v20 =	vand.u32 $0x400, v51;
	v18 =	vand.u32 $0x400, v53;
	[tilespmem:s7+$0x0] =	vst v17;
	v17 =	vand.u32 $0x73, v27  }
0x1b9: {  	v25 =	vor.u32 v58, v59;
	v23 =	vand.u32 $0x75, v23;
	v22 =	vand.u32 $0x7B, v22;
	v61 =	vld.idx.msk [tilespmem:v21+s18+$0x0], $0xffff  }
0x1ba: {  	v19 =	vand.u32 $0x400, v19;
	v17 =	vor.u32 v17, v26;
	v20 =	vor.u32 v60, v20  }
0x1bb: {  	v62 =	vor.u32 v23, v29;
	v18 =	vor.u32 v22, v18;
	v23 =	vor.u32 v8, v17  }
0x1bc: {  	v17 =	vor.u32 v24, v19;
	v22 =	vor.u32 v8, v20;
	v21 =	vand.u32 $0x79, v34  }
0x1bd: {  	s0 =	sadd.s32 s17, s1;
	v19 =	vor.u32 v8, v18;
	v63 =	vor.u32 v21, v57;
	v21 =	vor.u32 v8, v62  }
0x1be: {  	s2 =	simm.s32 $0x0;
	s6 =	simm.s32 $0x1E;
	s7 =	smov.u32 s1;
	v18 =	vor.u32 v8, v25;
	v17 =	vor.u32 v8, v17;
	v20 =	vor.u32 v8, v63;
	[tilespmem:s0+$0xFFFFFFF0] =	vst v61  }
.LBB2_20:
0x1bf: {  	s4 =	sadd.s32 $0xFFFFFFF4, s6;
	s8 =	sadd.s32 $0xFFFFFFFE, s6;
	v24 =	vmov s6;
	v25 =	vor.u32 s6, v1;
	s2 =	sadd.s32 $0x8, s2  }
0x1c0: {  	s10 =	sadd.s32 $0xFFFFFFF8, s6;
	v26 =	vmov s4;
	v27 =	vor.u32 s4, v1;
	s4 =	sadd.s32 $0xFFFFFFF6, s6;
	v28 =	vmov s8;
	p5 =	slt.u32 s2, $0x78  }
0x1c1: {  	s11 =	sadd.s32 $0xFFFFFFF2, s6;
	s12 =	sadd.s32 $0xFFFFFFFA, s6;
	s13 =	sadd.s32 $0xFFFFFFFC, s6;
	v30 =	vor.u32 s8, v1;
	v29 =	vmov s4;
	v28 =	vshll.u32 v28, $0x3;
	v23 =	vld.idx.msk [tilespmem:v23+s18+$0x0], $0xffff  }
0x1c2: {  	v31 =	vmov s10;
	v30 =	vand.u32 $0x7D, v30;
	v28 =	vand.u32 $0x400, v28;
	v21 =	vld.idx.msk [tilespmem:v21+s18+$0x0], $0xffff  }
0x1c3: {  	v32 =	vmov s12;
	v33 =	vmov s13;
	v28 =	vor.u32 v30, v28;
	v22 =	vld.idx.msk [tilespmem:v22+s18+$0x0], $0xffff  }
0x1c4: {  	v26 =	vshll.u32 v26, $0x3;
	v29 =	vshll.u32 v29, $0x3;
	v28 =	vor.u32 v8, v28;
	v20 =	vld.idx.msk [tilespmem:v20+s18+$0x0], $0xffff  }
0x1c5: {  	v30 =	vshll.u32 v31, $0x3;
	v31 =	vshll.u32 v32, $0x3;
	v32 =	vshll.u32 v33, $0x3;
	v19 =	vld.idx.msk [tilespmem:v19+s18+$0x0], $0xffff  }
0x1c6: {  	v34 =	vor.u32 s11, v1;
	v35 =	vor.u32 s4, v1;
	v33 =	vmov s11;
	v18 =	vld.idx.msk [tilespmem:v18+s18+$0x0], $0xffff  }
0x1c7: {  	v36 =	vor.u32 s10, v1;
	v37 =	vor.u32 s12, v1;
	v38 =	vor.u32 s13, v1;
	v17 =	vld.idx.msk [tilespmem:v17+s18+$0x0], $0xffff  }
0x1c8: {  	v24 =	vshll.u32 v24, $0x3;
	v26 =	vand.u32 $0x400, v26;
	v29 =	vand.u32 $0x400, v29;
	[tilespmem:s0+$0xFFFFFFA0] =	vst v23  }
0x1c9: {  	v23 =	vand.u32 $0x400, v30;
	v30 =	vand.u32 $0x400, v31;
	v31 =	vand.u32 $0x400, v32;
	v28 =	vld.idx.msk [tilespmem:v28+s18+$0x0], $0xffff;
	[tilespmem:s0+$0xFFFFFFB0] =	vst v21  }
0x1ca: {  	v27 =	vand.u32 $0x73, v27;
	v32 =	vshll.u32 v33, $0x3;
	v21 =	vand.u32 $0x71, v34;
	[tilespmem:s0+$0xFFFFFFC0] =	vst v22  }
0x1cb: {  	v33 =	vand.u32 $0x77, v36;
	v34 =	vand.u32 $0x79, v37;
	v22 =	vand.u32 $0x75, v35;
	[tilespmem:s0+$0xFFFFFFD0] =	vst v20  }
0x1cc: {  	v25 =	vand.u32 $0x7F, v25;
	v24 =	vand.u32 $0x400, v24;
	v20 =	vand.u32 $0x7B, v38;
	[tilespmem:s0+$0xFFFFFFE0] =	vst v19  }
.Ltmp13:
0x1cd: {  	s7 =	sadd.s32 $0x400, s7;
	v22 =	vor.u32 v22, v29;
	v19 =	vor.u32 v27, v26;
	v26 =	vor.u32 v33, v23;
	[tilespmem:s0+$0xFFFFFF90] =	vst v18;
	(pc) =	sbr.rel @p5 .LBB2_20-.Ltmp13, $4  }
0x1ce: {  	v27 =	vor.u32 v34, v30;
	v29 =	vor.u32 v20, v31;
	v18 =	vor.u32 v21, v32;
	[tilespmem:s0+$0x0] =	vst v17;
	s0 =	sadd.s32 s17, s7  }
0x1cf: {  	v23 =	vor.u32 v8, v19;
	v21 =	vor.u32 v8, v22;
	v17 =	vor.u32 v25, v24;
	[tilespmem:s0+$0xFFFFFFF0] =	vst v28  }
0x1d0: {  	v22 =	vor.u32 v8, v26;
	v20 =	vor.u32 v8, v27;
	v19 =	vor.u32 v8, v29  }
0x1d1: {  	s6 =	sadd.s32 $0x10, s6;
	v18 =	vor.u32 v8, v18;
	v17 =	vor.u32 v8, v17  }
0x1d2: {  	_ =	sdelay $0x3  }
0x1d3: {  	v23 =	vld.idx.msk [tilespmem:v23+s18+$0x0], $0xffff  }
0x1d4: {  	v21 =	vld.idx.msk [tilespmem:v21+s18+$0x0], $0xffff  }
0x1d5: {  	v22 =	vld.idx.msk [tilespmem:v22+s18+$0x0], $0xffff  }
0x1d6: {  	v20 =	vld.idx.msk [tilespmem:v20+s18+$0x0], $0xffff  }
0x1d7: {  	v19 =	vld.idx.msk [tilespmem:v19+s18+$0x0], $0xffff  }
0x1d8: {  	v18 =	vld.idx.msk [tilespmem:v18+s18+$0x0], $0xffff;
	[tilespmem:s0+$0xFFFFFFA0] =	vst v23  }
0x1d9: {  	v17 =	vld.idx.msk [tilespmem:v17+s18+$0x0], $0xffff;
	[tilespmem:s0+$0xFFFFFFB0] =	vst v21  }
0x1da: {  	[tilespmem:s0+$0xFFFFFFC0] =	vst v22  }
0x1db: {  	[tilespmem:s0+$0xFFFFFFD0] =	vst v20  }
0x1dc: {  	[tilespmem:s0+$0xFFFFFFE0] =	vst v19  }
0x1dd: {  	[tilespmem:s0+$0xFFFFFF90] =	vst v18  }
0x1de: {  	[tilespmem:s0+$0x0] =	vst v17  }
.LBB2_22:
0x1df: {  	p1 =	por @p2 $0x0, $0x0;
	p4 =	por @!p4 $0x1, $0x1;
	p3 =	por !p3, !p2  }
0x1e0: {  	p4 =	por @!p3 p1, p1;
	p1 =	por @!p2 $0x0, $0x0  }
0x1e1: {  	p4 =	por @!p2 p1, p1  }
.Ltmp14:
0x1e2: {  	_ = 	snop;
	(pc) =	sbr.rel @!p4 .LBB2_64-.Ltmp14, $1  }
0x1e3: {  	_ =	sdelay $0x3  }
0x1e4: {  	s11 =	simm.s32 $0xE  }
0x1e5: {  	[dreg:$0x16] =	wrdreg s23;
	s2 =	simm.s32 $0x2;
	v18 =	vor.u32 s11, v9  }
0x1e6: {  	[dreg:$0x15] =	wrdreg s22;
	s12 =	simm.s32 $0x4;
	v19 =	vor.u32 s2, v9  }
0x1e7: {  	[dreg:$0x14] =	wrdreg s28;
	s4 =	simm.s32 $0x6;
	v20 =	vor.u32 s12, v9  }
0x1e8: {  	[dreg:$0x13] =	wrdreg s26;
	s13 =	ssub.s32 s3, s9;
	s14 =	simm.s32 $0x8;
	v21 =	vor.u32 s4, v9  }
0x1e9: {  	[dreg:$0x12] =	wrdreg s21;
	s15 =	simm.s32 $0xA;
	s9 =	sshll.u32 s13, $0xE;
	v22 =	vor.u32 s14, v9  }
0x1ea: {  	s16 =	simm.s32 $0xC;
	v23 =	vor.u32 s15, v9;
	v18 =	vld.idx.msk [tilespmem:v18+s9+$0x0], $0xffff  }
0x1eb: {  	s18 =	simm.s32 $0x10;
	v24 =	vor.u32 s16, v9;
	v19 =	vld.idx.msk [tilespmem:v19+s9+$0x0], $0xffff  }
0x1ec: {  	s0 =	simm.s32 $0x0;
	v25 =	vor.u32 s18, v9;
	v20 =	vld.idx.msk [tilespmem:v20+s9+$0x0], $0xffff  }
0x1ed: {  	s22 =	simm.s32 $0x14;
	v17 =	vor.u32 s0, v9;
	v21 =	vld.idx.msk [tilespmem:v21+s9+$0x0], $0xffff  }
0x1ee: {  	s20 =	simm.s32 $0x1E;
	v29 =	vor.u32 s22, v9;
	v22 =	vld.idx.msk [tilespmem:v22+s9+$0x0], $0xffff  }
0x1ef: {  	s21 =	simm.s32 $0x12;
	v27 =	vor.u32 s20, v9;
	v30 =	vld.idx.msk [tilespmem:v23+s9+$0x0], $0xffff  }
0x1f0: {  	s23 =	simm.s32 $0x16;
	v28 =	vor.u32 s21, v9;
	v26 =	vld.idx.msk [tilespmem:v24+s9+$0x0], $0xffff;
	[tilespmem:s19+$0x70] =	vst v18  }
0x1f1: {  	s24 =	simm.s32 $0x18;
	[tilespmem:s19+$0x10] =	vst v19;
	v18 =	vld.idx.msk [tilespmem:v25+s9+$0x0], $0xffff;
	v25 =	vor.u32 s23, v9  }
0x1f2: {  	s26 =	simm.s32 $0x1A;
	v17 =	vld.idx.msk [tilespmem:v17+s9+$0x0], $0xffff;
	v24 =	vor.u32 s24, v9;
	[tilespmem:s19+$0x20] =	vst v20  }
0x1f3: {  	s28 =	simm.s32 $0x1C;
	v23 =	vld.idx.msk [tilespmem:v29+s9+$0x0], $0xffff;
	[tilespmem:s19+$0x40] =	vst v22;
	v22 =	vor.u32 s26, v9  }
0x1f4: {  	v19 =	vld.idx.msk [tilespmem:v27+s9+$0x0], $0xffff;
	[tilespmem:s19+$0x30] =	vst v21;
	v20 =	vor.u32 s28, v9  }
0x1f5: {  	s0 =	simm.s32 $0x8;
	s2 =	simm.s32 $0x20;
	v21 =	vld.idx.msk [tilespmem:v28+s9+$0x0], $0xffff;
	[tilespmem:s19+$0x50] =	vst v30  }
.LBB2_24:
0x1f6: {  	v27 =	vor.u32 s2, v9;
	s4 =	sadd.s32 $0x2, s2;
	s6 =	sadd.s32 $0xE, s2;
	s0 =	sadd.s32 $0x8, s0;
	v28 =	vld.idx.msk [tilespmem:v25+s9+$0x0], $0xffff;
	[tilespmem:s19+$0x60] =	vst v26  }
0x1f7: {  	s7 =	sadd.s32 $0x6, s2;
	v29 =	vor.u32 s4, v9;
	s4 =	sadd.s32 $0x4, s2;
	v30 =	vor.u32 s6, v9;
	p1 =	slt.u32 s0, $0x18;
	v31 =	vld.idx.msk [tilespmem:v24+s9+$0x0], $0xffff;
	[tilespmem:s19+$0x0] =	vst v17  }
0x1f8: {  	v25 =	vor.u32 s7, v9;
	s6 =	sadd.s32 $0xA, s2;
	s19 =	sadd.s32 $0x400, s19;
	v17 =	vmov v18;
	v32 =	vor.u32 s4, v9;
	s4 =	sadd.s32 $0x8, s2;
	v33 =	vld.idx.msk [tilespmem:v22+s9+$0x0], $0xffff  }
0x1f9: {  	v22 =	vor.u32 s6, v9;
	v24 =	vor.u32 s4, v9;
	s4 =	sadd.s32 $0xC, s2;
	v26 =	vld.idx.msk [tilespmem:v20+s9+$0x0], $0xffff;
	[tilespmem:s19+$0x70] =	vst v19  }
.Ltmp15:
0x1fa: {  	v20 =	vor.u32 s4, v9;
	[tilespmem:s19+$0x10] =	vst v21;
	(pc) =	sbr.rel @p1 .LBB2_24-.Ltmp15, $4  }
0x1fb: {  	v18 =	vld.idx.msk [tilespmem:v27+s9+$0x0], $0xffff;
	[tilespmem:s19+$0x20] =	vst v23  }
0x1fc: {  	v19 =	vld.idx.msk [tilespmem:v30+s9+$0x0], $0xffff;
	[tilespmem:s19+$0x30] =	vst v28  }
0x1fd: {  	v21 =	vld.idx.msk [tilespmem:v29+s9+$0x0], $0xffff;
	[tilespmem:s19+$0x40] =	vst v31  }
0x1fe: {  	s2 =	sadd.s32 $0x10, s2;
	v23 =	vld.idx.msk [tilespmem:v32+s9+$0x0], $0xffff;
	[tilespmem:s19+$0x50] =	vst v33  }
0x1ff: {  	_ =	sdelay $0x2  }
0x200: {  	[tilespmem:s19+$0x60] =	vst v26  }
0x201: {  	v25 =	vld.idx.msk [tilespmem:v25+s9+$0x0], $0xffff;
	[tilespmem:s19+$0x0] =	vst v17;
	s4 =	sadd.s32 $0x400, s19  }
0x202: {  	[tilespmem:s4+$0x70] =	vst v19;
	v19 =	vld.idx.msk [tilespmem:v20+s9+$0x0], $0xffff  }
0x203: {  	v24 =	vld.idx.msk [tilespmem:v24+s9+$0x0], $0xffff;
	[tilespmem:s4+$0x0] =	vst v18  }
0x204: {  	v17 =	vld.idx.msk [tilespmem:v22+s9+$0x0], $0xffff;
	s2 =	simm.s32 $0xE;
	[tilespmem:s4+$0x10] =	vst v21  }
0x205: {  	s6 =	simm.s32 $0xC;
	v20 =	vor.u32 s2, v10;
	[tilespmem:s4+$0x20] =	vst v23  }
0x206: {  	s7 =	simm.s32 $0x4;
	v21 =	vor.u32 s6, v10;
	[tilespmem:s4+$0x30] =	vst v25  }
0x207: {  	s18 =	simm.s32 $0x2;
	[tilespmem:s4+$0x60] =	vst v19;
	v19 =	vor.u32 s7, v10  }
0x208: {  	s0 =	simm.s32 $0x0;
	v22 =	vor.u32 s18, v10;
	[tilespmem:s4+$0x40] =	vst v24  }
0x209: {  	s23 =	simm.s32 $0x1E;
	v18 =	vor.u32 s0, v10;
	[tilespmem:s4+$0x50] =	vst v17  }
0x20a: {  	s19 =	simm.s32 $0x6;
	v26 =	vor.u32 s23, v10;
	v17 =	vld.idx.msk [tilespmem:v20+s9+$0x0], $0xffff  }
0x20b: {  	s22 =	simm.s32 $0x8;
	v23 =	vor.u32 s19, v10;
	v21 =	vld.idx.msk [tilespmem:v21+s9+$0x0], $0xffff  }
0x20c: {  	s12 =	simm.s32 $0xA;
	v20 =	vor.u32 s22, v10;
	v28 =	vld.idx.msk [tilespmem:v19+s9+$0x0], $0xffff  }
0x20d: {  	s10 =	simm.s32 $0x12;
	v24 =	vor.u32 s12, v10;
	v22 =	vld.idx.msk [tilespmem:v22+s9+$0x0], $0xffff  }
0x20e: {  	s21 =	simm.s32 $0x1C;
	v31 =	vor.u32 s10, v10;
	v30 =	vld.idx.msk [tilespmem:v18+s9+$0x0], $0xffff  }
0x20f: {  	s13 =	simm.s32 $0x14;
	v29 =	vor.u32 s21, v10;
	v18 =	vld.idx.msk [tilespmem:v26+s9+$0x0], $0xffff  }
0x210: {  	s8 =	sadd.s32 s17, s25;
	s16 =	simm.s32 $0x10;
	v27 =	vor.u32 s13, v10;
	v25 =	vld.idx.msk [tilespmem:v23+s9+$0x0], $0xffff  }
0x211: {  	s11 =	simm.s32 $0x16;
	v23 =	vld.idx.msk [tilespmem:v20+s9+$0x0], $0xffff;
	[tilespmem:s8+$0xFFFFFFB0] =	vst v28;
	v28 =	vor.u32 s16, v10  }
0x212: {  	s14 =	simm.s32 $0x18;
	v24 =	vld.idx.msk [tilespmem:v24+s9+$0x0], $0xffff;
	v19 =	vor.u32 s11, v10;
	[tilespmem:s8+$0xFFFFFFF0] =	vst v21  }
0x213: {  	s15 =	simm.s32 $0x1A;
	v26 =	vld.idx.msk [tilespmem:v31+s9+$0x0], $0xffff;
	[tilespmem:s8+$0xFFFFFFA0] =	vst v22;
	v20 =	vor.u32 s14, v10  }
0x214: {  	s20 =	simm.s32 $0x8;
	s28 =	smov.u32 s25;
	s4 =	simm.s32 $0x2E;
	v22 =	vld.idx.msk [tilespmem:v29+s9+$0x0], $0xffff;
	v21 =	vor.u32 s15, v10;
	[tilespmem:s8+$0xFFFFFF90] =	vst v30  }
.LBB2_26:
0x215: {  	s24 =	sadd.s32 $0xFFFFFFF4, s4;
	s5 =	sadd.s32 $0xFFFFFFFE, s4;
	v29 =	vor.u32 s4, v10;
	s20 =	sadd.s32 $0x8, s20;
	v30 =	vld.idx.msk [tilespmem:v27+s9+$0x0], $0xffff;
	[tilespmem:s8+$0xFFFFFFC0] =	vst v25  }
0x216: {  	s26 =	sadd.s32 $0xFFFFFFF8, s4;
	v31 =	vor.u32 s24, v10;
	s24 =	sadd.s32 $0xFFFFFFF6, s4;
	v32 =	vor.u32 s5, v10;
	p3 =	slt.u32 s20, $0x18;
	v33 =	vld.idx.msk [tilespmem:v28+s9+$0x0], $0xffff;
	[tilespmem:s8+$0xFFFFFFD0] =	vst v23  }
0x217: {  	s25 =	sadd.s32 $0x400, s25;
	s5 =	sadd.s32 $0xFFFFFFFA, s4;
	v27 =	vor.u32 s24, v10;
	s24 =	sadd.s32 $0xFFFFFFFC, s4;
	v25 =	vld.idx.msk [tilespmem:v19+s9+$0x0], $0xffff;
	v19 =	vor.u32 s26, v10;
	[tilespmem:s8+$0xFFFFFFE0] =	vst v24  }
.Ltmp16:
0x218: {  	s26 =	sadd.s32 $0xFFFFFFF2, s4;
	v34 =	vor.u32 s24, v10;
	v23 =	vld.idx.msk [tilespmem:v20+s9+$0x0], $0xffff;
	v20 =	vor.u32 s5, v10;
	[tilespmem:s8+$0x0] =	vst v17;
	s8 =	sadd.s32 s17, s25;
	v17 =	vmov v18;
	(pc) =	sbr.rel @p3 .LBB2_26-.Ltmp16, $4  }
0x219: {  	v28 =	vor.u32 s26, v10;
	v24 =	vld.idx.msk [tilespmem:v21+s9+$0x0], $0xffff;
	[tilespmem:s8+$0xFFFFFFF0] =	vst v22;
	v21 =	vmov v34  }
0x21a: {  	v18 =	vld.idx.msk [tilespmem:v29+s9+$0x0], $0xffff;
	[tilespmem:s8+$0xFFFFFFA0] =	vst v26  }
0x21b: {  	v22 =	vld.idx.msk [tilespmem:v32+s9+$0x0], $0xffff;
	[tilespmem:s8+$0xFFFFFFB0] =	vst v30  }
0x21c: {  	s4 =	sadd.s32 $0x10, s4;
	v26 =	vld.idx.msk [tilespmem:v31+s9+$0x0], $0xffff;
	[tilespmem:s8+$0xFFFFFF90] =	vst v33  }
0x21d: {  	_ =	sdelay $0x1  }
0x21e: {  	[tilespmem:s8+$0xFFFFFFC0] =	vst v25  }
0x21f: {  	[tilespmem:s8+$0xFFFFFFD0] =	vst v23  }
0x220: {  	v25 =	vld.idx.msk [tilespmem:v27+s9+$0x0], $0xffff;
	s4 =	sadd.s32 $0x400, s25;
	[tilespmem:s8+$0x0] =	vst v17  }
0x221: {  	v19 =	vld.idx.msk [tilespmem:v19+s9+$0x0], $0xffff;
	[tilespmem:s8+$0xFFFFFFE0] =	vst v24;
	s4 =	sadd.s32 s17, s4  }
0x222: {  	v23 =	vld.idx.msk [tilespmem:v28+s9+$0x0], $0xffff;
	[tilespmem:s4+$0x0] =	vst v18  }
0x223: {  	v17 =	vld.idx.msk [tilespmem:v20+s9+$0x0], $0xffff;
	[tilespmem:s4+$0xFFFFFFF0] =	vst v22  }
0x224: {  	v20 =	vld.idx.msk [tilespmem:v21+s9+$0x0], $0xffff;
	[tilespmem:s4+$0xFFFFFFA0] =	vst v26  }
0x225: {  	v21 =	vor.u32 s2, v11;
	[tilespmem:s4+$0xFFFFFFB0] =	vst v25  }
0x226: {  	[tilespmem:s4+$0xFFFFFFC0] =	vst v19;
	v19 =	vor.u32 s6, v11  }
0x227: {  	p5 =	por $0x1, $0x1;
	v22 =	vor.u32 s18, v11;
	[tilespmem:s4+$0xFFFFFF90] =	vst v23  }
.Ltmp17:
0x228: {  	[tilespmem:s4+$0xFFFFFFD0] =	vst v17;
	(pc) =	sbr.rel @!p5 .LBB2_28-.Ltmp17, $4  }
0x229: {  	[tilespmem:s4+$0xFFFFFFE0] =	vst v20  }
0x22a: {  	v17 =	vld.idx.msk [tilespmem:v21+s9+$0x0], $0xffff  }
0x22b: {  	v28 =	vor.u32 s19, v11;
	v27 =	vor.u32 s12, v11;
	v18 =	vld.idx.msk [tilespmem:v19+s9+$0x0], $0xffff  }
0x22c: {  	p3 =	por $0x0, $0x0;
	v24 =	vor.u32 s0, v11;
	v20 =	vor.u32 s7, v11;
	v25 =	vor.u32 s22, v11;
	v19 =	vld.idx.msk [tilespmem:v22+s9+$0x0], $0xffff  }
0x22d: {  	_ =	sdelay $0x3  }
0x22e: {  	v29 =	vld.idx.msk [tilespmem:v20+s9+$0x0], $0xffff  }
0x22f: {  	v26 =	vor.u32 s23, v11;
	v31 =	vld.idx.msk [tilespmem:v24+s9+$0x0], $0xffff  }
0x230: {  	v30 =	vor.u32 s21, v11;
	s0 =	sadd.s32 s17, s29  }
0x231: {  	v32 =	vor.u32 s10, v11;
	v22 =	vld.idx.msk [tilespmem:v28+s9+$0x0], $0xffff;
	p1 =	por $0x1, $0x1;
	[tilespmem:s0+$0xFFFFFFF0] =	vst v18  }
.Ltmp18:
0x232: {  	v23 =	vld.idx.msk [tilespmem:v25+s9+$0x0], $0xffff;
	v20 =	vor.u32 s13, v11;
	[tilespmem:s0+$0xFFFFFFA0] =	vst v19;
	(pc) =	sbr.rel @!p1 .LBB2_30-.Ltmp18, $4  }
0x233: {  	v21 =	vld.idx.msk [tilespmem:v27+s9+$0x0], $0xffff;
	v24 =	vor.u32 s16, v11;
	[tilespmem:s0+$0xFFFFFFB0] =	vst v29  }
0x234: {  	v28 =	vor.u32 s11, v11;
	s6 =	simm.s32 $0x8;
	v26 =	vld.idx.msk [tilespmem:v26+s9+$0x0], $0xffff;
	[tilespmem:s0+$0xFFFFFF90] =	vst v31  }
0x235: {  	v25 =	vor.u32 s14, v11;
	s7 =	simm.s32 $0x2E;
	p6 =	por $0x1, $0x1;
	v18 =	vld.idx.msk [tilespmem:v30+s9+$0x0], $0xffff;
	s20 =	rddreg [dreg:$0x7]  }
0x236: {  	v27 =	vor.u32 s15, v11;
	s2 =	smov.u32 s29;
	s25 =	smov.u32 s28;
	v19 =	vld.idx.msk [tilespmem:v32+s9+$0x0], $0xffff;
	s26 =	rddreg [dreg:$0x13]  }
.LBB2_31:
0x237: {  	s4 =	sadd.s32 $0xFFFFFFF4, s7;
	s5 =	sadd.s32 $0xFFFFFFFE, s7;
	v29 =	vor.u32 s7, v11;
	s6 =	sadd.s32 $0x8, s6;
	v30 =	vld.idx.msk [tilespmem:v20+s9+$0x0], $0xffff;
	[tilespmem:s0+$0xFFFFFFC0] =	vst v22  }
0x238: {  	s8 =	sadd.s32 $0xFFFFFFF8, s7;
	v31 =	vor.u32 s4, v11;
	s4 =	sadd.s32 $0xFFFFFFF6, s7;
	v32 =	vor.u32 s5, v11;
	p1 =	slt.u32 s6, $0x18;
	v33 =	vld.idx.msk [tilespmem:v24+s9+$0x0], $0xffff;
	[tilespmem:s0+$0xFFFFFFD0] =	vst v23  }
0x239: {  	s2 =	sadd.s32 $0x400, s2;
	s5 =	sadd.s32 $0xFFFFFFFC, s7;
	v20 =	vor.u32 s4, v11;
	s4 =	sadd.s32 $0xFFFFFFFA, s7;
	v22 =	vld.idx.msk [tilespmem:v28+s9+$0x0], $0xffff;
	v28 =	vor.u32 s8, v11;
	[tilespmem:s0+$0xFFFFFFE0] =	vst v21  }
.Ltmp19:
0x23a: {  	s8 =	sadd.s32 $0xFFFFFFF2, s7;
	v34 =	vor.u32 s5, v11;
	v23 =	vld.idx.msk [tilespmem:v25+s9+$0x0], $0xffff;
	v25 =	vor.u32 s4, v11;
	[tilespmem:s0+$0x0] =	vst v17;
	s0 =	sadd.s32 s17, s2;
	v17 =	vmov v26;
	(pc) =	sbr.rel @p1 .LBB2_31-.Ltmp19, $4  }
0x23b: {  	v24 =	vor.u32 s8, v11;
	v21 =	vld.idx.msk [tilespmem:v27+s9+$0x0], $0xffff;
	[tilespmem:s0+$0xFFFFFFF0] =	vst v18;
	v27 =	vmov v34  }
0x23c: {  	v26 =	vld.idx.msk [tilespmem:v29+s9+$0x0], $0xffff;
	[tilespmem:s0+$0xFFFFFFA0] =	vst v19  }
0x23d: {  	v18 =	vld.idx.msk [tilespmem:v32+s9+$0x0], $0xffff;
	[tilespmem:s0+$0xFFFFFFB0] =	vst v30  }
0x23e: {  	s7 =	sadd.s32 $0x10, s7;
	v19 =	vld.idx.msk [tilespmem:v31+s9+$0x0], $0xffff;
	[tilespmem:s0+$0xFFFFFF90] =	vst v33  }
0x23f: {  	s15 =	rddreg [dreg:$0x2]  }
0x240: {  	s16 =	rddreg [dreg:$0x4]  }
0x241: {  	v29 =	vmov v17;
	s28 =	rddreg [dreg:$0x14];
	v17 =	vmov v26  }
.LBB2_33:
0x242: {  	_ =	sdelay $0x1  }
0x243: {  	[tilespmem:s0+$0xFFFFFFC0] =	vst @p6 v22  }
0x244: {  	[tilespmem:s0+$0xFFFFFFD0] =	vst @p6 v23;
	s2 =	sadd.s32 @p6 $0x400, s2;
	s4 =	smov.u32 s29  }
0x245: {  	v20 =	vld.idx.msk [tilespmem:v20+s9+$0x0], $0xffff;
	[tilespmem:s0+$0xFFFFFFE0] =	vst @p6 v21;
	s4 =	smov.u32 @p6 s2  }
0x246: {  	v21 =	vld.idx.msk [tilespmem:v28+s9+$0x0], $0xffff;
	[tilespmem:s0+$0x0] =	vst @p6 v29;
	s2 =	sadd.s32 s17, s4  }
0x247: {  	v22 =	vld.idx.msk [tilespmem:v24+s9+$0x0], $0xffff;
	[tilespmem:s2+$0xFFFFFFF0] =	vst v18  }
0x248: {  	v23 =	vld.idx.msk [tilespmem:v25+s9+$0x0], $0xffff;
	[tilespmem:s2+$0xFFFFFFA0] =	vst v19  }
0x249: {  	s7 =	simm.s32 $0xE;
	v18 =	vld.idx.msk [tilespmem:v27+s9+$0x0], $0xffff;
	[tilespmem:s2+$0x0] =	vst v17  }
0x24a: {  	s18 =	simm.s32 $0xC;
	v19 =	vor.u32 s7, v12;
	[tilespmem:s2+$0xFFFFFFB0] =	vst v20  }
0x24b: {  	s19 =	simm.s32 $0x2;
	[tilespmem:s2+$0xFFFFFFC0] =	vst v21;
	v21 =	vor.u32 s18, v12  }
0x24c: {  	[tilespmem:s2+$0xFFFFFF90] =	vst v22;
	v22 =	vor.u32 s19, v12  }
.Ltmp20:
0x24d: {  	[tilespmem:s2+$0xFFFFFFD0] =	vst v23;
	(pc) =	sbr.rel @!p5 .LBB2_34-.Ltmp20, $4  }
0x24e: {  	[tilespmem:s2+$0xFFFFFFE0] =	vst v18  }
0x24f: {  	s22 =	simm.s32 $0x6;
	s0 =	simm.s32 $0xA;
	v17 =	vld.idx.msk [tilespmem:v19+s9+$0x0], $0xffff  }
0x250: {  	s21 =	simm.s32 $0x4;
	s23 =	simm.s32 $0x8;
	v26 =	vor.u32 s22, v12;
	v28 =	vor.u32 s0, v12;
	s2 =	simm.s32 $0x0;
	v18 =	vld.idx.msk [tilespmem:v21+s9+$0x0], $0xffff  }
0x251: {  	s6 =	simm.s32 $0x1E;
	v27 =	vor.u32 s23, v12;
	v20 =	vor.u32 s21, v12;
	v24 =	vor.u32 s2, v12;
	v19 =	vld.idx.msk [tilespmem:v22+s9+$0x0], $0xffff  }
0x252: {  	_ =	sdelay $0x3  }
0x253: {  	s4 =	simm.s32 $0x1C;
	v25 =	vor.u32 s6, v12;
	v29 =	vld.idx.msk [tilespmem:v20+s9+$0x0], $0xffff  }
0x254: {  	s5 =	simm.s32 $0x12;
	v31 =	vld.idx.msk [tilespmem:v24+s9+$0x0], $0xffff;
	v30 =	vor.u32 s4, v12  }
0x255: {  	v21 =	vld.idx.msk [tilespmem:v26+s9+$0x0], $0xffff;
	s12 =	simm.s32 $0x14;
	p1 =	por $0x1, $0x1;
	v32 =	vor.u32 s5, v12  }
.Ltmp21:
0x256: {  	s10 =	sadd.s32 s17, s26;
	v23 =	vld.idx.msk [tilespmem:v27+s9+$0x0], $0xffff;
	s8 =	simm.s32 $0x10;
	v20 =	vor.u32 s12, v12;
	(pc) =	sbr.rel @!p1 .LBB2_36-.Ltmp21, $4  }
0x257: {  	v22 =	vld.idx.msk [tilespmem:v28+s9+$0x0], $0xffff;
	s13 =	simm.s32 $0x16;
	v24 =	vor.u32 s8, v12;
	[tilespmem:s10+$0xFFFFFFF0] =	vst v18  }
0x258: {  	s14 =	simm.s32 $0x18;
	v26 =	vor.u32 s13, v12;
	[tilespmem:s10+$0xFFFFFFA0] =	vst v19;
	v25 =	vld.idx.msk [tilespmem:v25+s9+$0x0], $0xffff  }
0x259: {  	s24 =	simm.s32 $0x1A;
	s11 =	simm.s32 $0x8;
	v27 =	vor.u32 s14, v12;
	[tilespmem:s10+$0xFFFFFFB0] =	vst v29;
	v18 =	vld.idx.msk [tilespmem:v30+s9+$0x0], $0xffff  }
0x25a: {  	p3 =	por $0x1, $0x1;
	v28 =	vor.u32 s24, v12;
	s12 =	simm.s32 $0x2E;
	s8 =	smov.u32 s26;
	[tilespmem:s10+$0xFFFFFF90] =	vst v31;
	v19 =	vld.idx.msk [tilespmem:v32+s9+$0x0], $0xffff  }
.LBB2_37:
0x25b: {  	s4 =	sadd.s32 $0xFFFFFFF4, s12;
	s5 =	sadd.s32 $0xFFFFFFFE, s12;
	v29 =	vor.u32 s12, v12;
	s11 =	sadd.s32 $0x8, s11;
	v30 =	vld.idx.msk [tilespmem:v20+s9+$0x0], $0xffff;
	[tilespmem:s10+$0xFFFFFFC0] =	vst v21  }
0x25c: {  	s13 =	sadd.s32 $0xFFFFFFF8, s12;
	v31 =	vor.u32 s4, v12;
	s4 =	sadd.s32 $0xFFFFFFF6, s12;
	v32 =	vor.u32 s5, v12;
	p1 =	slt.u32 s11, $0x18;
	v33 =	vld.idx.msk [tilespmem:v24+s9+$0x0], $0xffff;
	[tilespmem:s10+$0xFFFFFFD0] =	vst v23  }
0x25d: {  	s8 =	sadd.s32 $0x400, s8;
	s5 =	sadd.s32 $0xFFFFFFFC, s12;
	v20 =	vor.u32 s4, v12;
	s4 =	sadd.s32 $0xFFFFFFFA, s12;
	v21 =	vld.idx.msk [tilespmem:v26+s9+$0x0], $0xffff;
	v26 =	vor.u32 s13, v12;
	[tilespmem:s10+$0xFFFFFFE0] =	vst v22  }
.Ltmp22:
0x25e: {  	s13 =	sadd.s32 $0xFFFFFFF2, s12;
	v34 =	vor.u32 s5, v12;
	v23 =	vld.idx.msk [tilespmem:v27+s9+$0x0], $0xffff;
	v27 =	vor.u32 s4, v12;
	[tilespmem:s10+$0x0] =	vst v17;
	s10 =	sadd.s32 s17, s8;
	v17 =	vmov v25;
	(pc) =	sbr.rel @p1 .LBB2_37-.Ltmp22, $4  }
0x25f: {  	v24 =	vor.u32 s13, v12;
	v22 =	vld.idx.msk [tilespmem:v28+s9+$0x0], $0xffff;
	[tilespmem:s10+$0xFFFFFFF0] =	vst v18;
	v28 =	vmov v34  }
0x260: {  	v25 =	vld.idx.msk [tilespmem:v29+s9+$0x0], $0xffff;
	[tilespmem:s10+$0xFFFFFFA0] =	vst v19  }
0x261: {  	v18 =	vld.idx.msk [tilespmem:v32+s9+$0x0], $0xffff;
	[tilespmem:s10+$0xFFFFFFB0] =	vst v30  }
0x262: {  	s12 =	sadd.s32 $0x10, s12;
	v19 =	vld.idx.msk [tilespmem:v31+s9+$0x0], $0xffff;
	[tilespmem:s10+$0xFFFFFF90] =	vst v33  }
0x263: {  	_ =	sdelay $0x1  }
0x264: {  	v29 =	vmov v17;
	v17 =	vmov v25  }
.LBB2_39:
0x265: {  	_ =	sdelay $0x1  }
0x266: {  	[tilespmem:s10+$0xFFFFFFC0] =	vst @p3 v21  }
0x267: {  	[tilespmem:s10+$0xFFFFFFD0] =	vst @p3 v23;
	s4 =	sadd.s32 @p3 $0x400, s8;
	s5 =	smov.u32 s26  }
0x268: {  	v20 =	vld.idx.msk [tilespmem:v20+s9+$0x0], $0xffff;
	[tilespmem:s10+$0xFFFFFFE0] =	vst @p3 v22;
	s5 =	smov.u32 @p3 s4  }
0x269: {  	v21 =	vld.idx.msk [tilespmem:v24+s9+$0x0], $0xffff;
	[tilespmem:s10+$0x0] =	vst @p3 v29;
	s4 =	sadd.s32 s17, s5  }
0x26a: {  	v22 =	vld.idx.msk [tilespmem:v26+s9+$0x0], $0xffff;
	[tilespmem:s4+$0xFFFFFFF0] =	vst v18  }
0x26b: {  	v23 =	vld.idx.msk [tilespmem:v27+s9+$0x0], $0xffff;
	[tilespmem:s4+$0xFFFFFFA0] =	vst v19  }
0x26c: {  	v18 =	vld.idx.msk [tilespmem:v28+s9+$0x0], $0xffff;
	[tilespmem:s4+$0x0] =	vst v17  }
0x26d: {  	v19 =	vor.u32 s7, v13;
	[tilespmem:s4+$0xFFFFFFB0] =	vst v20  }
0x26e: {  	[tilespmem:s4+$0xFFFFFF90] =	vst v21;
	v21 =	vor.u32 s18, v13  }
0x26f: {  	p5 =	por $0x1, $0x1;
	[tilespmem:s4+$0xFFFFFFC0] =	vst v22;
	v22 =	vor.u32 s19, v13  }
.Ltmp23:
0x270: {  	[tilespmem:s4+$0xFFFFFFD0] =	vst v23;
	(pc) =	sbr.rel @!p5 .LBB2_40-.Ltmp23, $4  }
0x271: {  	[tilespmem:s4+$0xFFFFFFE0] =	vst v18  }
0x272: {  	v17 =	vld.idx.msk [tilespmem:v19+s9+$0x0], $0xffff  }
0x273: {  	v26 =	vor.u32 s22, v13;
	v27 =	vor.u32 s23, v13;
	v18 =	vld.idx.msk [tilespmem:v21+s9+$0x0], $0xffff  }
0x274: {  	v24 =	vor.u32 s2, v13;
	p3 =	por $0x0, $0x0;
	v28 =	vor.u32 s0, v13;
	v20 =	vor.u32 s21, v13;
	v19 =	vld.idx.msk [tilespmem:v22+s9+$0x0], $0xffff  }
0x275: {  	_ =	sdelay $0x3  }
0x276: {  	s0 =	simm.s32 $0x1C;
	v25 =	vor.u32 s6, v13;
	v29 =	vld.idx.msk [tilespmem:v20+s9+$0x0], $0xffff  }
0x277: {  	s2 =	simm.s32 $0x12;
	v31 =	vld.idx.msk [tilespmem:v24+s9+$0x0], $0xffff;
	v30 =	vor.u32 s0, v13  }
0x278: {  	v21 =	vld.idx.msk [tilespmem:v26+s9+$0x0], $0xffff;
	s22 =	simm.s32 $0x14;
	p1 =	por $0x1, $0x1;
	v32 =	vor.u32 s2, v13  }
.Ltmp24:
0x279: {  	v23 =	vld.idx.msk [tilespmem:v27+s9+$0x0], $0xffff;
	s5 =	simm.s32 $0x10;
	s0 =	sadd.s32 s17, s28;
	v20 =	vor.u32 s22, v13;
	(pc) =	sbr.rel @!p1 .LBB2_42-.Ltmp24, $4  }
0x27a: {  	v22 =	vld.idx.msk [tilespmem:v28+s9+$0x0], $0xffff;
	s4 =	simm.s32 $0x16;
	v24 =	vor.u32 s5, v13;
	[tilespmem:s0+$0xFFFFFFF0] =	vst v18  }
0x27b: {  	s23 =	simm.s32 $0x18;
	v26 =	vor.u32 s4, v13;
	[tilespmem:s0+$0xFFFFFFA0] =	vst v19;
	v25 =	vld.idx.msk [tilespmem:v25+s9+$0x0], $0xffff  }
0x27c: {  	s24 =	simm.s32 $0x1A;
	s6 =	simm.s32 $0x8;
	v27 =	vor.u32 s23, v13;
	[tilespmem:s0+$0xFFFFFFB0] =	vst v29;
	v18 =	vld.idx.msk [tilespmem:v30+s9+$0x0], $0xffff  }
0x27d: {  	s7 =	simm.s32 $0x2E;
	p6 =	por $0x1, $0x1;
	v28 =	vor.u32 s24, v13;
	s2 =	smov.u32 s28;
	[tilespmem:s0+$0xFFFFFF90] =	vst v31;
	v19 =	vld.idx.msk [tilespmem:v32+s9+$0x0], $0xffff  }
.LBB2_43:
0x27e: {  	s4 =	sadd.s32 $0xFFFFFFF4, s7;
	s5 =	sadd.s32 $0xFFFFFFFE, s7;
	v29 =	vor.u32 s7, v13;
	s6 =	sadd.s32 $0x8, s6;
	v30 =	vld.idx.msk [tilespmem:v20+s9+$0x0], $0xffff;
	[tilespmem:s0+$0xFFFFFFC0] =	vst v21  }
0x27f: {  	s8 =	sadd.s32 $0xFFFFFFF8, s7;
	v31 =	vor.u32 s4, v13;
	s4 =	sadd.s32 $0xFFFFFFF6, s7;
	v32 =	vor.u32 s5, v13;
	p1 =	slt.u32 s6, $0x18;
	v33 =	vld.idx.msk [tilespmem:v24+s9+$0x0], $0xffff;
	[tilespmem:s0+$0xFFFFFFD0] =	vst v23  }
0x280: {  	s2 =	sadd.s32 $0x400, s2;
	s5 =	sadd.s32 $0xFFFFFFFC, s7;
	v20 =	vor.u32 s4, v13;
	s4 =	sadd.s32 $0xFFFFFFFA, s7;
	v21 =	vld.idx.msk [tilespmem:v26+s9+$0x0], $0xffff;
	v26 =	vor.u32 s8, v13;
	[tilespmem:s0+$0xFFFFFFE0] =	vst v22  }
.Ltmp25:
0x281: {  	s8 =	sadd.s32 $0xFFFFFFF2, s7;
	v34 =	vor.u32 s5, v13;
	v23 =	vld.idx.msk [tilespmem:v27+s9+$0x0], $0xffff;
	v27 =	vor.u32 s4, v13;
	[tilespmem:s0+$0x0] =	vst v17;
	s0 =	sadd.s32 s17, s2;
	v17 =	vmov v25;
	(pc) =	sbr.rel @p1 .LBB2_43-.Ltmp25, $4  }
0x282: {  	v24 =	vor.u32 s8, v13;
	v22 =	vld.idx.msk [tilespmem:v28+s9+$0x0], $0xffff;
	[tilespmem:s0+$0xFFFFFFF0] =	vst v18;
	v28 =	vmov v34  }
0x283: {  	v25 =	vld.idx.msk [tilespmem:v29+s9+$0x0], $0xffff;
	[tilespmem:s0+$0xFFFFFFA0] =	vst v19  }
0x284: {  	v18 =	vld.idx.msk [tilespmem:v32+s9+$0x0], $0xffff;
	[tilespmem:s0+$0xFFFFFFB0] =	vst v30  }
0x285: {  	s7 =	sadd.s32 $0x10, s7;
	v19 =	vld.idx.msk [tilespmem:v31+s9+$0x0], $0xffff;
	[tilespmem:s0+$0xFFFFFF90] =	vst v33  }
0x286: {  	_ =	sdelay $0x1  }
0x287: {  	v29 =	vmov v17;
	v17 =	vmov v25  }
.LBB2_45:
0x288: {  	_ =	sdelay $0x1  }
0x289: {  	[tilespmem:s0+$0xFFFFFFC0] =	vst @p6 v21  }
0x28a: {  	[tilespmem:s0+$0xFFFFFFD0] =	vst @p6 v23;
	s2 =	sadd.s32 @p6 $0x400, s2;
	s4 =	smov.u32 s28  }
0x28b: {  	v20 =	vld.idx.msk [tilespmem:v20+s9+$0x0], $0xffff;
	[tilespmem:s0+$0xFFFFFFE0] =	vst @p6 v22;
	s4 =	smov.u32 @p6 s2  }
0x28c: {  	v21 =	vld.idx.msk [tilespmem:v24+s9+$0x0], $0xffff;
	[tilespmem:s0+$0x0] =	vst @p6 v29;
	s2 =	sadd.s32 s17, s4  }
0x28d: {  	v22 =	vld.idx.msk [tilespmem:v26+s9+$0x0], $0xffff;
	[tilespmem:s2+$0xFFFFFFF0] =	vst v18  }
0x28e: {  	v23 =	vld.idx.msk [tilespmem:v27+s9+$0x0], $0xffff;
	[tilespmem:s2+$0xFFFFFFA0] =	vst v19  }
0x28f: {  	s7 =	simm.s32 $0xE;
	v18 =	vld.idx.msk [tilespmem:v28+s9+$0x0], $0xffff;
	[tilespmem:s2+$0x0] =	vst v17  }
0x290: {  	s18 =	simm.s32 $0xC;
	v19 =	vor.u32 s7, v14;
	[tilespmem:s2+$0xFFFFFFB0] =	vst v20  }
0x291: {  	s19 =	simm.s32 $0x2;
	[tilespmem:s2+$0xFFFFFF90] =	vst v21;
	v21 =	vor.u32 s18, v14  }
0x292: {  	[tilespmem:s2+$0xFFFFFFC0] =	vst v22;
	v22 =	vor.u32 s19, v14  }
.Ltmp26:
0x293: {  	[tilespmem:s2+$0xFFFFFFD0] =	vst v23;
	(pc) =	sbr.rel @!p5 .LBB2_46-.Ltmp26, $4  }
0x294: {  	[tilespmem:s2+$0xFFFFFFE0] =	vst v18  }
0x295: {  	s22 =	simm.s32 $0x6;
	s0 =	simm.s32 $0x8;
	v17 =	vld.idx.msk [tilespmem:v19+s9+$0x0], $0xffff  }
0x296: {  	s21 =	simm.s32 $0x4;
	s6 =	simm.s32 $0x0;
	v26 =	vor.u32 s22, v14;
	v27 =	vor.u32 s0, v14;
	s2 =	simm.s32 $0xA;
	v18 =	vld.idx.msk [tilespmem:v21+s9+$0x0], $0xffff  }
0x297: {  	s23 =	simm.s32 $0x1E;
	v24 =	vor.u32 s6, v14;
	v20 =	vor.u32 s21, v14;
	v28 =	vor.u32 s2, v14;
	v19 =	vld.idx.msk [tilespmem:v22+s9+$0x0], $0xffff  }
0x298: {  	_ =	sdelay $0x3  }
0x299: {  	s4 =	simm.s32 $0x1C;
	v25 =	vor.u32 s23, v14;
	v29 =	vld.idx.msk [tilespmem:v20+s9+$0x0], $0xffff  }
0x29a: {  	s5 =	simm.s32 $0x12;
	v31 =	vld.idx.msk [tilespmem:v24+s9+$0x0], $0xffff;
	v30 =	vor.u32 s4, v14  }
0x29b: {  	v21 =	vld.idx.msk [tilespmem:v26+s9+$0x0], $0xffff;
	s12 =	simm.s32 $0x14;
	p1 =	por $0x1, $0x1;
	v32 =	vor.u32 s5, v14  }
.Ltmp27:
0x29c: {  	s10 =	sadd.s32 s17, s30;
	v23 =	vld.idx.msk [tilespmem:v27+s9+$0x0], $0xffff;
	s8 =	simm.s32 $0x10;
	v20 =	vor.u32 s12, v14;
	(pc) =	sbr.rel @!p1 .LBB2_48-.Ltmp27, $4  }
0x29d: {  	v22 =	vld.idx.msk [tilespmem:v28+s9+$0x0], $0xffff;
	s13 =	simm.s32 $0x16;
	v24 =	vor.u32 s8, v14;
	[tilespmem:s10+$0xFFFFFFF0] =	vst v18  }
0x29e: {  	s14 =	simm.s32 $0x18;
	v26 =	vor.u32 s13, v14;
	[tilespmem:s10+$0xFFFFFFA0] =	vst v19;
	v25 =	vld.idx.msk [tilespmem:v25+s9+$0x0], $0xffff  }
0x29f: {  	s24 =	simm.s32 $0x1A;
	s11 =	simm.s32 $0x8;
	v27 =	vor.u32 s14, v14;
	[tilespmem:s10+$0xFFFFFFB0] =	vst v29;
	v18 =	vld.idx.msk [tilespmem:v30+s9+$0x0], $0xffff  }
0x2a0: {  	p3 =	por $0x1, $0x1;
	v28 =	vor.u32 s24, v14;
	s12 =	simm.s32 $0x2E;
	s8 =	smov.u32 s30;
	[tilespmem:s10+$0xFFFFFF90] =	vst v31;
	v19 =	vld.idx.msk [tilespmem:v32+s9+$0x0], $0xffff  }
.LBB2_49:
0x2a1: {  	s4 =	sadd.s32 $0xFFFFFFF4, s12;
	s5 =	sadd.s32 $0xFFFFFFFE, s12;
	v29 =	vor.u32 s12, v14;
	s11 =	sadd.s32 $0x8, s11;
	v30 =	vld.idx.msk [tilespmem:v20+s9+$0x0], $0xffff;
	[tilespmem:s10+$0xFFFFFFC0] =	vst v21  }
0x2a2: {  	s13 =	sadd.s32 $0xFFFFFFF8, s12;
	v31 =	vor.u32 s4, v14;
	s4 =	sadd.s32 $0xFFFFFFF6, s12;
	v32 =	vor.u32 s5, v14;
	p1 =	slt.u32 s11, $0x18;
	v33 =	vld.idx.msk [tilespmem:v24+s9+$0x0], $0xffff;
	[tilespmem:s10+$0xFFFFFFD0] =	vst v23  }
0x2a3: {  	s8 =	sadd.s32 $0x400, s8;
	s5 =	sadd.s32 $0xFFFFFFFC, s12;
	v20 =	vor.u32 s4, v14;
	s4 =	sadd.s32 $0xFFFFFFFA, s12;
	v21 =	vld.idx.msk [tilespmem:v26+s9+$0x0], $0xffff;
	v26 =	vor.u32 s13, v14;
	[tilespmem:s10+$0xFFFFFFE0] =	vst v22  }
.Ltmp28:
0x2a4: {  	s13 =	sadd.s32 $0xFFFFFFF2, s12;
	v34 =	vor.u32 s5, v14;
	v23 =	vld.idx.msk [tilespmem:v27+s9+$0x0], $0xffff;
	v27 =	vor.u32 s4, v14;
	[tilespmem:s10+$0x0] =	vst v17;
	s10 =	sadd.s32 s17, s8;
	v17 =	vmov v25;
	(pc) =	sbr.rel @p1 .LBB2_49-.Ltmp28, $4  }
0x2a5: {  	v24 =	vor.u32 s13, v14;
	v22 =	vld.idx.msk [tilespmem:v28+s9+$0x0], $0xffff;
	[tilespmem:s10+$0xFFFFFFF0] =	vst v18;
	v28 =	vmov v34  }
0x2a6: {  	v25 =	vld.idx.msk [tilespmem:v29+s9+$0x0], $0xffff;
	[tilespmem:s10+$0xFFFFFFA0] =	vst v19  }
0x2a7: {  	v18 =	vld.idx.msk [tilespmem:v32+s9+$0x0], $0xffff;
	[tilespmem:s10+$0xFFFFFFB0] =	vst v30  }
0x2a8: {  	s12 =	sadd.s32 $0x10, s12;
	v19 =	vld.idx.msk [tilespmem:v31+s9+$0x0], $0xffff;
	[tilespmem:s10+$0xFFFFFF90] =	vst v33  }
0x2a9: {  	_ =	sdelay $0x1  }
0x2aa: {  	v29 =	vmov v17;
	v17 =	vmov v25  }
.LBB2_51:
0x2ab: {  	_ =	sdelay $0x1  }
0x2ac: {  	[tilespmem:s10+$0xFFFFFFC0] =	vst @p3 v21  }
0x2ad: {  	[tilespmem:s10+$0xFFFFFFD0] =	vst @p3 v23;
	s4 =	sadd.s32 @p3 $0x400, s8;
	s5 =	smov.u32 s30  }
0x2ae: {  	v20 =	vld.idx.msk [tilespmem:v20+s9+$0x0], $0xffff;
	[tilespmem:s10+$0xFFFFFFE0] =	vst @p3 v22;
	s5 =	smov.u32 @p3 s4  }
0x2af: {  	v21 =	vld.idx.msk [tilespmem:v24+s9+$0x0], $0xffff;
	[tilespmem:s10+$0x0] =	vst @p3 v29;
	s4 =	sadd.s32 s17, s5  }
0x2b0: {  	v22 =	vld.idx.msk [tilespmem:v26+s9+$0x0], $0xffff;
	[tilespmem:s4+$0xFFFFFFF0] =	vst v18  }
0x2b1: {  	v23 =	vld.idx.msk [tilespmem:v27+s9+$0x0], $0xffff;
	[tilespmem:s4+$0xFFFFFFA0] =	vst v19  }
0x2b2: {  	v18 =	vld.idx.msk [tilespmem:v28+s9+$0x0], $0xffff;
	[tilespmem:s4+$0x0] =	vst v17  }
0x2b3: {  	v19 =	vor.u32 s7, v15;
	[tilespmem:s4+$0xFFFFFFB0] =	vst v20  }
0x2b4: {  	[tilespmem:s4+$0xFFFFFF90] =	vst v21;
	v21 =	vor.u32 s18, v15  }
0x2b5: {  	p5 =	por $0x1, $0x1;
	[tilespmem:s4+$0xFFFFFFC0] =	vst v22;
	v22 =	vor.u32 s19, v15  }
.Ltmp29:
0x2b6: {  	[tilespmem:s4+$0xFFFFFFD0] =	vst v23;
	(pc) =	sbr.rel @!p5 .LBB2_52-.Ltmp29, $4  }
0x2b7: {  	[tilespmem:s4+$0xFFFFFFE0] =	vst v18  }
0x2b8: {  	v17 =	vld.idx.msk [tilespmem:v19+s9+$0x0], $0xffff  }
0x2b9: {  	v26 =	vor.u32 s22, v15;
	v27 =	vor.u32 s0, v15;
	v18 =	vld.idx.msk [tilespmem:v21+s9+$0x0], $0xffff  }
0x2ba: {  	v24 =	vor.u32 s6, v15;
	p3 =	por $0x0, $0x0;
	v28 =	vor.u32 s2, v15;
	v20 =	vor.u32 s21, v15;
	v19 =	vld.idx.msk [tilespmem:v22+s9+$0x0], $0xffff  }
0x2bb: {  	_ =	sdelay $0x3  }
0x2bc: {  	v29 =	vld.idx.msk [tilespmem:v20+s9+$0x0], $0xffff  }
0x2bd: {  	s0 =	simm.s32 $0x1C;
	v25 =	vor.u32 s23, v15;
	v31 =	vld.idx.msk [tilespmem:v24+s9+$0x0], $0xffff  }
0x2be: {  	s2 =	simm.s32 $0x12;
	v30 =	vor.u32 s0, v15;
	s0 =	sadd.s32 s17, s31  }
0x2bf: {  	v21 =	vld.idx.msk [tilespmem:v26+s9+$0x0], $0xffff;
	s22 =	simm.s32 $0x14;
	p1 =	por $0x1, $0x1;
	v32 =	vor.u32 s2, v15;
	[tilespmem:s0+$0xFFFFFFF0] =	vst v18  }
.Ltmp30:
0x2c0: {  	v23 =	vld.idx.msk [tilespmem:v27+s9+$0x0], $0xffff;
	s5 =	simm.s32 $0x10;
	v20 =	vor.u32 s22, v15;
	[tilespmem:s0+$0xFFFFFFA0] =	vst v19;
	(pc) =	sbr.rel @!p1 .LBB2_54-.Ltmp30, $4  }
0x2c1: {  	v22 =	vld.idx.msk [tilespmem:v28+s9+$0x0], $0xffff;
	s4 =	simm.s32 $0x16;
	v24 =	vor.u32 s5, v15;
	[tilespmem:s0+$0xFFFFFFB0] =	vst v29  }
0x2c2: {  	s23 =	simm.s32 $0x18;
	s24 =	simm.s32 $0x1A;
	v26 =	vor.u32 s4, v15;
	v25 =	vld.idx.msk [tilespmem:v25+s9+$0x0], $0xffff;
	[tilespmem:s0+$0xFFFFFF90] =	vst v31  }
0x2c3: {  	s6 =	simm.s32 $0x8;
	s7 =	simm.s32 $0x2E;
	v27 =	vor.u32 s23, v15;
	v18 =	vld.idx.msk [tilespmem:v30+s9+$0x0], $0xffff;
	s21 =	rddreg [dreg:$0x12]  }
0x2c4: {  	p6 =	por $0x1, $0x1;
	v28 =	vor.u32 s24, v15;
	s2 =	smov.u32 s31;
	v19 =	vld.idx.msk [tilespmem:v32+s9+$0x0], $0xffff;
	s22 =	rddreg [dreg:$0x15]  }
.LBB2_55:
0x2c5: {  	s4 =	sadd.s32 $0xFFFFFFF4, s7;
	s5 =	sadd.s32 $0xFFFFFFFE, s7;
	v29 =	vor.u32 s7, v15;
	s6 =	sadd.s32 $0x8, s6;
	v30 =	vld.idx.msk [tilespmem:v20+s9+$0x0], $0xffff;
	[tilespmem:s0+$0xFFFFFFC0] =	vst v21  }
0x2c6: {  	s8 =	sadd.s32 $0xFFFFFFF8, s7;
	v31 =	vor.u32 s4, v15;
	s4 =	sadd.s32 $0xFFFFFFF6, s7;
	v32 =	vor.u32 s5, v15;
	p1 =	slt.u32 s6, $0x18;
	v33 =	vld.idx.msk [tilespmem:v24+s9+$0x0], $0xffff;
	[tilespmem:s0+$0xFFFFFFD0] =	vst v23  }
0x2c7: {  	s2 =	sadd.s32 $0x400, s2;
	s5 =	sadd.s32 $0xFFFFFFFC, s7;
	v20 =	vor.u32 s4, v15;
	s4 =	sadd.s32 $0xFFFFFFFA, s7;
	v21 =	vld.idx.msk [tilespmem:v26+s9+$0x0], $0xffff;
	v26 =	vor.u32 s8, v15;
	[tilespmem:s0+$0xFFFFFFE0] =	vst v22  }
.Ltmp31:
0x2c8: {  	s8 =	sadd.s32 $0xFFFFFFF2, s7;
	v34 =	vor.u32 s5, v15;
	v23 =	vld.idx.msk [tilespmem:v27+s9+$0x0], $0xffff;
	v27 =	vor.u32 s4, v15;
	[tilespmem:s0+$0x0] =	vst v17;
	s0 =	sadd.s32 s17, s2;
	v17 =	vmov v25;
	(pc) =	sbr.rel @p1 .LBB2_55-.Ltmp31, $4  }
0x2c9: {  	v24 =	vor.u32 s8, v15;
	v22 =	vld.idx.msk [tilespmem:v28+s9+$0x0], $0xffff;
	[tilespmem:s0+$0xFFFFFFF0] =	vst v18;
	v28 =	vmov v34  }
0x2ca: {  	v25 =	vld.idx.msk [tilespmem:v29+s9+$0x0], $0xffff;
	[tilespmem:s0+$0xFFFFFFA0] =	vst v19  }
0x2cb: {  	v18 =	vld.idx.msk [tilespmem:v32+s9+$0x0], $0xffff;
	[tilespmem:s0+$0xFFFFFFB0] =	vst v30  }
0x2cc: {  	s7 =	sadd.s32 $0x10, s7;
	v19 =	vld.idx.msk [tilespmem:v31+s9+$0x0], $0xffff;
	[tilespmem:s0+$0xFFFFFF90] =	vst v33  }
0x2cd: {  	_ =	sdelay $0x1  }
0x2ce: {  	v29 =	vmov v17;
	s23 =	rddreg [dreg:$0x16];
	v17 =	vmov v25  }
.LBB2_57:
0x2cf: {  	_ =	sdelay $0x1  }
0x2d0: {  	[tilespmem:s0+$0xFFFFFFC0] =	vst @p6 v21  }
0x2d1: {  	[tilespmem:s0+$0xFFFFFFD0] =	vst @p6 v23;
	s2 =	sadd.s32 @p6 $0x400, s2;
	s4 =	smov.u32 s31  }
0x2d2: {  	v20 =	vld.idx.msk [tilespmem:v20+s9+$0x0], $0xffff;
	[tilespmem:s0+$0xFFFFFFE0] =	vst @p6 v22;
	s4 =	smov.u32 @p6 s2  }
0x2d3: {  	v21 =	vld.idx.msk [tilespmem:v24+s9+$0x0], $0xffff;
	[tilespmem:s0+$0x0] =	vst @p6 v29;
	s2 =	sadd.s32 s17, s4  }
0x2d4: {  	v22 =	vld.idx.msk [tilespmem:v26+s9+$0x0], $0xffff;
	[tilespmem:s2+$0xFFFFFFF0] =	vst v18  }
0x2d5: {  	v23 =	vld.idx.msk [tilespmem:v27+s9+$0x0], $0xffff;
	[tilespmem:s2+$0xFFFFFFA0] =	vst v19  }
0x2d6: {  	s10 =	simm.s32 $0xE;
	v18 =	vld.idx.msk [tilespmem:v28+s9+$0x0], $0xffff;
	[tilespmem:s2+$0x0] =	vst v17  }
0x2d7: {  	s11 =	simm.s32 $0xC;
	v19 =	vor.u32 s10, v16;
	[tilespmem:s2+$0xFFFFFFB0] =	vst v20  }
0x2d8: {  	s12 =	simm.s32 $0x2;
	[tilespmem:s2+$0xFFFFFF90] =	vst v21;
	v21 =	vor.u32 s11, v16  }
0x2d9: {  	[tilespmem:s2+$0xFFFFFFC0] =	vst v22;
	v22 =	vor.u32 s12, v16  }
.Ltmp32:
0x2da: {  	[tilespmem:s2+$0xFFFFFFD0] =	vst v23;
	(pc) =	sbr.rel @!p5 .LBB2_58-.Ltmp32, $4  }
0x2db: {  	[tilespmem:s2+$0xFFFFFFE0] =	vst v18  }
0x2dc: {  	s14 =	simm.s32 $0x6;
	s18 =	simm.s32 $0x8;
	v17 =	vld.idx.msk [tilespmem:v19+s9+$0x0], $0xffff  }
0x2dd: {  	s13 =	simm.s32 $0x4;
	s19 =	simm.s32 $0xA;
	s24 =	simm.s32 $0x0;
	v26 =	vor.u32 s14, v16;
	v27 =	vor.u32 s18, v16;
	v18 =	vld.idx.msk [tilespmem:v21+s9+$0x0], $0xffff  }
0x2de: {  	s0 =	simm.s32 $0x1E;
	v24 =	vor.u32 s24, v16;
	v28 =	vor.u32 s19, v16;
	v20 =	vor.u32 s13, v16;
	v19 =	vld.idx.msk [tilespmem:v22+s9+$0x0], $0xffff  }
0x2df: {  	_ =	sdelay $0x3  }
0x2e0: {  	s2 =	simm.s32 $0x1C;
	v25 =	vor.u32 s0, v16;
	v29 =	vld.idx.msk [tilespmem:v20+s9+$0x0], $0xffff  }
0x2e1: {  	s14 =	simm.s32 $0x12;
	v31 =	vld.idx.msk [tilespmem:v24+s9+$0x0], $0xffff;
	v30 =	vor.u32 s2, v16  }
0x2e2: {  	v21 =	vld.idx.msk [tilespmem:v26+s9+$0x0], $0xffff;
	s18 =	simm.s32 $0x14;
	p1 =	por $0x1, $0x1;
	v32 =	vor.u32 s14, v16  }
.Ltmp33:
0x2e3: {  	s0 =	sadd.s32 s17, s1;
	v23 =	vld.idx.msk [tilespmem:v27+s9+$0x0], $0xffff;
	s5 =	simm.s32 $0x10;
	v20 =	vor.u32 s18, v16;
	(pc) =	sbr.rel @!p1 .LBB2_60-.Ltmp33, $4  }
0x2e4: {  	v22 =	vld.idx.msk [tilespmem:v28+s9+$0x0], $0xffff;
	s4 =	simm.s32 $0x16;
	v24 =	vor.u32 s5, v16;
	[tilespmem:s0+$0xFFFFFFF0] =	vst v18  }
0x2e5: {  	s19 =	simm.s32 $0x18;
	v26 =	vor.u32 s4, v16;
	[tilespmem:s0+$0xFFFFFFA0] =	vst v19;
	v25 =	vld.idx.msk [tilespmem:v25+s9+$0x0], $0xffff  }
0x2e6: {  	s24 =	simm.s32 $0x1A;
	s6 =	simm.s32 $0x8;
	v27 =	vor.u32 s19, v16;
	[tilespmem:s0+$0xFFFFFFB0] =	vst v29;
	v18 =	vld.idx.msk [tilespmem:v30+s9+$0x0], $0xffff  }
0x2e7: {  	s7 =	simm.s32 $0x2E;
	p3 =	por $0x1, $0x1;
	v28 =	vor.u32 s24, v16;
	s2 =	smov.u32 s1;
	[tilespmem:s0+$0xFFFFFF90] =	vst v31;
	v19 =	vld.idx.msk [tilespmem:v32+s9+$0x0], $0xffff  }
.LBB2_61:
0x2e8: {  	s4 =	sadd.s32 $0xFFFFFFF4, s7;
	s5 =	sadd.s32 $0xFFFFFFFE, s7;
	v29 =	vor.u32 s7, v16;
	s6 =	sadd.s32 $0x8, s6;
	v30 =	vld.idx.msk [tilespmem:v20+s9+$0x0], $0xffff;
	[tilespmem:s0+$0xFFFFFFC0] =	vst v21  }
0x2e9: {  	s8 =	sadd.s32 $0xFFFFFFF8, s7;
	v31 =	vor.u32 s4, v16;
	s4 =	sadd.s32 $0xFFFFFFF6, s7;
	v32 =	vor.u32 s5, v16;
	p1 =	slt.u32 s6, $0x18;
	v33 =	vld.idx.msk [tilespmem:v24+s9+$0x0], $0xffff;
	[tilespmem:s0+$0xFFFFFFD0] =	vst v23  }
0x2ea: {  	s2 =	sadd.s32 $0x400, s2;
	s5 =	sadd.s32 $0xFFFFFFFC, s7;
	v20 =	vor.u32 s4, v16;
	s4 =	sadd.s32 $0xFFFFFFFA, s7;
	v21 =	vld.idx.msk [tilespmem:v26+s9+$0x0], $0xffff;
	v26 =	vor.u32 s8, v16;
	[tilespmem:s0+$0xFFFFFFE0] =	vst v22  }
.Ltmp34:
0x2eb: {  	s8 =	sadd.s32 $0xFFFFFFF2, s7;
	v34 =	vor.u32 s5, v16;
	v23 =	vld.idx.msk [tilespmem:v27+s9+$0x0], $0xffff;
	v27 =	vor.u32 s4, v16;
	[tilespmem:s0+$0x0] =	vst v17;
	s0 =	sadd.s32 s17, s2;
	v17 =	vmov v25;
	(pc) =	sbr.rel @p1 .LBB2_61-.Ltmp34, $4  }
0x2ec: {  	v24 =	vor.u32 s8, v16;
	v22 =	vld.idx.msk [tilespmem:v28+s9+$0x0], $0xffff;
	[tilespmem:s0+$0xFFFFFFF0] =	vst v18;
	v28 =	vmov v34  }
0x2ed: {  	v25 =	vld.idx.msk [tilespmem:v29+s9+$0x0], $0xffff;
	[tilespmem:s0+$0xFFFFFFA0] =	vst v19  }
0x2ee: {  	v18 =	vld.idx.msk [tilespmem:v32+s9+$0x0], $0xffff;
	[tilespmem:s0+$0xFFFFFFB0] =	vst v30  }
0x2ef: {  	s7 =	sadd.s32 $0x10, s7;
	v19 =	vld.idx.msk [tilespmem:v31+s9+$0x0], $0xffff;
	[tilespmem:s0+$0xFFFFFF90] =	vst v33  }
.Ltmp35:
0x2f0: {  	(pc) =	sbr.rel .LBB2_63-.Ltmp35, $2  }
0x2f1: {  	_ =	sdelay $0x2  }
0x2f2: {  	v29 =	vmov v17;
	v17 =	vmov v25  }
.LBB2_28:
.Ltmp36:
0x2f3: {  	s15 =	rddreg [dreg:$0x2];
	(pc) =	sbr.rel .LBB2_33-.Ltmp36, $4  }
0x2f4: {  	s16 =	rddreg [dreg:$0x4]  }
0x2f5: {  	s20 =	rddreg [dreg:$0x7]  }
0x2f6: {  	s2 =	smov.u32 s29;
	s26 =	rddreg [dreg:$0x13]  }
0x2f7: {  	p6 =	por $0x0, $0x0;
	s25 =	smov.u32 s28;
	s28 =	rddreg [dreg:$0x14]  }
.LBB2_34:
.Ltmp37:
0x2f8: {  	(pc) =	sbr.rel .LBB2_39-.Ltmp37, $2  }
0x2f9: {  	_ =	sdelay $0x2  }
0x2fa: {  	s8 =	smov.u32 s26  }
.LBB2_40:
.Ltmp38:
0x2fb: {  	(pc) =	sbr.rel .LBB2_45-.Ltmp38, $2  }
0x2fc: {  	_ =	sdelay $0x2  }
0x2fd: {  	s2 =	smov.u32 s28;
	p6 =	por $0x0, $0x0  }
.LBB2_46:
.Ltmp39:
0x2fe: {  	(pc) =	sbr.rel .LBB2_51-.Ltmp39, $2  }
0x2ff: {  	_ =	sdelay $0x2  }
0x300: {  	s8 =	smov.u32 s30  }
.LBB2_52:
.Ltmp40:
0x301: {  	(pc) =	sbr.rel .LBB2_57-.Ltmp40, $4  }
0x302: {  	_ = 	snop  }
0x303: {  	s21 =	rddreg [dreg:$0x12]  }
0x304: {  	s22 =	rddreg [dreg:$0x15]  }
0x305: {  	s2 =	smov.u32 s31;
	p6 =	por $0x0, $0x0;
	s23 =	rddreg [dreg:$0x16]  }
.LBB2_30:
.Ltmp41:
0x306: {  	(pc) =	sbr.rel .LBB2_33-.Ltmp41, $4  }
0x307: {  	_ = 	snop  }
0x308: {  	s15 =	rddreg [dreg:$0x2]  }
0x309: {  	s16 =	rddreg [dreg:$0x4]  }
0x30a: {  	v29 =	vmov v17;
	s2 =	smov.u32 s29;
	s28 =	rddreg [dreg:$0x14];
	v17 =	vmov v26  }
.LBB2_36:
.Ltmp42:
0x30b: {  	(pc) =	sbr.rel .LBB2_39-.Ltmp42, $2  }
0x30c: {  	_ =	sdelay $0x2  }
0x30d: {  	v29 =	vmov v17;
	s8 =	smov.u32 s26;
	v17 =	vmov v25  }
.LBB2_42:
.Ltmp43:
0x30e: {  	(pc) =	sbr.rel .LBB2_45-.Ltmp43, $2  }
0x30f: {  	_ =	sdelay $0x2  }
0x310: {  	v29 =	vmov v17;
	s2 =	smov.u32 s28;
	v17 =	vmov v25  }
.LBB2_48:
.Ltmp44:
0x311: {  	(pc) =	sbr.rel .LBB2_51-.Ltmp44, $2  }
0x312: {  	_ =	sdelay $0x2  }
0x313: {  	v29 =	vmov v17;
	s8 =	smov.u32 s30;
	v17 =	vmov v25  }
.LBB2_54:
.Ltmp45:
0x314: {  	(pc) =	sbr.rel .LBB2_57-.Ltmp45, $2  }
0x315: {  	_ =	sdelay $0x2  }
0x316: {  	v29 =	vmov v17;
	s2 =	smov.u32 s31;
	s23 =	rddreg [dreg:$0x16];
	v17 =	vmov v25  }
.LBB2_60:
.Ltmp46:
0x317: {  	(pc) =	sbr.rel .LBB2_63-.Ltmp46, $2  }
0x318: {  	_ =	sdelay $0x2  }
0x319: {  	v29 =	vmov v17;
	s2 =	smov.u32 s1;
	v17 =	vmov v25  }
.LBB2_66:
0x31a: {  	_ =	sfence.sel $0x180000  }
0x31b: {  	[bflag:$0x0] =	sbarrier.arrive $0xFFFF  }
0x31c: {  	_ =	strace $0x90000047  }
0x31d: {  	s0 =	stileid.u32;
	[bflag:$0x2] =	sbarrier.arrive $0xFFFF  }
0x31e: {  	p0 =	sne.s32 s0, $0x0;
	s0 =	rddreg [dreg:$0x3]  }
0x31f: {  	s0 =	sadd.s32 @!p0 $0x100000, s0  }
0x320: {  	[sflag:s0] =	ssyncadd.tile.s32 @!p0 $0x1;
	_ =	shalt  }
.Lfunc_end2:
_tile_overlayer_lowered:
.L_overlay_start_2:
0x321: {  	(tag) =	ssettag $0x2  }
0x322: {  	s0 =	rddreg [dreg:$0x0];
	s2 =	stileid.u32  }
0x323: {  	s1 =	rddreg [dreg:$0x1];
	p0 =	sne.s32 s2, $0x0  }
0x324: {  	s3 =	rddreg [dreg:$0x2];
	[bflag:$0x3] =	sbarrier.arrive $0xFFFF;
	s2 =	simm.s32 @!p0 $0x1C07  }
0x325: {  	[timem:s3], [sflag:s2] =	dma.local @!p0 [hbm:s0], s1  }
0x326: {  	s0 =	simm.s32 @!p0 $0x7  }
0x327: {  	_ =	swait.ge @!p0 [sflag:s0], s1  }
0x328: {  	s1 =	ssub.s32 @!p0 $0x0, s1;
	[sflag:s0] =	ssyncset.done @!p0 $0x0  }
0x329: {  	[sflag:s0] =	ssyncadd.s32 @!p0 s1  }
0x32a: {  	[bflag:$0x3] =	sbarrier.arrive $0xFFFF  }
0x32b: {  	_ =	shalt  }

</sc_bundles>
